<compile_context>
chip_gen: v7x
topology: tpu7x:2x2x1
jax: 0.10.2.dev20260603
libtpu: 0.0.44.dev20260713+nightly
codegen_flags: <defaults>
</compile_context>

<pallas_src>
import functools

import jax
import jax.numpy as jnp
from jax import lax
from jax.experimental import pallas as pl
from jax.experimental.pallas import tpu as pltpu
from jax.experimental.pallas import tpu_sc as plsc

_C = 512
_CS = 28
_SPLIT = 256
_CF = 256


def _copy_patch_body(start_ref, src_ref, upd_ref, out_ref, blk=_C):
    sj = pl.program_id(1)
    off = sj * blk
    out_ref[...] = src_ref[...]
    start = start_ref[0]
    l = upd_ref.shape[1]
    for r in range(l):
        tr = start + r - off

        @pl.when(jnp.logical_and(tr >= 0, tr < blk))
        def _(tr=tr, r=r):
            out_ref[0, 0, pl.ds(tr, 1)] = upd_ref[0, pl.ds(r, 1)]


def _tc_k_copy_patch(cache, upd, start):
    b, _, s, h, d = cache.shape
    l = upd.shape[1]
    cache_spec = pl.BlockSpec((1, 1, _C, h, d), lambda i, j: (i, 0, j, 0, 0))
    upd_spec = pl.BlockSpec((1, l, h, d), lambda i, j: (i, 0, 0, 0))
    return pl.pallas_call(
        _copy_patch_body,
        grid=(b, s // _C),
        in_specs=[
            pl.BlockSpec(memory_space=pltpu.MemorySpace.SMEM),
            cache_spec,
            upd_spec,
        ],
        out_specs=cache_spec,
        out_shape=jax.ShapeDtypeStruct(cache.shape, cache.dtype),
    )(start, cache, upd)


def _vfront_body(start_ref, vbuf_ref, src_ref, upd_ref, out_ref):
    _copy_patch_body(start_ref, src_ref, upd_ref, out_ref, blk=_CF)


def _tc_vfront(vbuf, cache, upd, start):
    b, _, s, h, d = cache.shape
    l = upd.shape[1]
    cache_spec = pl.BlockSpec((1, 1, _CF, h, d), lambda i, j, sref: (i, 0, j, 0, 0))
    upd_spec = pl.BlockSpec((1, l, h, d), lambda i, j, sref: (i, 0, 0, 0))
    grid_spec = pltpu.PrefetchScalarGridSpec(
        num_scalar_prefetch=1,
        grid=(b, _SPLIT // _CF),
        in_specs=[
            pl.BlockSpec(memory_space=pltpu.MemorySpace.HBM),
            cache_spec,
            upd_spec,
        ],
        out_specs=cache_spec,
    )
    return pl.pallas_call(
        _vfront_body,
        grid_spec=grid_spec,
        out_shape=jax.ShapeDtypeStruct(cache.shape, cache.dtype),
        input_output_aliases={1: 0},
    )(start, vbuf, cache, upd)


def _sc_copy_body(nb, npb, src, dst, b0, b1, sr0, sr1, sw0, sw1):
    cid = lax.axis_index("c")
    sid = lax.axis_index("s")
    wid = sid * 2 + cid
    bi = wid // npb
    s0 = _SPLIT + (wid % npb) * (nb * _CS)
    bufs = (b0, b1)
    rsems = (sr0, sr1)
    wsems = (sw0, sw1)

    def rd(i):
        return pltpu.make_async_copy(
            src.at[pl.ds(bi, 1), 0, pl.ds(s0 + i * _CS, _CS)],
            bufs[i % 2], rsems[i % 2])

    def wr(i):
        return pltpu.make_async_copy(
            bufs[i % 2],
            dst.at[pl.ds(bi, 1), 0, pl.ds(s0 + i * _CS, _CS)], wsems[i % 2])

    rd(0).start()
    for i in range(nb):
        rd(i).wait()
        wr(i).start()
        if i + 1 < nb:
            if i >= 1:
                wr(i - 1).wait()
            rd(i + 1).start()
    if nb >= 2:
        wr(nb - 2).wait()
    wr(nb - 1).wait()


def _sc_copy(cache):
    b, _, s, h, d = cache.shape
    info = plsc.get_sparse_core_info()
    nw = info.num_cores * info.num_subcores
    npb = nw // b
    nb = (s - _SPLIT) // (npb * _CS)
    mesh = plsc.VectorSubcoreMesh(core_axis_name="c", subcore_axis_name="s")
    fn = functools.partial(
        pl.kernel,
        out_type=jax.ShapeDtypeStruct(cache.shape, cache.dtype),
        mesh=mesh,
        scratch_types=[
            pltpu.VMEM((1, _CS, h, d), cache.dtype),
            pltpu.VMEM((1, _CS, h, d), cache.dtype),
            pltpu.SemaphoreType.DMA,
            pltpu.SemaphoreType.DMA,
            pltpu.SemaphoreType.DMA,
            pltpu.SemaphoreType.DMA,
        ],
    )(functools.partial(_sc_copy_body, nb, npb))
    return fn(cache)


def _back_patch_body(vbuf_ref, val_ref, start_ref, vo_ref, sems):
    b = val_ref.shape[0]
    l = val_ref.shape[1]
    start = start_ref[0]

    @pl.when(start + l > _SPLIT)
    def _():
        for i in range(b):
            pltpu.make_async_copy(
                val_ref.at[pl.ds(i, 1)],
                vo_ref.at[pl.ds(i, 1), 0, pl.ds(start, l)], sems.at[i]).start()
        for i in range(b):
            pltpu.make_async_copy(
                val_ref.at[pl.ds(i, 1)],
                vo_ref.at[pl.ds(i, 1), 0, pl.ds(start, l)], sems.at[i]).wait()


def _tc_back_patch(vbuf, upd, start):
    b = upd.shape[0]
    return pl.pallas_call(
        _back_patch_body,
        in_specs=[
            pl.BlockSpec(memory_space=pltpu.MemorySpace.HBM),
            pl.BlockSpec(memory_space=pltpu.MemorySpace.VMEM),
            pl.BlockSpec(memory_space=pltpu.MemorySpace.SMEM),
        ],
        out_specs=pl.BlockSpec(memory_space=pltpu.MemorySpace.HBM),
        out_shape=jax.ShapeDtypeStruct(vbuf.shape, vbuf.dtype),
        scratch_shapes=[pltpu.SemaphoreType.DMA((b,))],
        input_output_aliases={0: 0},
    )(vbuf, upd, start)


def kernel(use_cache, k_cache, v_cache, key, value, pos, pos_end):
    b, _, s, h, d = k_cache.shape
    l = key.shape[1]
    start = jnp.where(use_cache != 0, s - l, pos) + (pos_end - pos - l)
    start = jnp.asarray(start, jnp.int32).reshape(1)
    v_buf = _sc_copy(v_cache)
    k_out = _tc_k_copy_patch(k_cache, key, start)
    v_mid = _tc_vfront(v_buf, v_cache, value, start)
    v_out = _tc_back_patch(v_mid, value, start)
    return (k_out, v_out)

# --- scband reference (transcript-rebuilt; emitter-appended) ---
"""Pipeline reference for scband-update-cache-33861522161751 (READ-ONLY COPY).

The authoritative reference and input builder live on the scoring server;
editing this copy changes nothing except your own understanding.
"""

import jax, jax.numpy as jnp
import numpy as np

B, S, H, D = 8, 2048, 16, 128
L = 16
POS, POS_END = 512, 528


def setup_inputs() -> dict:
    key0 = jax.random.key(0)
    k1, k2, k3, k4 = jax.random.split(key0, 4)
    return {
        "use_cache": 0,
        "k_cache": jax.random.normal(k1, (B, 1, S, H, D), dtype=jnp.float32),
        "v_cache": jax.random.normal(k2, (B, 1, S, H, D), dtype=jnp.float32),
        "key": jax.random.normal(k3, (B, L, H, D), dtype=jnp.float32),
        "value": jax.random.normal(k4, (B, L, H, D), dtype=jnp.float32),
        "pos": POS,
        "pos_end": POS_END,
    }


def reference(use_cache, k_cache, v_cache, key, value, pos, pos_end):
    # Faithful translation of torch in-place slice assignment to jax
    # functional scatter-overwrite, restructured as a fixed-shape
    # dynamic-slice update with a traced start index.
    upd_len = key.shape[1]
    start = jnp.where(use_cache, k_cache.shape[2] - upd_len, pos)
    start = start + (pos_end - pos - upd_len)
    k_cache = jax.lax.dynamic_update_slice(
        k_cache, key[:, None, :, :, :], (0, 0, start, 0, 0)
    )
    v_cache = jax.lax.dynamic_update_slice(
        v_cache, value[:, None, :, :, :], (0, 0, start, 0, 0)
    )
    return (k_cache, v_cache)

if __name__ == "__main__":
    import jax
    _d = setup_inputs()
    print(jax.jit(kernel)(*tuple(_d.values())))

</pallas_src>

<mosaic_0001>
#map = affine_map<(d0, d1) -> (0, 0, 0, 0, 0)>
module attributes {stable_mosaic.version = 14 : i64} {
  func.func @_sc_copy_body(%arg0: i32, %arg1: i32, %arg2: memref<8x1x2048x16x128xf32, #tpu.memory_space<hbm>>, %arg3: memref<8x1x2048x16x128xf32, #tpu.memory_space<hbm>>, %arg4: memref<1x28x16x128xf32, #tpu.memory_space<vmem>>, %arg5: memref<1x28x16x128xf32, #tpu.memory_space<vmem>>, %arg6: memref<!tpu.dma_semaphore, #tpu.memory_space<semaphore_mem>>, %arg7: memref<!tpu.dma_semaphore, #tpu.memory_space<semaphore_mem>>, %arg8: memref<!tpu.dma_semaphore, #tpu.memory_space<semaphore_mem>>, %arg9: memref<!tpu.dma_semaphore, #tpu.memory_space<semaphore_mem>>) attributes {dimension_semantics = [#tpu.dimension_semantics<core_parallel>, #tpu.dimension_semantics<subcore_parallel>], iteration_bounds = array<i64: 2, 16>, scalar_prefetch = 0 : i64, scratch_operands = 6 : i64, tpu.core_type = #tpu.core_type<sc_vector_subcore>, window_params = [{transform_indices = #map}, {transform_indices = #map}]} {
    %mul3A = arith.constant 2 : i32
    %mul3A_0 = arith.muli %arg1, %mul3A : i32
    %add3A = arith.addi %mul3A_0, %arg0 : i32
    %jit3A = arith.constant 4 : i32
    %div3A = arith.divsi %add3A, %jit3A : i32
    %sign3A = arith.constant 0 : i32
    %sign3A_1 = arith.cmpi sgt, %add3A, %sign3A : i32
    %sign3A_2 = arith.extui %sign3A_1 : i1 to i32
    %sign3A_3 = arith.constant 0 : i32
    %sign3A_4 = arith.cmpi slt, %add3A, %sign3A_3 : i32
    %sign3A_5 = arith.extui %sign3A_4 : i1 to i32
    %sign3A_6 = arith.subi %sign3A_2, %sign3A_5 : i32
    %sign3A_7 = arith.constant 0 : i32
    %sign3A_8 = arith.cmpi sgt, %jit3A, %sign3A_7 : i32
    %sign3A_9 = arith.extui %sign3A_8 : i1 to i32
    %sign3A_10 = arith.constant 0 : i32
    %sign3A_11 = arith.cmpi slt, %jit3A, %sign3A_10 : i32
    %sign3A_12 = arith.extui %sign3A_11 : i1 to i32
    %sign3A_13 = arith.subi %sign3A_9, %sign3A_12 : i32
    %ne3A = arith.cmpi ne, %sign3A_6, %sign3A_13 : i32
    %rem3A = arith.remsi %add3A, %jit3A : i32
    %ne3A_14 = arith.constant 0 : i32
    %ne3A_15 = arith.cmpi ne, %rem3A, %ne3A_14 : i32
    %and3A = arith.andi %ne3A, %ne3A_15 : i1
    %sub3A = arith.constant 1 : i32
    %sub3A_16 = arith.subi %div3A, %sub3A : i32
    %select_n3A = arith.select %and3A, %sub3A_16, %div3A : i32
    %jit3A_17 = arith.constant 4 : i32
    %eq3A = arith.constant 0 : i32
    %eq3A_18 = arith.cmpi eq, %jit3A_17, %eq3A : i32
    %jit3A_19 = arith.constant 1 : i32
    %select_n3A_20 = arith.select %eq3A_18, %jit3A_19, %jit3A_17 : i32
    %rem3A_21 = arith.remsi %add3A, %select_n3A_20 : i32
    %ne3A_22 = arith.constant 0 : i32
    %ne3A_23 = arith.cmpi ne, %rem3A_21, %ne3A_22 : i32
    %lt3A = arith.constant 0 : i32
    %lt3A_24 = arith.cmpi slt, %rem3A_21, %lt3A : i32
    %lt3A_25 = arith.constant 0 : i32
    %lt3A_26 = arith.cmpi slt, %select_n3A_20, %lt3A_25 : i32
    %ne3A_27 = arith.xori %lt3A_24, %lt3A_26 : i1
    %and3A_28 = arith.andi %ne3A_27, %ne3A_23 : i1
    %add3A_29 = arith.addi %rem3A_21, %select_n3A_20 : i32
    %select_n3A_30 = arith.select %and3A_28, %add3A_29, %rem3A_21 : i32
    %mul3A_31 = arith.constant 448 : i32
    %mul3A_32 = arith.muli %select_n3A_30, %mul3A_31 : i32
    %add3A_33 = arith.constant 256 : i32
    %add3A_34 = arith.addi %add3A_33, %mul3A_32 : i32
    %add3A_35 = arith.constant 0 : i32
    %add3A_36 = arith.addi %add3A_34, %add3A_35 : i32
    %dma_start3A = arith.constant 0 : i32
    %dma_start3A_37 = arith.constant 0 : i32
    %dma_start3A_38 = arith.constant 0 : i32
    %dma_start3A_39 = tpu.memref_slice %arg2[%select_n3A, %dma_start3A, %add3A_36, %dma_start3A_37, %dma_start3A_38] : memref<8x1x2048x16x128xf32, #tpu.memory_space<hbm>> -> memref<1x1x28x16x128xf32, #tpu.memory_space<hbm>>
    %dma_start3A_40 = tpu.memref_squeeze %dma_start3A_39 : memref<1x1x28x16x128xf32, #tpu.memory_space<hbm>> -> memref<1x28x16x128xf32, #tpu.memory_space<hbm>>
    %dma_start3A_41 = arith.constant 0 : i32
    %dma_start3A_42 = arith.constant 0 : i32
    %dma_start3A_43 = tpu.memref_slice %arg2[%select_n3A, %dma_start3A, %add3A_36, %dma_start3A_41, %dma_start3A_42] : memref<8x1x2048x16x128xf32, #tpu.memory_space<hbm>> -> memref<1x1x28x16x128xf32, #tpu.memory_space<hbm>>
    %dma_start3A_44 = tpu.memref_squeeze %dma_start3A_43 : memref<1x1x28x16x128xf32, #tpu.memory_space<hbm>> -> memref<1x28x16x128xf32, #tpu.memory_space<hbm>>
    tpu.enqueue_dma source(%dma_start3A_44 : memref<1x28x16x128xf32, #tpu.memory_space<hbm>>) target(%arg4 : memref<1x28x16x128xf32, #tpu.memory_space<vmem>>) target_semaphore(%arg6 : memref<!tpu.dma_semaphore, #tpu.memory_space<semaphore_mem>>)
    %add3A_45 = arith.constant 0 : i32
    %add3A_46 = arith.addi %add3A_34, %add3A_45 : i32
    %dma_wait3A = arith.constant 0 : i32
    %dma_wait3A_47 = arith.constant 0 : i32
    %dma_wait3A_48 = arith.constant 0 : i32
    %dma_wait3A_49 = tpu.memref_slice %arg2[%select_n3A, %dma_wait3A, %add3A_46, %dma_wait3A_47, %dma_wait3A_48] : memref<8x1x2048x16x128xf32, #tpu.memory_space<hbm>> -> memref<1x1x28x16x128xf32, #tpu.memory_space<hbm>>
    %dma_wait3A_50 = tpu.memref_squeeze %dma_wait3A_49 : memref<1x1x28x16x128xf32, #tpu.memory_space<hbm>> -> memref<1x28x16x128xf32, #tpu.memory_space<hbm>>
    %dma_wait3A_51 = arith.constant 0 : i32
    %dma_wait3A_52 = arith.constant 0 : i32
    %dma_wait3A_53 = tpu.memref_slice %arg2[%select_n3A, %dma_wait3A, %add3A_46, %dma_wait3A_51, %dma_wait3A_52] : memref<8x1x2048x16x128xf32, #tpu.memory_space<hbm>> -> memref<1x1x28x16x128xf32, #tpu.memory_space<hbm>>
    %dma_wait3A_54 = tpu.memref_squeeze %dma_wait3A_53 : memref<1x1x28x16x128xf32, #tpu.memory_space<hbm>> -> memref<1x28x16x128xf32, #tpu.memory_space<hbm>>
    tpu.wait_dma2 semaphore(%arg6 : memref<!tpu.dma_semaphore, #tpu.memory_space<semaphore_mem>>) src(%dma_wait3A_54 : memref<1x28x16x128xf32, #tpu.memory_space<hbm>>) dst(%arg4 : memref<1x28x16x128xf32, #tpu.memory_space<vmem>>)
    %add3A_55 = arith.constant 0 : i32
    %add3A_56 = arith.addi %add3A_34, %add3A_55 : i32
    %dma_start3A_57 = arith.constant 0 : i32
    %dma_start3A_58 = arith.constant 0 : i32
    %dma_start3A_59 = arith.constant 0 : i32
    %dma_start3A_60 = tpu.memref_slice %arg3[%select_n3A, %dma_start3A_57, %add3A_56, %dma_start3A_58, %dma_start3A_59] : memref<8x1x2048x16x128xf32, #tpu.memory_space<hbm>> -> memref<1x1x28x16x128xf32, #tpu.memory_space<hbm>>
    %dma_start3A_61 = tpu.memref_squeeze %dma_start3A_60 : memref<1x1x28x16x128xf32, #tpu.memory_space<hbm>> -> memref<1x28x16x128xf32, #tpu.memory_space<hbm>>
    %dma_start3A_62 = arith.constant 0 : i32
    %dma_start3A_63 = arith.constant 0 : i32
    %dma_start3A_64 = tpu.memref_slice %arg3[%select_n3A, %dma_start3A_57, %add3A_56, %dma_start3A_62, %dma_start3A_63] : memref<8x1x2048x16x128xf32, #tpu.memory_space<hbm>> -> memref<1x1x28x16x128xf32, #tpu.memory_space<hbm>>
    %dma_start3A_65 = tpu.memref_squeeze %dma_start3A_64 : memref<1x1x28x16x128xf32, #tpu.memory_space<hbm>> -> memref<1x28x16x128xf32, #tpu.memory_space<hbm>>
    tpu.enqueue_dma source(%arg4 : memref<1x28x16x128xf32, #tpu.memory_space<vmem>>) target(%dma_start3A_65 : memref<1x28x16x128xf32, #tpu.memory_space<hbm>>) target_semaphore(%arg8 : memref<!tpu.dma_semaphore, #tpu.memory_space<semaphore_mem>>)
    %add3A_66 = arith.constant 28 : i32
    %add3A_67 = arith.addi %add3A_34, %add3A_66 : i32
    %dma_start3A_68 = arith.constant 0 : i32
    %dma_start3A_69 = arith.constant 0 : i32
    %dma_start3A_70 = arith.constant 0 : i32
    %dma_start3A_71 = tpu.memref_slice %arg2[%select_n3A, %dma_start3A_68, %add3A_67, %dma_start3A_69, %dma_start3A_70] : memref<8x1x2048x16x128xf32, #tpu.memory_space<hbm>> -> memref<1x1x28x16x128xf32, #tpu.memory_space<hbm>>
    %dma_start3A_72 = tpu.memref_squeeze %dma_start3A_71 : memref<1x1x28x16x128xf32, #tpu.memory_space<hbm>> -> memref<1x28x16x128xf32, #tpu.memory_space<hbm>>
    %dma_start3A_73 = arith.constant 0 : i32
    %dma_start3A_74 = arith.constant 0 : i32
    %dma_start3A_75 = tpu.memref_slice %arg2[%select_n3A, %dma_start3A_68, %add3A_67, %dma_start3A_73, %dma_start3A_74] : memref<8x1x2048x16x128xf32, #tpu.memory_space<hbm>> -> memref<1x1x28x16x128xf32, #tpu.memory_space<hbm>>
    %dma_start3A_76 = tpu.memref_squeeze %dma_start3A_75 : memref<1x1x28x16x128xf32, #tpu.memory_space<hbm>> -> memref<1x28x16x128xf32, #tpu.memory_space<hbm>>
    tpu.enqueue_dma source(%dma_start3A_76 : memref<1x28x16x128xf32, #tpu.memory_space<hbm>>) target(%arg5 : memref<1x28x16x128xf32, #tpu.memory_space<vmem>>) target_semaphore(%arg7 : memref<!tpu.dma_semaphore, #tpu.memory_space<semaphore_mem>>)
    %add3A_77 = arith.constant 28 : i32
    %add3A_78 = arith.addi %add3A_34, %add3A_77 : i32
    %dma_wait3A_79 = arith.constant 0 : i32
    %dma_wait3A_80 = arith.constant 0 : i32
    %dma_wait3A_81 = arith.constant 0 : i32
    %dma_wait3A_82 = tpu.memref_slice %arg2[%select_n3A, %dma_wait3A_79, %add3A_78, %dma_wait3A_80, %dma_wait3A_81] : memref<8x1x2048x16x128xf32, #tpu.memory_space<hbm>> -> memref<1x1x28x16x128xf32, #tpu.memory_space<hbm>>
    %dma_wait3A_83 = tpu.memref_squeeze %dma_wait3A_82 : memref<1x1x28x16x128xf32, #tpu.memory_space<hbm>> -> memref<1x28x16x128xf32, #tpu.memory_space<hbm>>
    %dma_wait3A_84 = arith.constant 0 : i32
    %dma_wait3A_85 = arith.constant 0 : i32
    %dma_wait3A_86 = tpu.memref_slice %arg2[%select_n3A, %dma_wait3A_79, %add3A_78, %dma_wait3A_84, %dma_wait3A_85] : memref<8x1x2048x16x128xf32, #tpu.memory_space<hbm>> -> memref<1x1x28x16x128xf32, #tpu.memory_space<hbm>>
    %dma_wait3A_87 = tpu.memref_squeeze %dma_wait3A_86 : memref<1x1x28x16x128xf32, #tpu.memory_space<hbm>> -> memref<1x28x16x128xf32, #tpu.memory_space<hbm>>
    tpu.wait_dma2 semaphore(%arg7 : memref<!tpu.dma_semaphore, #tpu.memory_space<semaphore_mem>>) src(%dma_wait3A_87 : memref<1x28x16x128xf32, #tpu.memory_space<hbm>>) dst(%arg5 : memref<1x28x16x128xf32, #tpu.memory_space<vmem>>)
    %add3A_88 = arith.constant 28 : i32
    %add3A_89 = arith.addi %add3A_34, %add3A_88 : i32
    %dma_start3A_90 = arith.constant 0 : i32
    %dma_start3A_91 = arith.constant 0 : i32
    %dma_start3A_92 = arith.constant 0 : i32
    %dma_start3A_93 = tpu.memref_slice %arg3[%select_n3A, %dma_start3A_90, %add3A_89, %dma_start3A_91, %dma_start3A_92] : memref<8x1x2048x16x128xf32, #tpu.memory_space<hbm>> -> memref<1x1x28x16x128xf32, #tpu.memory_space<hbm>>
    %dma_start3A_94 = tpu.memref_squeeze %dma_start3A_93 : memref<1x1x28x16x128xf32, #tpu.memory_space<hbm>> -> memref<1x28x16x128xf32, #tpu.memory_space<hbm>>
    %dma_start3A_95 = arith.constant 0 : i32
    %dma_start3A_96 = arith.constant 0 : i32
    %dma_start3A_97 = tpu.memref_slice %arg3[%select_n3A, %dma_start3A_90, %add3A_89, %dma_start3A_95, %dma_start3A_96] : memref<8x1x2048x16x128xf32, #tpu.memory_space<hbm>> -> memref<1x1x28x16x128xf32, #tpu.memory_space<hbm>>
    %dma_start3A_98 = tpu.memref_squeeze %dma_start3A_97 : memref<1x1x28x16x128xf32, #tpu.memory_space<hbm>> -> memref<1x28x16x128xf32, #tpu.memory_space<hbm>>
    tpu.enqueue_dma source(%arg5 : memref<1x28x16x128xf32, #tpu.memory_space<vmem>>) target(%dma_start3A_98 : memref<1x28x16x128xf32, #tpu.memory_space<hbm>>) target_semaphore(%arg9 : memref<!tpu.dma_semaphore, #tpu.memory_space<semaphore_mem>>)
    %add3A_99 = arith.constant 0 : i32
    %add3A_100 = arith.addi %add3A_34, %add3A_99 : i32
    %dma_wait3A_101 = arith.constant 0 : i32
    %dma_wait3A_102 = arith.constant 0 : i32
    %dma_wait3A_103 = arith.constant 0 : i32
    %dma_wait3A_104 = tpu.memref_slice %arg3[%select_n3A, %dma_wait3A_101, %add3A_100, %dma_wait3A_102, %dma_wait3A_103] : memref<8x1x2048x16x128xf32, #tpu.memory_space<hbm>> -> memref<1x1x28x16x128xf32, #tpu.memory_space<hbm>>
    %dma_wait3A_105 = tpu.memref_squeeze %dma_wait3A_104 : memref<1x1x28x16x128xf32, #tpu.memory_space<hbm>> -> memref<1x28x16x128xf32, #tpu.memory_space<hbm>>
    %dma_wait3A_106 = arith.constant 0 : i32
    %dma_wait3A_107 = arith.constant 0 : i32
    %dma_wait3A_108 = tpu.memref_slice %arg3[%select_n3A, %dma_wait3A_101, %add3A_100, %dma_wait3A_106, %dma_wait3A_107] : memref<8x1x2048x16x128xf32, #tpu.memory_space<hbm>> -> memref<1x1x28x16x128xf32, #tpu.memory_space<hbm>>
    %dma_wait3A_109 = tpu.memref_squeeze %dma_wait3A_108 : memref<1x1x28x16x128xf32, #tpu.memory_space<hbm>> -> memref<1x28x16x128xf32, #tpu.memory_space<hbm>>
    tpu.wait_dma2 semaphore(%arg8 : memref<!tpu.dma_semaphore, #tpu.memory_space<semaphore_mem>>) src(%arg4 : memref<1x28x16x128xf32, #tpu.memory_space<vmem>>) dst(%dma_wait3A_109 : memref<1x28x16x128xf32, #tpu.memory_space<hbm>>)
    %add3A_110 = arith.constant 56 : i32
    %add3A_111 = arith.addi %add3A_34, %add3A_110 : i32
    %dma_start3A_112 = arith.constant 0 : i32
    %dma_start3A_113 = arith.constant 0 : i32
    %dma_start3A_114 = arith.constant 0 : i32
    %dma_start3A_115 = tpu.memref_slice %arg2[%select_n3A, %dma_start3A_112, %add3A_111, %dma_start3A_113, %dma_start3A_114] : memref<8x1x2048x16x128xf32, #tpu.memory_space<hbm>> -> memref<1x1x28x16x128xf32, #tpu.memory_space<hbm>>
    %dma_start3A_116 = tpu.memref_squeeze %dma_start3A_115 : memref<1x1x28x16x128xf32, #tpu.memory_space<hbm>> -> memref<1x28x16x128xf32, #tpu.memory_space<hbm>>
    %dma_start3A_117 = arith.constant 0 : i32
    %dma_start3A_118 = arith.constant 0 : i32
    %dma_start3A_119 = tpu.memref_slice %arg2[%select_n3A, %dma_start3A_112, %add3A_111, %dma_start3A_117, %dma_start3A_118] : memref<8x1x2048x16x128xf32, #tpu.memory_space<hbm>> -> memref<1x1x28x16x128xf32, #tpu.memory_space<hbm>>
    %dma_start3A_120 = tpu.memref_squeeze %dma_start3A_119 : memref<1x1x28x16x128xf32, #tpu.memory_space<hbm>> -> memref<1x28x16x128xf32, #tpu.memory_space<hbm>>
    tpu.enqueue_dma source(%dma_start3A_120 : memref<1x28x16x128xf32, #tpu.memory_space<hbm>>) target(%arg4 : memref<1x28x16x128xf32, #tpu.memory_space<vmem>>) target_semaphore(%arg6 : memref<!tpu.dma_semaphore, #tpu.memory_space<semaphore_mem>>)
    %add3A_121 = arith.constant 56 : i32
    %add3A_122 = arith.addi %add3A_34, %add3A_121 : i32
    %dma_wait3A_123 = arith.constant 0 : i32
    %dma_wait3A_124 = arith.constant 0 : i32
    %dma_wait3A_125 = arith.constant 0 : i32
    %dma_wait3A_126 = tpu.memref_slice %arg2[%select_n3A, %dma_wait3A_123, %add3A_122, %dma_wait3A_124, %dma_wait3A_125] : memref<8x1x2048x16x128xf32, #tpu.memory_space<hbm>> -> memref<1x1x28x16x128xf32, #tpu.memory_space<hbm>>
    %dma_wait3A_127 = tpu.memref_squeeze %dma_wait3A_126 : memref<1x1x28x16x128xf32, #tpu.memory_space<hbm>> -> memref<1x28x16x128xf32, #tpu.memory_space<hbm>>
    %dma_wait3A_128 = arith.constant 0 : i32
    %dma_wait3A_129 = arith.constant 0 : i32
    %dma_wait3A_130 = tpu.memref_slice %arg2[%select_n3A, %dma_wait3A_123, %add3A_122, %dma_wait3A_128, %dma_wait3A_129] : memref<8x1x2048x16x128xf32, #tpu.memory_space<hbm>> -> memref<1x1x28x16x128xf32, #tpu.memory_space<hbm>>
    %dma_wait3A_131 = tpu.memref_squeeze %dma_wait3A_130 : memref<1x1x28x16x128xf32, #tpu.memory_space<hbm>> -> memref<1x28x16x128xf32, #tpu.memory_space<hbm>>
    tpu.wait_dma2 semaphore(%arg6 : memref<!tpu.dma_semaphore, #tpu.memory_space<semaphore_mem>>) src(%dma_wait3A_131 : memref<1x28x16x128xf32, #tpu.memory_space<hbm>>) dst(%arg4 : memref<1x28x16x128xf32, #tpu.memory_space<vmem>>)
    %add3A_132 = arith.constant 56 : i32
    %add3A_133 = arith.addi %add3A_34, %add3A_132 : i32
    %dma_start3A_134 = arith.constant 0 : i32
    %dma_start3A_135 = arith.constant 0 : i32
    %dma_start3A_136 = arith.constant 0 : i32
    %dma_start3A_137 = tpu.memref_slice %arg3[%select_n3A, %dma_start3A_134, %add3A_133, %dma_start3A_135, %dma_start3A_136] : memref<8x1x2048x16x128xf32, #tpu.memory_space<hbm>> -> memref<1x1x28x16x128xf32, #tpu.memory_space<hbm>>
    %dma_start3A_138 = tpu.memref_squeeze %dma_start3A_137 : memref<1x1x28x16x128xf32, #tpu.memory_space<hbm>> -> memref<1x28x16x128xf32, #tpu.memory_space<hbm>>
    %dma_start3A_139 = arith.constant 0 : i32
    %dma_start3A_140 = arith.constant 0 : i32
    %dma_start3A_141 = tpu.memref_slice %arg3[%select_n3A, %dma_start3A_134, %add3A_133, %dma_start3A_139, %dma_start3A_140] : memref<8x1x2048x16x128xf32, #tpu.memory_space<hbm>> -> memref<1x1x28x16x128xf32, #tpu.memory_space<hbm>>
    %dma_start3A_142 = tpu.memref_squeeze %dma_start3A_141 : memref<1x1x28x16x128xf32, #tpu.memory_space<hbm>> -> memref<1x28x16x128xf32, #tpu.memory_space<hbm>>
    tpu.enqueue_dma source(%arg4 : memref<1x28x16x128xf32, #tpu.memory_space<vmem>>) target(%dma_start3A_142 : memref<1x28x16x128xf32, #tpu.memory_space<hbm>>) target_semaphore(%arg8 : memref<!tpu.dma_semaphore, #tpu.memory_space<semaphore_mem>>)
    %add3A_143 = arith.constant 28 : i32
    %add3A_144 = arith.addi %add3A_34, %add3A_143 : i32
    %dma_wait3A_145 = arith.constant 0 : i32
    %dma_wait3A_146 = arith.constant 0 : i32
    %dma_wait3A_147 = arith.constant 0 : i32
    %dma_wait3A_148 = tpu.memref_slice %arg3[%select_n3A, %dma_wait3A_145, %add3A_144, %dma_wait3A_146, %dma_wait3A_147] : memref<8x1x2048x16x128xf32, #tpu.memory_space<hbm>> -> memref<1x1x28x16x128xf32, #tpu.memory_space<hbm>>
    %dma_wait3A_149 = tpu.memref_squeeze %dma_wait3A_148 : memref<1x1x28x16x128xf32, #tpu.memory_space<hbm>> -> memref<1x28x16x128xf32, #tpu.memory_space<hbm>>
    %dma_wait3A_150 = arith.constant 0 : i32
    %dma_wait3A_151 = arith.constant 0 : i32
    %dma_wait3A_152 = tpu.memref_slice %arg3[%select_n3A, %dma_wait3A_145, %add3A_144, %dma_wait3A_150, %dma_wait3A_151] : memref<8x1x2048x16x128xf32, #tpu.memory_space<hbm>> -> memref<1x1x28x16x128xf32, #tpu.memory_space<hbm>>
    %dma_wait3A_153 = tpu.memref_squeeze %dma_wait3A_152 : memref<1x1x28x16x128xf32, #tpu.memory_space<hbm>> -> memref<1x28x16x128xf32, #tpu.memory_space<hbm>>
    tpu.wait_dma2 semaphore(%arg9 : memref<!tpu.dma_semaphore, #tpu.memory_space<semaphore_mem>>) src(%arg5 : memref<1x28x16x128xf32, #tpu.memory_space<vmem>>) dst(%dma_wait3A_153 : memref<1x28x16x128xf32, #tpu.memory_space<hbm>>)
    %add3A_154 = arith.constant 84 : i32
    %add3A_155 = arith.addi %add3A_34, %add3A_154 : i32
    %dma_start3A_156 = arith.constant 0 : i32
    %dma_start3A_157 = arith.constant 0 : i32
    %dma_start3A_158 = arith.constant 0 : i32
    %dma_start3A_159 = tpu.memref_slice %arg2[%select_n3A, %dma_start3A_156, %add3A_155, %dma_start3A_157, %dma_start3A_158] : memref<8x1x2048x16x128xf32, #tpu.memory_space<hbm>> -> memref<1x1x28x16x128xf32, #tpu.memory_space<hbm>>
    %dma_start3A_160 = tpu.memref_squeeze %dma_start3A_159 : memref<1x1x28x16x128xf32, #tpu.memory_space<hbm>> -> memref<1x28x16x128xf32, #tpu.memory_space<hbm>>
    %dma_start3A_161 = arith.constant 0 : i32
    %dma_start3A_162 = arith.constant 0 : i32
    %dma_start3A_163 = tpu.memref_slice %arg2[%select_n3A, %dma_start3A_156, %add3A_155, %dma_start3A_161, %dma_start3A_162] : memref<8x1x2048x16x128xf32, #tpu.memory_space<hbm>> -> memref<1x1x28x16x128xf32, #tpu.memory_space<hbm>>
    %dma_start3A_164 = tpu.memref_squeeze %dma_start3A_163 : memref<1x1x28x16x128xf32, #tpu.memory_space<hbm>> -> memref<1x28x16x128xf32, #tpu.memory_space<hbm>>
    tpu.enqueue_dma source(%dma_start3A_164 : memref<1x28x16x128xf32, #tpu.memory_space<hbm>>) target(%arg5 : memref<1x28x16x128xf32, #tpu.memory_space<vmem>>) target_semaphore(%arg7 : memref<!tpu.dma_semaphore, #tpu.memory_space<semaphore_mem>>)
    %add3A_165 = arith.constant 84 : i32
    %add3A_166 = arith.addi %add3A_34, %add3A_165 : i32
    %dma_wait3A_167 = arith.constant 0 : i32
    %dma_wait3A_168 = arith.constant 0 : i32
    %dma_wait3A_169 = arith.constant 0 : i32
    %dma_wait3A_170 = tpu.memref_slice %arg2[%select_n3A, %dma_wait3A_167, %add3A_166, %dma_wait3A_168, %dma_wait3A_169] : memref<8x1x2048x16x128xf32, #tpu.memory_space<hbm>> -> memref<1x1x28x16x128xf32, #tpu.memory_space<hbm>>
    %dma_wait3A_171 = tpu.memref_squeeze %dma_wait3A_170 : memref<1x1x28x16x128xf32, #tpu.memory_space<hbm>> -> memref<1x28x16x128xf32, #tpu.memory_space<hbm>>
    %dma_wait3A_172 = arith.constant 0 : i32
    %dma_wait3A_173 = arith.constant 0 : i32
    %dma_wait3A_174 = tpu.memref_slice %arg2[%select_n3A, %dma_wait3A_167, %add3A_166, %dma_wait3A_172, %dma_wait3A_173] : memref<8x1x2048x16x128xf32, #tpu.memory_space<hbm>> -> memref<1x1x28x16x128xf32, #tpu.memory_space<hbm>>
    %dma_wait3A_175 = tpu.memref_squeeze %dma_wait3A_174 : memref<1x1x28x16x128xf32, #tpu.memory_space<hbm>> -> memref<1x28x16x128xf32, #tpu.memory_space<hbm>>
    tpu.wait_dma2 semaphore(%arg7 : memref<!tpu.dma_semaphore, #tpu.memory_space<semaphore_mem>>) src(%dma_wait3A_175 : memref<1x28x16x128xf32, #tpu.memory_space<hbm>>) dst(%arg5 : memref<1x28x16x128xf32, #tpu.memory_space<vmem>>)
    %add3A_176 = arith.constant 84 : i32
    %add3A_177 = arith.addi %add3A_34, %add3A_176 : i32
    %dma_start3A_178 = arith.constant 0 : i32
    %dma_start3A_179 = arith.constant 0 : i32
    %dma_start3A_180 = arith.constant 0 : i32
    %dma_start3A_181 = tpu.memref_slice %arg3[%select_n3A, %dma_start3A_178, %add3A_177, %dma_start3A_179, %dma_start3A_180] : memref<8x1x2048x16x128xf32, #tpu.memory_space<hbm>> -> memref<1x1x28x16x128xf32, #tpu.memory_space<hbm>>
    %dma_start3A_182 = tpu.memref_squeeze %dma_start3A_181 : memref<1x1x28x16x128xf32, #tpu.memory_space<hbm>> -> memref<1x28x16x128xf32, #tpu.memory_space<hbm>>
    %dma_start3A_183 = arith.constant 0 : i32
    %dma_start3A_184 = arith.constant 0 : i32
    %dma_start3A_185 = tpu.memref_slice %arg3[%select_n3A, %dma_start3A_178, %add3A_177, %dma_start3A_183, %dma_start3A_184] : memref<8x1x2048x16x128xf32, #tpu.memory_space<hbm>> -> memref<1x1x28x16x128xf32, #tpu.memory_space<hbm>>
    %dma_start3A_186 = tpu.memref_squeeze %dma_start3A_185 : memref<1x1x28x16x128xf32, #tpu.memory_space<hbm>> -> memref<1x28x16x128xf32, #tpu.memory_space<hbm>>
    tpu.enqueue_dma source(%arg5 : memref<1x28x16x128xf32, #tpu.memory_space<vmem>>) target(%dma_start3A_186 : memref<1x28x16x128xf32, #tpu.memory_space<hbm>>) target_semaphore(%arg9 : memref<!tpu.dma_semaphore, #tpu.memory_space<semaphore_mem>>)
    %add3A_187 = arith.constant 56 : i32
    %add3A_188 = arith.addi %add3A_34, %add3A_187 : i32
    %dma_wait3A_189 = arith.constant 0 : i32
    %dma_wait3A_190 = arith.constant 0 : i32
    %dma_wait3A_191 = arith.constant 0 : i32
    %dma_wait3A_192 = tpu.memref_slice %arg3[%select_n3A, %dma_wait3A_189, %add3A_188, %dma_wait3A_190, %dma_wait3A_191] : memref<8x1x2048x16x128xf32, #tpu.memory_space<hbm>> -> memref<1x1x28x16x128xf32, #tpu.memory_space<hbm>>
    %dma_wait3A_193 = tpu.memref_squeeze %dma_wait3A_192 : memref<1x1x28x16x128xf32, #tpu.memory_space<hbm>> -> memref<1x28x16x128xf32, #tpu.memory_space<hbm>>
    %dma_wait3A_194 = arith.constant 0 : i32
    %dma_wait3A_195 = arith.constant 0 : i32
    %dma_wait3A_196 = tpu.memref_slice %arg3[%select_n3A, %dma_wait3A_189, %add3A_188, %dma_wait3A_194, %dma_wait3A_195] : memref<8x1x2048x16x128xf32, #tpu.memory_space<hbm>> -> memref<1x1x28x16x128xf32, #tpu.memory_space<hbm>>
    %dma_wait3A_197 = tpu.memref_squeeze %dma_wait3A_196 : memref<1x1x28x16x128xf32, #tpu.memory_space<hbm>> -> memref<1x28x16x128xf32, #tpu.memory_space<hbm>>
    tpu.wait_dma2 semaphore(%arg8 : memref<!tpu.dma_semaphore, #tpu.memory_space<semaphore_mem>>) src(%arg4 : memref<1x28x16x128xf32, #tpu.memory_space<vmem>>) dst(%dma_wait3A_197 : memref<1x28x16x128xf32, #tpu.memory_space<hbm>>)
    %add3A_198 = arith.constant 112 : i32
    %add3A_199 = arith.addi %add3A_34, %add3A_198 : i32
    %dma_start3A_200 = arith.constant 0 : i32
    %dma_start3A_201 = arith.constant 0 : i32
    %dma_start3A_202 = arith.constant 0 : i32
    %dma_start3A_203 = tpu.memref_slice %arg2[%select_n3A, %dma_start3A_200, %add3A_199, %dma_start3A_201, %dma_start3A_202] : memref<8x1x2048x16x128xf32, #tpu.memory_space<hbm>> -> memref<1x1x28x16x128xf32, #tpu.memory_space<hbm>>
    %dma_start3A_204 = tpu.memref_squeeze %dma_start3A_203 : memref<1x1x28x16x128xf32, #tpu.memory_space<hbm>> -> memref<1x28x16x128xf32, #tpu.memory_space<hbm>>
    %dma_start3A_205 = arith.constant 0 : i32
    %dma_start3A_206 = arith.constant 0 : i32
    %dma_start3A_207 = tpu.memref_slice %arg2[%select_n3A, %dma_start3A_200, %add3A_199, %dma_start3A_205, %dma_start3A_206] : memref<8x1x2048x16x128xf32, #tpu.memory_space<hbm>> -> memref<1x1x28x16x128xf32, #tpu.memory_space<hbm>>
    %dma_start3A_208 = tpu.memref_squeeze %dma_start3A_207 : memref<1x1x28x16x128xf32, #tpu.memory_space<hbm>> -> memref<1x28x16x128xf32, #tpu.memory_space<hbm>>
    tpu.enqueue_dma source(%dma_start3A_208 : memref<1x28x16x128xf32, #tpu.memory_space<hbm>>) target(%arg4 : memref<1x28x16x128xf32, #tpu.memory_space<vmem>>) target_semaphore(%arg6 : memref<!tpu.dma_semaphore, #tpu.memory_space<semaphore_mem>>)
    %add3A_209 = arith.constant 112 : i32
    %add3A_210 = arith.addi %add3A_34, %add3A_209 : i32
    %dma_wait3A_211 = arith.constant 0 : i32
    %dma_wait3A_212 = arith.constant 0 : i32
    %dma_wait3A_213 = arith.constant 0 : i32
    %dma_wait3A_214 = tpu.memref_slice %arg2[%select_n3A, %dma_wait3A_211, %add3A_210, %dma_wait3A_212, %dma_wait3A_213] : memref<8x1x2048x16x128xf32, #tpu.memory_space<hbm>> -> memref<1x1x28x16x128xf32, #tpu.memory_space<hbm>>
    %dma_wait3A_215 = tpu.memref_squeeze %dma_wait3A_214 : memref<1x1x28x16x128xf32, #tpu.memory_space<hbm>> -> memref<1x28x16x128xf32, #tpu.memory_space<hbm>>
    %dma_wait3A_216 = arith.constant 0 : i32
    %dma_wait3A_217 = arith.constant 0 : i32
    %dma_wait3A_218 = tpu.memref_slice %arg2[%select_n3A, %dma_wait3A_211, %add3A_210, %dma_wait3A_216, %dma_wait3A_217] : memref<8x1x2048x16x128xf32, #tpu.memory_space<hbm>> -> memref<1x1x28x16x128xf32, #tpu.memory_space<hbm>>
    %dma_wait3A_219 = tpu.memref_squeeze %dma_wait3A_218 : memref<1x1x28x16x128xf32, #tpu.memory_space<hbm>> -> memref<1x28x16x128xf32, #tpu.memory_space<hbm>>
    tpu.wait_dma2 semaphore(%arg6 : memref<!tpu.dma_semaphore, #tpu.memory_space<semaphore_mem>>) src(%dma_wait3A_219 : memref<1x28x16x128xf32, #tpu.memory_space<hbm>>) dst(%arg4 : memref<1x28x16x128xf32, #tpu.memory_space<vmem>>)
    %add3A_220 = arith.constant 112 : i32
    %add3A_221 = arith.addi %add3A_34, %add3A_220 : i32
    %dma_start3A_222 = arith.constant 0 : i32
    %dma_start3A_223 = arith.constant 0 : i32
    %dma_start3A_224 = arith.constant 0 : i32
    %dma_start3A_225 = tpu.memref_slice %arg3[%select_n3A, %dma_start3A_222, %add3A_221, %dma_start3A_223, %dma_start3A_224] : memref<8x1x2048x16x128xf32, #tpu.memory_space<hbm>> -> memref<1x1x28x16x128xf32, #tpu.memory_space<hbm>>
    %dma_start3A_226 = tpu.memref_squeeze %dma_start3A_225 : memref<1x1x28x16x128xf32, #tpu.memory_space<hbm>> -> memref<1x28x16x128xf32, #tpu.memory_space<hbm>>
    %dma_start3A_227 = arith.constant 0 : i32
    %dma_start3A_228 = arith.constant 0 : i32
    %dma_start3A_229 = tpu.memref_slice %arg3[%select_n3A, %dma_start3A_222, %add3A_221, %dma_start3A_227, %dma_start3A_228] : memref<8x1x2048x16x128xf32, #tpu.memory_space<hbm>> -> memref<1x1x28x16x128xf32, #tpu.memory_space<hbm>>
    %dma_start3A_230 = tpu.memref_squeeze %dma_start3A_229 : memref<1x1x28x16x128xf32, #tpu.memory_space<hbm>> -> memref<1x28x16x128xf32, #tpu.memory_space<hbm>>
    tpu.enqueue_dma source(%arg4 : memref<1x28x16x128xf32, #tpu.memory_space<vmem>>) target(%dma_start3A_230 : memref<1x28x16x128xf32, #tpu.memory_space<hbm>>) target_semaphore(%arg8 : memref<!tpu.dma_semaphore, #tpu.memory_space<semaphore_mem>>)
    %add3A_231 = arith.constant 84 : i32
    %add3A_232 = arith.addi %add3A_34, %add3A_231 : i32
    %dma_wait3A_233 = arith.constant 0 : i32
    %dma_wait3A_234 = arith.constant 0 : i32
    %dma_wait3A_235 = arith.constant 0 : i32
    %dma_wait3A_236 = tpu.memref_slice %arg3[%select_n3A, %dma_wait3A_233, %add3A_232, %dma_wait3A_234, %dma_wait3A_235] : memref<8x1x2048x16x128xf32, #tpu.memory_space<hbm>> -> memref<1x1x28x16x128xf32, #tpu.memory_space<hbm>>
    %dma_wait3A_237 = tpu.memref_squeeze %dma_wait3A_236 : memref<1x1x28x16x128xf32, #tpu.memory_space<hbm>> -> memref<1x28x16x128xf32, #tpu.memory_space<hbm>>
    %dma_wait3A_238 = arith.constant 0 : i32
    %dma_wait3A_239 = arith.constant 0 : i32
    %dma_wait3A_240 = tpu.memref_slice %arg3[%select_n3A, %dma_wait3A_233, %add3A_232, %dma_wait3A_238, %dma_wait3A_239] : memref<8x1x2048x16x128xf32, #tpu.memory_space<hbm>> -> memref<1x1x28x16x128xf32, #tpu.memory_space<hbm>>
    %dma_wait3A_241 = tpu.memref_squeeze %dma_wait3A_240 : memref<1x1x28x16x128xf32, #tpu.memory_space<hbm>> -> memref<1x28x16x128xf32, #tpu.memory_space<hbm>>
    tpu.wait_dma2 semaphore(%arg9 : memref<!tpu.dma_semaphore, #tpu.memory_space<semaphore_mem>>) src(%arg5 : memref<1x28x16x128xf32, #tpu.memory_space<vmem>>) dst(%dma_wait3A_241 : memref<1x28x16x128xf32, #tpu.memory_space<hbm>>)
    %add3A_242 = arith.constant 140 : i32
    %add3A_243 = arith.addi %add3A_34, %add3A_242 : i32
    %dma_start3A_244 = arith.constant 0 : i32
    %dma_start3A_245 = arith.constant 0 : i32
    %dma_start3A_246 = arith.constant 0 : i32
    %dma_start3A_247 = tpu.memref_slice %arg2[%select_n3A, %dma_start3A_244, %add3A_243, %dma_start3A_245, %dma_start3A_246] : memref<8x1x2048x16x128xf32, #tpu.memory_space<hbm>> -> memref<1x1x28x16x128xf32, #tpu.memory_space<hbm>>
    %dma_start3A_248 = tpu.memref_squeeze %dma_start3A_247 : memref<1x1x28x16x128xf32, #tpu.memory_space<hbm>> -> memref<1x28x16x128xf32, #tpu.memory_space<hbm>>
    %dma_start3A_249 = arith.constant 0 : i32
    %dma_start3A_250 = arith.constant 0 : i32
    %dma_start3A_251 = tpu.memref_slice %arg2[%select_n3A, %dma_start3A_244, %add3A_243, %dma_start3A_249, %dma_start3A_250] : memref<8x1x2048x16x128xf32, #tpu.memory_space<hbm>> -> memref<1x1x28x16x128xf32, #tpu.memory_space<hbm>>
    %dma_start3A_252 = tpu.memref_squeeze %dma_start3A_251 : memref<1x1x28x16x128xf32, #tpu.memory_space<hbm>> -> memref<1x28x16x128xf32, #tpu.memory_space<hbm>>
    tpu.enqueue_dma source(%dma_start3A_252 : memref<1x28x16x128xf32, #tpu.memory_space<hbm>>) target(%arg5 : memref<1x28x16x128xf32, #tpu.memory_space<vmem>>) target_semaphore(%arg7 : memref<!tpu.dma_semaphore, #tpu.memory_space<semaphore_mem>>)
    %add3A_253 = arith.constant 140 : i32
    %add3A_254 = arith.addi %add3A_34, %add3A_253 : i32
    %dma_wait3A_255 = arith.constant 0 : i32
    %dma_wait3A_256 = arith.constant 0 : i32
    %dma_wait3A_257 = arith.constant 0 : i32
    %dma_wait3A_258 = tpu.memref_slice %arg2[%select_n3A, %dma_wait3A_255, %add3A_254, %dma_wait3A_256, %dma_wait3A_257] : memref<8x1x2048x16x128xf32, #tpu.memory_space<hbm>> -> memref<1x1x28x16x128xf32, #tpu.memory_space<hbm>>
    %dma_wait3A_259 = tpu.memref_squeeze %dma_wait3A_258 : memref<1x1x28x16x128xf32, #tpu.memory_space<hbm>> -> memref<1x28x16x128xf32, #tpu.memory_space<hbm>>
    %dma_wait3A_260 = arith.constant 0 : i32
    %dma_wait3A_261 = arith.constant 0 : i32
    %dma_wait3A_262 = tpu.memref_slice %arg2[%select_n3A, %dma_wait3A_255, %add3A_254, %dma_wait3A_260, %dma_wait3A_261] : memref<8x1x2048x16x128xf32, #tpu.memory_space<hbm>> -> memref<1x1x28x16x128xf32, #tpu.memory_space<hbm>>
    %dma_wait3A_263 = tpu.memref_squeeze %dma_wait3A_262 : memref<1x1x28x16x128xf32, #tpu.memory_space<hbm>> -> memref<1x28x16x128xf32, #tpu.memory_space<hbm>>
    tpu.wait_dma2 semaphore(%arg7 : memref<!tpu.dma_semaphore, #tpu.memory_space<semaphore_mem>>) src(%dma_wait3A_263 : memref<1x28x16x128xf32, #tpu.memory_space<hbm>>) dst(%arg5 : memref<1x28x16x128xf32, #tpu.memory_space<vmem>>)
    %add3A_264 = arith.constant 140 : i32
    %add3A_265 = arith.addi %add3A_34, %add3A_264 : i32
    %dma_start3A_266 = arith.constant 0 : i32
    %dma_start3A_267 = arith.constant 0 : i32
    %dma_start3A_268 = arith.constant 0 : i32
    %dma_start3A_269 = tpu.memref_slice %arg3[%select_n3A, %dma_start3A_266, %add3A_265, %dma_start3A_267, %dma_start3A_268] : memref<8x1x2048x16x128xf32, #tpu.memory_space<hbm>> -> memref<1x1x28x16x128xf32, #tpu.memory_space<hbm>>
    %dma_start3A_270 = tpu.memref_squeeze %dma_start3A_269 : memref<1x1x28x16x128xf32, #tpu.memory_space<hbm>> -> memref<1x28x16x128xf32, #tpu.memory_space<hbm>>
    %dma_start3A_271 = arith.constant 0 : i32
    %dma_start3A_272 = arith.constant 0 : i32
    %dma_start3A_273 = tpu.memref_slice %arg3[%select_n3A, %dma_start3A_266, %add3A_265, %dma_start3A_271, %dma_start3A_272] : memref<8x1x2048x16x128xf32, #tpu.memory_space<hbm>> -> memref<1x1x28x16x128xf32, #tpu.memory_space<hbm>>
    %dma_start3A_274 = tpu.memref_squeeze %dma_start3A_273 : memref<1x1x28x16x128xf32, #tpu.memory_space<hbm>> -> memref<1x28x16x128xf32, #tpu.memory_space<hbm>>
    tpu.enqueue_dma source(%arg5 : memref<1x28x16x128xf32, #tpu.memory_space<vmem>>) target(%dma_start3A_274 : memref<1x28x16x128xf32, #tpu.memory_space<hbm>>) target_semaphore(%arg9 : memref<!tpu.dma_semaphore, #tpu.memory_space<semaphore_mem>>)
    %add3A_275 = arith.constant 112 : i32
    %add3A_276 = arith.addi %add3A_34, %add3A_275 : i32
    %dma_wait3A_277 = arith.constant 0 : i32
    %dma_wait3A_278 = arith.constant 0 : i32
    %dma_wait3A_279 = arith.constant 0 : i32
    %dma_wait3A_280 = tpu.memref_slice %arg3[%select_n3A, %dma_wait3A_277, %add3A_276, %dma_wait3A_278, %dma_wait3A_279] : memref<8x1x2048x16x128xf32, #tpu.memory_space<hbm>> -> memref<1x1x28x16x128xf32, #tpu.memory_space<hbm>>
    %dma_wait3A_281 = tpu.memref_squeeze %dma_wait3A_280 : memref<1x1x28x16x128xf32, #tpu.memory_space<hbm>> -> memref<1x28x16x128xf32, #tpu.memory_space<hbm>>
    %dma_wait3A_282 = arith.constant 0 : i32
    %dma_wait3A_283 = arith.constant 0 : i32
    %dma_wait3A_284 = tpu.memref_slice %arg3[%select_n3A, %dma_wait3A_277, %add3A_276, %dma_wait3A_282, %dma_wait3A_283] : memref<8x1x2048x16x128xf32, #tpu.memory_space<hbm>> -> memref<1x1x28x16x128xf32, #tpu.memory_space<hbm>>
    %dma_wait3A_285 = tpu.memref_squeeze %dma_wait3A_284 : memref<1x1x28x16x128xf32, #tpu.memory_space<hbm>> -> memref<1x28x16x128xf32, #tpu.memory_space<hbm>>
    tpu.wait_dma2 semaphore(%arg8 : memref<!tpu.dma_semaphore, #tpu.memory_space<semaphore_mem>>) src(%arg4 : memref<1x28x16x128xf32, #tpu.memory_space<vmem>>) dst(%dma_wait3A_285 : memref<1x28x16x128xf32, #tpu.memory_space<hbm>>)
    %add3A_286 = arith.constant 168 : i32
    %add3A_287 = arith.addi %add3A_34, %add3A_286 : i32
    %dma_start3A_288 = arith.constant 0 : i32
    %dma_start3A_289 = arith.constant 0 : i32
    %dma_start3A_290 = arith.constant 0 : i32
    %dma_start3A_291 = tpu.memref_slice %arg2[%select_n3A, %dma_start3A_288, %add3A_287, %dma_start3A_289, %dma_start3A_290] : memref<8x1x2048x16x128xf32, #tpu.memory_space<hbm>> -> memref<1x1x28x16x128xf32, #tpu.memory_space<hbm>>
    %dma_start3A_292 = tpu.memref_squeeze %dma_start3A_291 : memref<1x1x28x16x128xf32, #tpu.memory_space<hbm>> -> memref<1x28x16x128xf32, #tpu.memory_space<hbm>>
    %dma_start3A_293 = arith.constant 0 : i32
    %dma_start3A_294 = arith.constant 0 : i32
    %dma_start3A_295 = tpu.memref_slice %arg2[%select_n3A, %dma_start3A_288, %add3A_287, %dma_start3A_293, %dma_start3A_294] : memref<8x1x2048x16x128xf32, #tpu.memory_space<hbm>> -> memref<1x1x28x16x128xf32, #tpu.memory_space<hbm>>
    %dma_start3A_296 = tpu.memref_squeeze %dma_start3A_295 : memref<1x1x28x16x128xf32, #tpu.memory_space<hbm>> -> memref<1x28x16x128xf32, #tpu.memory_space<hbm>>
    tpu.enqueue_dma source(%dma_start3A_296 : memref<1x28x16x128xf32, #tpu.memory_space<hbm>>) target(%arg4 : memref<1x28x16x128xf32, #tpu.memory_space<vmem>>) target_semaphore(%arg6 : memref<!tpu.dma_semaphore, #tpu.memory_space<semaphore_mem>>)
    %add3A_297 = arith.constant 168 : i32
    %add3A_298 = arith.addi %add3A_34, %add3A_297 : i32
    %dma_wait3A_299 = arith.constant 0 : i32
    %dma_wait3A_300 = arith.constant 0 : i32
    %dma_wait3A_301 = arith.constant 0 : i32
    %dma_wait3A_302 = tpu.memref_slice %arg2[%select_n3A, %dma_wait3A_299, %add3A_298, %dma_wait3A_300, %dma_wait3A_301] : memref<8x1x2048x16x128xf32, #tpu.memory_space<hbm>> -> memref<1x1x28x16x128xf32, #tpu.memory_space<hbm>>
    %dma_wait3A_303 = tpu.memref_squeeze %dma_wait3A_302 : memref<1x1x28x16x128xf32, #tpu.memory_space<hbm>> -> memref<1x28x16x128xf32, #tpu.memory_space<hbm>>
    %dma_wait3A_304 = arith.constant 0 : i32
    %dma_wait3A_305 = arith.constant 0 : i32
    %dma_wait3A_306 = tpu.memref_slice %arg2[%select_n3A, %dma_wait3A_299, %add3A_298, %dma_wait3A_304, %dma_wait3A_305] : memref<8x1x2048x16x128xf32, #tpu.memory_space<hbm>> -> memref<1x1x28x16x128xf32, #tpu.memory_space<hbm>>
    %dma_wait3A_307 = tpu.memref_squeeze %dma_wait3A_306 : memref<1x1x28x16x128xf32, #tpu.memory_space<hbm>> -> memref<1x28x16x128xf32, #tpu.memory_space<hbm>>
    tpu.wait_dma2 semaphore(%arg6 : memref<!tpu.dma_semaphore, #tpu.memory_space<semaphore_mem>>) src(%dma_wait3A_307 : memref<1x28x16x128xf32, #tpu.memory_space<hbm>>) dst(%arg4 : memref<1x28x16x128xf32, #tpu.memory_space<vmem>>)
    %add3A_308 = arith.constant 168 : i32
    %add3A_309 = arith.addi %add3A_34, %add3A_308 : i32
    %dma_start3A_310 = arith.constant 0 : i32
    %dma_start3A_311 = arith.constant 0 : i32
    %dma_start3A_312 = arith.constant 0 : i32
    %dma_start3A_313 = tpu.memref_slice %arg3[%select_n3A, %dma_start3A_310, %add3A_309, %dma_start3A_311, %dma_start3A_312] : memref<8x1x2048x16x128xf32, #tpu.memory_space<hbm>> -> memref<1x1x28x16x128xf32, #tpu.memory_space<hbm>>
    %dma_start3A_314 = tpu.memref_squeeze %dma_start3A_313 : memref<1x1x28x16x128xf32, #tpu.memory_space<hbm>> -> memref<1x28x16x128xf32, #tpu.memory_space<hbm>>
    %dma_start3A_315 = arith.constant 0 : i32
    %dma_start3A_316 = arith.constant 0 : i32
    %dma_start3A_317 = tpu.memref_slice %arg3[%select_n3A, %dma_start3A_310, %add3A_309, %dma_start3A_315, %dma_start3A_316] : memref<8x1x2048x16x128xf32, #tpu.memory_space<hbm>> -> memref<1x1x28x16x128xf32, #tpu.memory_space<hbm>>
    %dma_start3A_318 = tpu.memref_squeeze %dma_start3A_317 : memref<1x1x28x16x128xf32, #tpu.memory_space<hbm>> -> memref<1x28x16x128xf32, #tpu.memory_space<hbm>>
    tpu.enqueue_dma source(%arg4 : memref<1x28x16x128xf32, #tpu.memory_space<vmem>>) target(%dma_start3A_318 : memref<1x28x16x128xf32, #tpu.memory_space<hbm>>) target_semaphore(%arg8 : memref<!tpu.dma_semaphore, #tpu.memory_space<semaphore_mem>>)
    %add3A_319 = arith.constant 140 : i32
    %add3A_320 = arith.addi %add3A_34, %add3A_319 : i32
    %dma_wait3A_321 = arith.constant 0 : i32
    %dma_wait3A_322 = arith.constant 0 : i32
    %dma_wait3A_323 = arith.constant 0 : i32
    %dma_wait3A_324 = tpu.memref_slice %arg3[%select_n3A, %dma_wait3A_321, %add3A_320, %dma_wait3A_322, %dma_wait3A_323] : memref<8x1x2048x16x128xf32, #tpu.memory_space<hbm>> -> memref<1x1x28x16x128xf32, #tpu.memory_space<hbm>>
    %dma_wait3A_325 = tpu.memref_squeeze %dma_wait3A_324 : memref<1x1x28x16x128xf32, #tpu.memory_space<hbm>> -> memref<1x28x16x128xf32, #tpu.memory_space<hbm>>
    %dma_wait3A_326 = arith.constant 0 : i32
    %dma_wait3A_327 = arith.constant 0 : i32
    %dma_wait3A_328 = tpu.memref_slice %arg3[%select_n3A, %dma_wait3A_321, %add3A_320, %dma_wait3A_326, %dma_wait3A_327] : memref<8x1x2048x16x128xf32, #tpu.memory_space<hbm>> -> memref<1x1x28x16x128xf32, #tpu.memory_space<hbm>>
    %dma_wait3A_329 = tpu.memref_squeeze %dma_wait3A_328 : memref<1x1x28x16x128xf32, #tpu.memory_space<hbm>> -> memref<1x28x16x128xf32, #tpu.memory_space<hbm>>
    tpu.wait_dma2 semaphore(%arg9 : memref<!tpu.dma_semaphore, #tpu.memory_space<semaphore_mem>>) src(%arg5 : memref<1x28x16x128xf32, #tpu.memory_space<vmem>>) dst(%dma_wait3A_329 : memref<1x28x16x128xf32, #tpu.memory_space<hbm>>)
    %add3A_330 = arith.constant 196 : i32
    %add3A_331 = arith.addi %add3A_34, %add3A_330 : i32
    %dma_start3A_332 = arith.constant 0 : i32
    %dma_start3A_333 = arith.constant 0 : i32
    %dma_start3A_334 = arith.constant 0 : i32
    %dma_start3A_335 = tpu.memref_slice %arg2[%select_n3A, %dma_start3A_332, %add3A_331, %dma_start3A_333, %dma_start3A_334] : memref<8x1x2048x16x128xf32, #tpu.memory_space<hbm>> -> memref<1x1x28x16x128xf32, #tpu.memory_space<hbm>>
    %dma_start3A_336 = tpu.memref_squeeze %dma_start3A_335 : memref<1x1x28x16x128xf32, #tpu.memory_space<hbm>> -> memref<1x28x16x128xf32, #tpu.memory_space<hbm>>
    %dma_start3A_337 = arith.constant 0 : i32
    %dma_start3A_338 = arith.constant 0 : i32
    %dma_start3A_339 = tpu.memref_slice %arg2[%select_n3A, %dma_start3A_332, %add3A_331, %dma_start3A_337, %dma_start3A_338] : memref<8x1x2048x16x128xf32, #tpu.memory_space<hbm>> -> memref<1x1x28x16x128xf32, #tpu.memory_space<hbm>>
    %dma_start3A_340 = tpu.memref_squeeze %dma_start3A_339 : memref<1x1x28x16x128xf32, #tpu.memory_space<hbm>> -> memref<1x28x16x128xf32, #tpu.memory_space<hbm>>
    tpu.enqueue_dma source(%dma_start3A_340 : memref<1x28x16x128xf32, #tpu.memory_space<hbm>>) target(%arg5 : memref<1x28x16x128xf32, #tpu.memory_space<vmem>>) target_semaphore(%arg7 : memref<!tpu.dma_semaphore, #tpu.memory_space<semaphore_mem>>)
    %add3A_341 = arith.constant 196 : i32
    %add3A_342 = arith.addi %add3A_34, %add3A_341 : i32
    %dma_wait3A_343 = arith.constant 0 : i32
    %dma_wait3A_344 = arith.constant 0 : i32
    %dma_wait3A_345 = arith.constant 0 : i32
    %dma_wait3A_346 = tpu.memref_slice %arg2[%select_n3A, %dma_wait3A_343, %add3A_342, %dma_wait3A_344, %dma_wait3A_345] : memref<8x1x2048x16x128xf32, #tpu.memory_space<hbm>> -> memref<1x1x28x16x128xf32, #tpu.memory_space<hbm>>
    %dma_wait3A_347 = tpu.memref_squeeze %dma_wait3A_346 : memref<1x1x28x16x128xf32, #tpu.memory_space<hbm>> -> memref<1x28x16x128xf32, #tpu.memory_space<hbm>>
    %dma_wait3A_348 = arith.constant 0 : i32
    %dma_wait3A_349 = arith.constant 0 : i32
    %dma_wait3A_350 = tpu.memref_slice %arg2[%select_n3A, %dma_wait3A_343, %add3A_342, %dma_wait3A_348, %dma_wait3A_349] : memref<8x1x2048x16x128xf32, #tpu.memory_space<hbm>> -> memref<1x1x28x16x128xf32, #tpu.memory_space<hbm>>
    %dma_wait3A_351 = tpu.memref_squeeze %dma_wait3A_350 : memref<1x1x28x16x128xf32, #tpu.memory_space<hbm>> -> memref<1x28x16x128xf32, #tpu.memory_space<hbm>>
    tpu.wait_dma2 semaphore(%arg7 : memref<!tpu.dma_semaphore, #tpu.memory_space<semaphore_mem>>) src(%dma_wait3A_351 : memref<1x28x16x128xf32, #tpu.memory_space<hbm>>) dst(%arg5 : memref<1x28x16x128xf32, #tpu.memory_space<vmem>>)
    %add3A_352 = arith.constant 196 : i32
    %add3A_353 = arith.addi %add3A_34, %add3A_352 : i32
    %dma_start3A_354 = arith.constant 0 : i32
    %dma_start3A_355 = arith.constant 0 : i32
    %dma_start3A_356 = arith.constant 0 : i32
    %dma_start3A_357 = tpu.memref_slice %arg3[%select_n3A, %dma_start3A_354, %add3A_353, %dma_start3A_355, %dma_start3A_356] : memref<8x1x2048x16x128xf32, #tpu.memory_space<hbm>> -> memref<1x1x28x16x128xf32, #tpu.memory_space<hbm>>
    %dma_start3A_358 = tpu.memref_squeeze %dma_start3A_357 : memref<1x1x28x16x128xf32, #tpu.memory_space<hbm>> -> memref<1x28x16x128xf32, #tpu.memory_space<hbm>>
    %dma_start3A_359 = arith.constant 0 : i32
    %dma_start3A_360 = arith.constant 0 : i32
    %dma_start3A_361 = tpu.memref_slice %arg3[%select_n3A, %dma_start3A_354, %add3A_353, %dma_start3A_359, %dma_start3A_360] : memref<8x1x2048x16x128xf32, #tpu.memory_space<hbm>> -> memref<1x1x28x16x128xf32, #tpu.memory_space<hbm>>
    %dma_start3A_362 = tpu.memref_squeeze %dma_start3A_361 : memref<1x1x28x16x128xf32, #tpu.memory_space<hbm>> -> memref<1x28x16x128xf32, #tpu.memory_space<hbm>>
    tpu.enqueue_dma source(%arg5 : memref<1x28x16x128xf32, #tpu.memory_space<vmem>>) target(%dma_start3A_362 : memref<1x28x16x128xf32, #tpu.memory_space<hbm>>) target_semaphore(%arg9 : memref<!tpu.dma_semaphore, #tpu.memory_space<semaphore_mem>>)
    %add3A_363 = arith.constant 168 : i32
    %add3A_364 = arith.addi %add3A_34, %add3A_363 : i32
    %dma_wait3A_365 = arith.constant 0 : i32
    %dma_wait3A_366 = arith.constant 0 : i32
    %dma_wait3A_367 = arith.constant 0 : i32
    %dma_wait3A_368 = tpu.memref_slice %arg3[%select_n3A, %dma_wait3A_365, %add3A_364, %dma_wait3A_366, %dma_wait3A_367] : memref<8x1x2048x16x128xf32, #tpu.memory_space<hbm>> -> memref<1x1x28x16x128xf32, #tpu.memory_space<hbm>>
    %dma_wait3A_369 = tpu.memref_squeeze %dma_wait3A_368 : memref<1x1x28x16x128xf32, #tpu.memory_space<hbm>> -> memref<1x28x16x128xf32, #tpu.memory_space<hbm>>
    %dma_wait3A_370 = arith.constant 0 : i32
    %dma_wait3A_371 = arith.constant 0 : i32
    %dma_wait3A_372 = tpu.memref_slice %arg3[%select_n3A, %dma_wait3A_365, %add3A_364, %dma_wait3A_370, %dma_wait3A_371] : memref<8x1x2048x16x128xf32, #tpu.memory_space<hbm>> -> memref<1x1x28x16x128xf32, #tpu.memory_space<hbm>>
    %dma_wait3A_373 = tpu.memref_squeeze %dma_wait3A_372 : memref<1x1x28x16x128xf32, #tpu.memory_space<hbm>> -> memref<1x28x16x128xf32, #tpu.memory_space<hbm>>
    tpu.wait_dma2 semaphore(%arg8 : memref<!tpu.dma_semaphore, #tpu.memory_space<semaphore_mem>>) src(%arg4 : memref<1x28x16x128xf32, #tpu.memory_space<vmem>>) dst(%dma_wait3A_373 : memref<1x28x16x128xf32, #tpu.memory_space<hbm>>)
    %add3A_374 = arith.constant 224 : i32
    %add3A_375 = arith.addi %add3A_34, %add3A_374 : i32
    %dma_start3A_376 = arith.constant 0 : i32
    %dma_start3A_377 = arith.constant 0 : i32
    %dma_start3A_378 = arith.constant 0 : i32
    %dma_start3A_379 = tpu.memref_slice %arg2[%select_n3A, %dma_start3A_376, %add3A_375, %dma_start3A_377, %dma_start3A_378] : memref<8x1x2048x16x128xf32, #tpu.memory_space<hbm>> -> memref<1x1x28x16x128xf32, #tpu.memory_space<hbm>>
    %dma_start3A_380 = tpu.memref_squeeze %dma_start3A_379 : memref<1x1x28x16x128xf32, #tpu.memory_space<hbm>> -> memref<1x28x16x128xf32, #tpu.memory_space<hbm>>
    %dma_start3A_381 = arith.constant 0 : i32
    %dma_start3A_382 = arith.constant 0 : i32
    %dma_start3A_383 = tpu.memref_slice %arg2[%select_n3A, %dma_start3A_376, %add3A_375, %dma_start3A_381, %dma_start3A_382] : memref<8x1x2048x16x128xf32, #tpu.memory_space<hbm>> -> memref<1x1x28x16x128xf32, #tpu.memory_space<hbm>>
    %dma_start3A_384 = tpu.memref_squeeze %dma_start3A_383 : memref<1x1x28x16x128xf32, #tpu.memory_space<hbm>> -> memref<1x28x16x128xf32, #tpu.memory_space<hbm>>
    tpu.enqueue_dma source(%dma_start3A_384 : memref<1x28x16x128xf32, #tpu.memory_space<hbm>>) target(%arg4 : memref<1x28x16x128xf32, #tpu.memory_space<vmem>>) target_semaphore(%arg6 : memref<!tpu.dma_semaphore, #tpu.memory_space<semaphore_mem>>)
    %add3A_385 = arith.constant 224 : i32
    %add3A_386 = arith.addi %add3A_34, %add3A_385 : i32
    %dma_wait3A_387 = arith.constant 0 : i32
    %dma_wait3A_388 = arith.constant 0 : i32
    %dma_wait3A_389 = arith.constant 0 : i32
    %dma_wait3A_390 = tpu.memref_slice %arg2[%select_n3A, %dma_wait3A_387, %add3A_386, %dma_wait3A_388, %dma_wait3A_389] : memref<8x1x2048x16x128xf32, #tpu.memory_space<hbm>> -> memref<1x1x28x16x128xf32, #tpu.memory_space<hbm>>
    %dma_wait3A_391 = tpu.memref_squeeze %dma_wait3A_390 : memref<1x1x28x16x128xf32, #tpu.memory_space<hbm>> -> memref<1x28x16x128xf32, #tpu.memory_space<hbm>>
    %dma_wait3A_392 = arith.constant 0 : i32
    %dma_wait3A_393 = arith.constant 0 : i32
    %dma_wait3A_394 = tpu.memref_slice %arg2[%select_n3A, %dma_wait3A_387, %add3A_386, %dma_wait3A_392, %dma_wait3A_393] : memref<8x1x2048x16x128xf32, #tpu.memory_space<hbm>> -> memref<1x1x28x16x128xf32, #tpu.memory_space<hbm>>
    %dma_wait3A_395 = tpu.memref_squeeze %dma_wait3A_394 : memref<1x1x28x16x128xf32, #tpu.memory_space<hbm>> -> memref<1x28x16x128xf32, #tpu.memory_space<hbm>>
    tpu.wait_dma2 semaphore(%arg6 : memref<!tpu.dma_semaphore, #tpu.memory_space<semaphore_mem>>) src(%dma_wait3A_395 : memref<1x28x16x128xf32, #tpu.memory_space<hbm>>) dst(%arg4 : memref<1x28x16x128xf32, #tpu.memory_space<vmem>>)
    %add3A_396 = arith.constant 224 : i32
    %add3A_397 = arith.addi %add3A_34, %add3A_396 : i32
    %dma_start3A_398 = arith.constant 0 : i32
    %dma_start3A_399 = arith.constant 0 : i32
    %dma_start3A_400 = arith.constant 0 : i32
    %dma_start3A_401 = tpu.memref_slice %arg3[%select_n3A, %dma_start3A_398, %add3A_397, %dma_start3A_399, %dma_start3A_400] : memref<8x1x2048x16x128xf32, #tpu.memory_space<hbm>> -> memref<1x1x28x16x128xf32, #tpu.memory_space<hbm>>
    %dma_start3A_402 = tpu.memref_squeeze %dma_start3A_401 : memref<1x1x28x16x128xf32, #tpu.memory_space<hbm>> -> memref<1x28x16x128xf32, #tpu.memory_space<hbm>>
    %dma_start3A_403 = arith.constant 0 : i32
    %dma_start3A_404 = arith.constant 0 : i32
    %dma_start3A_405 = tpu.memref_slice %arg3[%select_n3A, %dma_start3A_398, %add3A_397, %dma_start3A_403, %dma_start3A_404] : memref<8x1x2048x16x128xf32, #tpu.memory_space<hbm>> -> memref<1x1x28x16x128xf32, #tpu.memory_space<hbm>>
    %dma_start3A_406 = tpu.memref_squeeze %dma_start3A_405 : memref<1x1x28x16x128xf32, #tpu.memory_space<hbm>> -> memref<1x28x16x128xf32, #tpu.memory_space<hbm>>
    tpu.enqueue_dma source(%arg4 : memref<1x28x16x128xf32, #tpu.memory_space<vmem>>) target(%dma_start3A_406 : memref<1x28x16x128xf32, #tpu.memory_space<hbm>>) target_semaphore(%arg8 : memref<!tpu.dma_semaphore, #tpu.memory_space<semaphore_mem>>)
    %add3A_407 = arith.constant 196 : i32
    %add3A_408 = arith.addi %add3A_34, %add3A_407 : i32
    %dma_wait3A_409 = arith.constant 0 : i32
    %dma_wait3A_410 = arith.constant 0 : i32
    %dma_wait3A_411 = arith.constant 0 : i32
    %dma_wait3A_412 = tpu.memref_slice %arg3[%select_n3A, %dma_wait3A_409, %add3A_408, %dma_wait3A_410, %dma_wait3A_411] : memref<8x1x2048x16x128xf32, #tpu.memory_space<hbm>> -> memref<1x1x28x16x128xf32, #tpu.memory_space<hbm>>
    %dma_wait3A_413 = tpu.memref_squeeze %dma_wait3A_412 : memref<1x1x28x16x128xf32, #tpu.memory_space<hbm>> -> memref<1x28x16x128xf32, #tpu.memory_space<hbm>>
    %dma_wait3A_414 = arith.constant 0 : i32
    %dma_wait3A_415 = arith.constant 0 : i32
    %dma_wait3A_416 = tpu.memref_slice %arg3[%select_n3A, %dma_wait3A_409, %add3A_408, %dma_wait3A_414, %dma_wait3A_415] : memref<8x1x2048x16x128xf32, #tpu.memory_space<hbm>> -> memref<1x1x28x16x128xf32, #tpu.memory_space<hbm>>
    %dma_wait3A_417 = tpu.memref_squeeze %dma_wait3A_416 : memref<1x1x28x16x128xf32, #tpu.memory_space<hbm>> -> memref<1x28x16x128xf32, #tpu.memory_space<hbm>>
    tpu.wait_dma2 semaphore(%arg9 : memref<!tpu.dma_semaphore, #tpu.memory_space<semaphore_mem>>) src(%arg5 : memref<1x28x16x128xf32, #tpu.memory_space<vmem>>) dst(%dma_wait3A_417 : memref<1x28x16x128xf32, #tpu.memory_space<hbm>>)
    %add3A_418 = arith.constant 252 : i32
    %add3A_419 = arith.addi %add3A_34, %add3A_418 : i32
    %dma_start3A_420 = arith.constant 0 : i32
    %dma_start3A_421 = arith.constant 0 : i32
    %dma_start3A_422 = arith.constant 0 : i32
    %dma_start3A_423 = tpu.memref_slice %arg2[%select_n3A, %dma_start3A_420, %add3A_419, %dma_start3A_421, %dma_start3A_422] : memref<8x1x2048x16x128xf32, #tpu.memory_space<hbm>> -> memref<1x1x28x16x128xf32, #tpu.memory_space<hbm>>
    %dma_start3A_424 = tpu.memref_squeeze %dma_start3A_423 : memref<1x1x28x16x128xf32, #tpu.memory_space<hbm>> -> memref<1x28x16x128xf32, #tpu.memory_space<hbm>>
    %dma_start3A_425 = arith.constant 0 : i32
    %dma_start3A_426 = arith.constant 0 : i32
    %dma_start3A_427 = tpu.memref_slice %arg2[%select_n3A, %dma_start3A_420, %add3A_419, %dma_start3A_425, %dma_start3A_426] : memref<8x1x2048x16x128xf32, #tpu.memory_space<hbm>> -> memref<1x1x28x16x128xf32, #tpu.memory_space<hbm>>
    %dma_start3A_428 = tpu.memref_squeeze %dma_start3A_427 : memref<1x1x28x16x128xf32, #tpu.memory_space<hbm>> -> memref<1x28x16x128xf32, #tpu.memory_space<hbm>>
    tpu.enqueue_dma source(%dma_start3A_428 : memref<1x28x16x128xf32, #tpu.memory_space<hbm>>) target(%arg5 : memref<1x28x16x128xf32, #tpu.memory_space<vmem>>) target_semaphore(%arg7 : memref<!tpu.dma_semaphore, #tpu.memory_space<semaphore_mem>>)
    %add3A_429 = arith.constant 252 : i32
    %add3A_430 = arith.addi %add3A_34, %add3A_429 : i32
    %dma_wait3A_431 = arith.constant 0 : i32
    %dma_wait3A_432 = arith.constant 0 : i32
    %dma_wait3A_433 = arith.constant 0 : i32
    %dma_wait3A_434 = tpu.memref_slice %arg2[%select_n3A, %dma_wait3A_431, %add3A_430, %dma_wait3A_432, %dma_wait3A_433] : memref<8x1x2048x16x128xf32, #tpu.memory_space<hbm>> -> memref<1x1x28x16x128xf32, #tpu.memory_space<hbm>>
    %dma_wait3A_435 = tpu.memref_squeeze %dma_wait3A_434 : memref<1x1x28x16x128xf32, #tpu.memory_space<hbm>> -> memref<1x28x16x128xf32, #tpu.memory_space<hbm>>
    %dma_wait3A_436 = arith.constant 0 : i32
    %dma_wait3A_437 = arith.constant 0 : i32
    %dma_wait3A_438 = tpu.memref_slice %arg2[%select_n3A, %dma_wait3A_431, %add3A_430, %dma_wait3A_436, %dma_wait3A_437] : memref<8x1x2048x16x128xf32, #tpu.memory_space<hbm>> -> memref<1x1x28x16x128xf32, #tpu.memory_space<hbm>>
    %dma_wait3A_439 = tpu.memref_squeeze %dma_wait3A_438 : memref<1x1x28x16x128xf32, #tpu.memory_space<hbm>> -> memref<1x28x16x128xf32, #tpu.memory_space<hbm>>
    tpu.wait_dma2 semaphore(%arg7 : memref<!tpu.dma_semaphore, #tpu.memory_space<semaphore_mem>>) src(%dma_wait3A_439 : memref<1x28x16x128xf32, #tpu.memory_space<hbm>>) dst(%arg5 : memref<1x28x16x128xf32, #tpu.memory_space<vmem>>)
    %add3A_440 = arith.constant 252 : i32
    %add3A_441 = arith.addi %add3A_34, %add3A_440 : i32
    %dma_start3A_442 = arith.constant 0 : i32
    %dma_start3A_443 = arith.constant 0 : i32
    %dma_start3A_444 = arith.constant 0 : i32
    %dma_start3A_445 = tpu.memref_slice %arg3[%select_n3A, %dma_start3A_442, %add3A_441, %dma_start3A_443, %dma_start3A_444] : memref<8x1x2048x16x128xf32, #tpu.memory_space<hbm>> -> memref<1x1x28x16x128xf32, #tpu.memory_space<hbm>>
    %dma_start3A_446 = tpu.memref_squeeze %dma_start3A_445 : memref<1x1x28x16x128xf32, #tpu.memory_space<hbm>> -> memref<1x28x16x128xf32, #tpu.memory_space<hbm>>
    %dma_start3A_447 = arith.constant 0 : i32
    %dma_start3A_448 = arith.constant 0 : i32
    %dma_start3A_449 = tpu.memref_slice %arg3[%select_n3A, %dma_start3A_442, %add3A_441, %dma_start3A_447, %dma_start3A_448] : memref<8x1x2048x16x128xf32, #tpu.memory_space<hbm>> -> memref<1x1x28x16x128xf32, #tpu.memory_space<hbm>>
    %dma_start3A_450 = tpu.memref_squeeze %dma_start3A_449 : memref<1x1x28x16x128xf32, #tpu.memory_space<hbm>> -> memref<1x28x16x128xf32, #tpu.memory_space<hbm>>
    tpu.enqueue_dma source(%arg5 : memref<1x28x16x128xf32, #tpu.memory_space<vmem>>) target(%dma_start3A_450 : memref<1x28x16x128xf32, #tpu.memory_space<hbm>>) target_semaphore(%arg9 : memref<!tpu.dma_semaphore, #tpu.memory_space<semaphore_mem>>)
    %add3A_451 = arith.constant 224 : i32
    %add3A_452 = arith.addi %add3A_34, %add3A_451 : i32
    %dma_wait3A_453 = arith.constant 0 : i32
    %dma_wait3A_454 = arith.constant 0 : i32
    %dma_wait3A_455 = arith.constant 0 : i32
    %dma_wait3A_456 = tpu.memref_slice %arg3[%select_n3A, %dma_wait3A_453, %add3A_452, %dma_wait3A_454, %dma_wait3A_455] : memref<8x1x2048x16x128xf32, #tpu.memory_space<hbm>> -> memref<1x1x28x16x128xf32, #tpu.memory_space<hbm>>
    %dma_wait3A_457 = tpu.memref_squeeze %dma_wait3A_456 : memref<1x1x28x16x128xf32, #tpu.memory_space<hbm>> -> memref<1x28x16x128xf32, #tpu.memory_space<hbm>>
    %dma_wait3A_458 = arith.constant 0 : i32
    %dma_wait3A_459 = arith.constant 0 : i32
    %dma_wait3A_460 = tpu.memref_slice %arg3[%select_n3A, %dma_wait3A_453, %add3A_452, %dma_wait3A_458, %dma_wait3A_459] : memref<8x1x2048x16x128xf32, #tpu.memory_space<hbm>> -> memref<1x1x28x16x128xf32, #tpu.memory_space<hbm>>
    %dma_wait3A_461 = tpu.memref_squeeze %dma_wait3A_460 : memref<1x1x28x16x128xf32, #tpu.memory_space<hbm>> -> memref<1x28x16x128xf32, #tpu.memory_space<hbm>>
    tpu.wait_dma2 semaphore(%arg8 : memref<!tpu.dma_semaphore, #tpu.memory_space<semaphore_mem>>) src(%arg4 : memref<1x28x16x128xf32, #tpu.memory_space<vmem>>) dst(%dma_wait3A_461 : memref<1x28x16x128xf32, #tpu.memory_space<hbm>>)
    %add3A_462 = arith.constant 280 : i32
    %add3A_463 = arith.addi %add3A_34, %add3A_462 : i32
    %dma_start3A_464 = arith.constant 0 : i32
    %dma_start3A_465 = arith.constant 0 : i32
    %dma_start3A_466 = arith.constant 0 : i32
    %dma_start3A_467 = tpu.memref_slice %arg2[%select_n3A, %dma_start3A_464, %add3A_463, %dma_start3A_465, %dma_start3A_466] : memref<8x1x2048x16x128xf32, #tpu.memory_space<hbm>> -> memref<1x1x28x16x128xf32, #tpu.memory_space<hbm>>
    %dma_start3A_468 = tpu.memref_squeeze %dma_start3A_467 : memref<1x1x28x16x128xf32, #tpu.memory_space<hbm>> -> memref<1x28x16x128xf32, #tpu.memory_space<hbm>>
    %dma_start3A_469 = arith.constant 0 : i32
    %dma_start3A_470 = arith.constant 0 : i32
    %dma_start3A_471 = tpu.memref_slice %arg2[%select_n3A, %dma_start3A_464, %add3A_463, %dma_start3A_469, %dma_start3A_470] : memref<8x1x2048x16x128xf32, #tpu.memory_space<hbm>> -> memref<1x1x28x16x128xf32, #tpu.memory_space<hbm>>
    %dma_start3A_472 = tpu.memref_squeeze %dma_start3A_471 : memref<1x1x28x16x128xf32, #tpu.memory_space<hbm>> -> memref<1x28x16x128xf32, #tpu.memory_space<hbm>>
    tpu.enqueue_dma source(%dma_start3A_472 : memref<1x28x16x128xf32, #tpu.memory_space<hbm>>) target(%arg4 : memref<1x28x16x128xf32, #tpu.memory_space<vmem>>) target_semaphore(%arg6 : memref<!tpu.dma_semaphore, #tpu.memory_space<semaphore_mem>>)
    %add3A_473 = arith.constant 280 : i32
    %add3A_474 = arith.addi %add3A_34, %add3A_473 : i32
    %dma_wait3A_475 = arith.constant 0 : i32
    %dma_wait3A_476 = arith.constant 0 : i32
    %dma_wait3A_477 = arith.constant 0 : i32
    %dma_wait3A_478 = tpu.memref_slice %arg2[%select_n3A, %dma_wait3A_475, %add3A_474, %dma_wait3A_476, %dma_wait3A_477] : memref<8x1x2048x16x128xf32, #tpu.memory_space<hbm>> -> memref<1x1x28x16x128xf32, #tpu.memory_space<hbm>>
    %dma_wait3A_479 = tpu.memref_squeeze %dma_wait3A_478 : memref<1x1x28x16x128xf32, #tpu.memory_space<hbm>> -> memref<1x28x16x128xf32, #tpu.memory_space<hbm>>
    %dma_wait3A_480 = arith.constant 0 : i32
    %dma_wait3A_481 = arith.constant 0 : i32
    %dma_wait3A_482 = tpu.memref_slice %arg2[%select_n3A, %dma_wait3A_475, %add3A_474, %dma_wait3A_480, %dma_wait3A_481] : memref<8x1x2048x16x128xf32, #tpu.memory_space<hbm>> -> memref<1x1x28x16x128xf32, #tpu.memory_space<hbm>>
    %dma_wait3A_483 = tpu.memref_squeeze %dma_wait3A_482 : memref<1x1x28x16x128xf32, #tpu.memory_space<hbm>> -> memref<1x28x16x128xf32, #tpu.memory_space<hbm>>
    tpu.wait_dma2 semaphore(%arg6 : memref<!tpu.dma_semaphore, #tpu.memory_space<semaphore_mem>>) src(%dma_wait3A_483 : memref<1x28x16x128xf32, #tpu.memory_space<hbm>>) dst(%arg4 : memref<1x28x16x128xf32, #tpu.memory_space<vmem>>)
    %add3A_484 = arith.constant 280 : i32
    %add3A_485 = arith.addi %add3A_34, %add3A_484 : i32
    %dma_start3A_486 = arith.constant 0 : i32
    %dma_start3A_487 = arith.constant 0 : i32
    %dma_start3A_488 = arith.constant 0 : i32
    %dma_start3A_489 = tpu.memref_slice %arg3[%select_n3A, %dma_start3A_486, %add3A_485, %dma_start3A_487, %dma_start3A_488] : memref<8x1x2048x16x128xf32, #tpu.memory_space<hbm>> -> memref<1x1x28x16x128xf32, #tpu.memory_space<hbm>>
    %dma_start3A_490 = tpu.memref_squeeze %dma_start3A_489 : memref<1x1x28x16x128xf32, #tpu.memory_space<hbm>> -> memref<1x28x16x128xf32, #tpu.memory_space<hbm>>
    %dma_start3A_491 = arith.constant 0 : i32
    %dma_start3A_492 = arith.constant 0 : i32
    %dma_start3A_493 = tpu.memref_slice %arg3[%select_n3A, %dma_start3A_486, %add3A_485, %dma_start3A_491, %dma_start3A_492] : memref<8x1x2048x16x128xf32, #tpu.memory_space<hbm>> -> memref<1x1x28x16x128xf32, #tpu.memory_space<hbm>>
    %dma_start3A_494 = tpu.memref_squeeze %dma_start3A_493 : memref<1x1x28x16x128xf32, #tpu.memory_space<hbm>> -> memref<1x28x16x128xf32, #tpu.memory_space<hbm>>
    tpu.enqueue_dma source(%arg4 : memref<1x28x16x128xf32, #tpu.memory_space<vmem>>) target(%dma_start3A_494 : memref<1x28x16x128xf32, #tpu.memory_space<hbm>>) target_semaphore(%arg8 : memref<!tpu.dma_semaphore, #tpu.memory_space<semaphore_mem>>)
    %add3A_495 = arith.constant 252 : i32
    %add3A_496 = arith.addi %add3A_34, %add3A_495 : i32
    %dma_wait3A_497 = arith.constant 0 : i32
    %dma_wait3A_498 = arith.constant 0 : i32
    %dma_wait3A_499 = arith.constant 0 : i32
    %dma_wait3A_500 = tpu.memref_slice %arg3[%select_n3A, %dma_wait3A_497, %add3A_496, %dma_wait3A_498, %dma_wait3A_499] : memref<8x1x2048x16x128xf32, #tpu.memory_space<hbm>> -> memref<1x1x28x16x128xf32, #tpu.memory_space<hbm>>
    %dma_wait3A_501 = tpu.memref_squeeze %dma_wait3A_500 : memref<1x1x28x16x128xf32, #tpu.memory_space<hbm>> -> memref<1x28x16x128xf32, #tpu.memory_space<hbm>>
    %dma_wait3A_502 = arith.constant 0 : i32
    %dma_wait3A_503 = arith.constant 0 : i32
    %dma_wait3A_504 = tpu.memref_slice %arg3[%select_n3A, %dma_wait3A_497, %add3A_496, %dma_wait3A_502, %dma_wait3A_503] : memref<8x1x2048x16x128xf32, #tpu.memory_space<hbm>> -> memref<1x1x28x16x128xf32, #tpu.memory_space<hbm>>
    %dma_wait3A_505 = tpu.memref_squeeze %dma_wait3A_504 : memref<1x1x28x16x128xf32, #tpu.memory_space<hbm>> -> memref<1x28x16x128xf32, #tpu.memory_space<hbm>>
    tpu.wait_dma2 semaphore(%arg9 : memref<!tpu.dma_semaphore, #tpu.memory_space<semaphore_mem>>) src(%arg5 : memref<1x28x16x128xf32, #tpu.memory_space<vmem>>) dst(%dma_wait3A_505 : memref<1x28x16x128xf32, #tpu.memory_space<hbm>>)
    %add3A_506 = arith.constant 308 : i32
    %add3A_507 = arith.addi %add3A_34, %add3A_506 : i32
    %dma_start3A_508 = arith.constant 0 : i32
    %dma_start3A_509 = arith.constant 0 : i32
    %dma_start3A_510 = arith.constant 0 : i32
    %dma_start3A_511 = tpu.memref_slice %arg2[%select_n3A, %dma_start3A_508, %add3A_507, %dma_start3A_509, %dma_start3A_510] : memref<8x1x2048x16x128xf32, #tpu.memory_space<hbm>> -> memref<1x1x28x16x128xf32, #tpu.memory_space<hbm>>
    %dma_start3A_512 = tpu.memref_squeeze %dma_start3A_511 : memref<1x1x28x16x128xf32, #tpu.memory_space<hbm>> -> memref<1x28x16x128xf32, #tpu.memory_space<hbm>>
    %dma_start3A_513 = arith.constant 0 : i32
    %dma_start3A_514 = arith.constant 0 : i32
    %dma_start3A_515 = tpu.memref_slice %arg2[%select_n3A, %dma_start3A_508, %add3A_507, %dma_start3A_513, %dma_start3A_514] : memref<8x1x2048x16x128xf32, #tpu.memory_space<hbm>> -> memref<1x1x28x16x128xf32, #tpu.memory_space<hbm>>
    %dma_start3A_516 = tpu.memref_squeeze %dma_start3A_515 : memref<1x1x28x16x128xf32, #tpu.memory_space<hbm>> -> memref<1x28x16x128xf32, #tpu.memory_space<hbm>>
    tpu.enqueue_dma source(%dma_start3A_516 : memref<1x28x16x128xf32, #tpu.memory_space<hbm>>) target(%arg5 : memref<1x28x16x128xf32, #tpu.memory_space<vmem>>) target_semaphore(%arg7 : memref<!tpu.dma_semaphore, #tpu.memory_space<semaphore_mem>>)
    %add3A_517 = arith.constant 308 : i32
    %add3A_518 = arith.addi %add3A_34, %add3A_517 : i32
    %dma_wait3A_519 = arith.constant 0 : i32
    %dma_wait3A_520 = arith.constant 0 : i32
    %dma_wait3A_521 = arith.constant 0 : i32
    %dma_wait3A_522 = tpu.memref_slice %arg2[%select_n3A, %dma_wait3A_519, %add3A_518, %dma_wait3A_520, %dma_wait3A_521] : memref<8x1x2048x16x128xf32, #tpu.memory_space<hbm>> -> memref<1x1x28x16x128xf32, #tpu.memory_space<hbm>>
    %dma_wait3A_523 = tpu.memref_squeeze %dma_wait3A_522 : memref<1x1x28x16x128xf32, #tpu.memory_space<hbm>> -> memref<1x28x16x128xf32, #tpu.memory_space<hbm>>
    %dma_wait3A_524 = arith.constant 0 : i32
    %dma_wait3A_525 = arith.constant 0 : i32
    %dma_wait3A_526 = tpu.memref_slice %arg2[%select_n3A, %dma_wait3A_519, %add3A_518, %dma_wait3A_524, %dma_wait3A_525] : memref<8x1x2048x16x128xf32, #tpu.memory_space<hbm>> -> memref<1x1x28x16x128xf32, #tpu.memory_space<hbm>>
    %dma_wait3A_527 = tpu.memref_squeeze %dma_wait3A_526 : memref<1x1x28x16x128xf32, #tpu.memory_space<hbm>> -> memref<1x28x16x128xf32, #tpu.memory_space<hbm>>
    tpu.wait_dma2 semaphore(%arg7 : memref<!tpu.dma_semaphore, #tpu.memory_space<semaphore_mem>>) src(%dma_wait3A_527 : memref<1x28x16x128xf32, #tpu.memory_space<hbm>>) dst(%arg5 : memref<1x28x16x128xf32, #tpu.memory_space<vmem>>)
    %add3A_528 = arith.constant 308 : i32
    %add3A_529 = arith.addi %add3A_34, %add3A_528 : i32
    %dma_start3A_530 = arith.constant 0 : i32
    %dma_start3A_531 = arith.constant 0 : i32
    %dma_start3A_532 = arith.constant 0 : i32
    %dma_start3A_533 = tpu.memref_slice %arg3[%select_n3A, %dma_start3A_530, %add3A_529, %dma_start3A_531, %dma_start3A_532] : memref<8x1x2048x16x128xf32, #tpu.memory_space<hbm>> -> memref<1x1x28x16x128xf32, #tpu.memory_space<hbm>>
    %dma_start3A_534 = tpu.memref_squeeze %dma_start3A_533 : memref<1x1x28x16x128xf32, #tpu.memory_space<hbm>> -> memref<1x28x16x128xf32, #tpu.memory_space<hbm>>
    %dma_start3A_535 = arith.constant 0 : i32
    %dma_start3A_536 = arith.constant 0 : i32
    %dma_start3A_537 = tpu.memref_slice %arg3[%select_n3A, %dma_start3A_530, %add3A_529, %dma_start3A_535, %dma_start3A_536] : memref<8x1x2048x16x128xf32, #tpu.memory_space<hbm>> -> memref<1x1x28x16x128xf32, #tpu.memory_space<hbm>>
    %dma_start3A_538 = tpu.memref_squeeze %dma_start3A_537 : memref<1x1x28x16x128xf32, #tpu.memory_space<hbm>> -> memref<1x28x16x128xf32, #tpu.memory_space<hbm>>
    tpu.enqueue_dma source(%arg5 : memref<1x28x16x128xf32, #tpu.memory_space<vmem>>) target(%dma_start3A_538 : memref<1x28x16x128xf32, #tpu.memory_space<hbm>>) target_semaphore(%arg9 : memref<!tpu.dma_semaphore, #tpu.memory_space<semaphore_mem>>)
    %add3A_539 = arith.constant 280 : i32
    %add3A_540 = arith.addi %add3A_34, %add3A_539 : i32
    %dma_wait3A_541 = arith.constant 0 : i32
    %dma_wait3A_542 = arith.constant 0 : i32
    %dma_wait3A_543 = arith.constant 0 : i32
    %dma_wait3A_544 = tpu.memref_slice %arg3[%select_n3A, %dma_wait3A_541, %add3A_540, %dma_wait3A_542, %dma_wait3A_543] : memref<8x1x2048x16x128xf32, #tpu.memory_space<hbm>> -> memref<1x1x28x16x128xf32, #tpu.memory_space<hbm>>
    %dma_wait3A_545 = tpu.memref_squeeze %dma_wait3A_544 : memref<1x1x28x16x128xf32, #tpu.memory_space<hbm>> -> memref<1x28x16x128xf32, #tpu.memory_space<hbm>>
    %dma_wait3A_546 = arith.constant 0 : i32
    %dma_wait3A_547 = arith.constant 0 : i32
    %dma_wait3A_548 = tpu.memref_slice %arg3[%select_n3A, %dma_wait3A_541, %add3A_540, %dma_wait3A_546, %dma_wait3A_547] : memref<8x1x2048x16x128xf32, #tpu.memory_space<hbm>> -> memref<1x1x28x16x128xf32, #tpu.memory_space<hbm>>
    %dma_wait3A_549 = tpu.memref_squeeze %dma_wait3A_548 : memref<1x1x28x16x128xf32, #tpu.memory_space<hbm>> -> memref<1x28x16x128xf32, #tpu.memory_space<hbm>>
    tpu.wait_dma2 semaphore(%arg8 : memref<!tpu.dma_semaphore, #tpu.memory_space<semaphore_mem>>) src(%arg4 : memref<1x28x16x128xf32, #tpu.memory_space<vmem>>) dst(%dma_wait3A_549 : memref<1x28x16x128xf32, #tpu.memory_space<hbm>>)
    %add3A_550 = arith.constant 336 : i32
    %add3A_551 = arith.addi %add3A_34, %add3A_550 : i32
    %dma_start3A_552 = arith.constant 0 : i32
    %dma_start3A_553 = arith.constant 0 : i32
    %dma_start3A_554 = arith.constant 0 : i32
    %dma_start3A_555 = tpu.memref_slice %arg2[%select_n3A, %dma_start3A_552, %add3A_551, %dma_start3A_553, %dma_start3A_554] : memref<8x1x2048x16x128xf32, #tpu.memory_space<hbm>> -> memref<1x1x28x16x128xf32, #tpu.memory_space<hbm>>
    %dma_start3A_556 = tpu.memref_squeeze %dma_start3A_555 : memref<1x1x28x16x128xf32, #tpu.memory_space<hbm>> -> memref<1x28x16x128xf32, #tpu.memory_space<hbm>>
    %dma_start3A_557 = arith.constant 0 : i32
    %dma_start3A_558 = arith.constant 0 : i32
    %dma_start3A_559 = tpu.memref_slice %arg2[%select_n3A, %dma_start3A_552, %add3A_551, %dma_start3A_557, %dma_start3A_558] : memref<8x1x2048x16x128xf32, #tpu.memory_space<hbm>> -> memref<1x1x28x16x128xf32, #tpu.memory_space<hbm>>
    %dma_start3A_560 = tpu.memref_squeeze %dma_start3A_559 : memref<1x1x28x16x128xf32, #tpu.memory_space<hbm>> -> memref<1x28x16x128xf32, #tpu.memory_space<hbm>>
    tpu.enqueue_dma source(%dma_start3A_560 : memref<1x28x16x128xf32, #tpu.memory_space<hbm>>) target(%arg4 : memref<1x28x16x128xf32, #tpu.memory_space<vmem>>) target_semaphore(%arg6 : memref<!tpu.dma_semaphore, #tpu.memory_space<semaphore_mem>>)
    %add3A_561 = arith.constant 336 : i32
    %add3A_562 = arith.addi %add3A_34, %add3A_561 : i32
    %dma_wait3A_563 = arith.constant 0 : i32
    %dma_wait3A_564 = arith.constant 0 : i32
    %dma_wait3A_565 = arith.constant 0 : i32
    %dma_wait3A_566 = tpu.memref_slice %arg2[%select_n3A, %dma_wait3A_563, %add3A_562, %dma_wait3A_564, %dma_wait3A_565] : memref<8x1x2048x16x128xf32, #tpu.memory_space<hbm>> -> memref<1x1x28x16x128xf32, #tpu.memory_space<hbm>>
    %dma_wait3A_567 = tpu.memref_squeeze %dma_wait3A_566 : memref<1x1x28x16x128xf32, #tpu.memory_space<hbm>> -> memref<1x28x16x128xf32, #tpu.memory_space<hbm>>
    %dma_wait3A_568 = arith.constant 0 : i32
    %dma_wait3A_569 = arith.constant 0 : i32
    %dma_wait3A_570 = tpu.memref_slice %arg2[%select_n3A, %dma_wait3A_563, %add3A_562, %dma_wait3A_568, %dma_wait3A_569] : memref<8x1x2048x16x128xf32, #tpu.memory_space<hbm>> -> memref<1x1x28x16x128xf32, #tpu.memory_space<hbm>>
    %dma_wait3A_571 = tpu.memref_squeeze %dma_wait3A_570 : memref<1x1x28x16x128xf32, #tpu.memory_space<hbm>> -> memref<1x28x16x128xf32, #tpu.memory_space<hbm>>
    tpu.wait_dma2 semaphore(%arg6 : memref<!tpu.dma_semaphore, #tpu.memory_space<semaphore_mem>>) src(%dma_wait3A_571 : memref<1x28x16x128xf32, #tpu.memory_space<hbm>>) dst(%arg4 : memref<1x28x16x128xf32, #tpu.memory_space<vmem>>)
    %add3A_572 = arith.constant 336 : i32
    %add3A_573 = arith.addi %add3A_34, %add3A_572 : i32
    %dma_start3A_574 = arith.constant 0 : i32
    %dma_start3A_575 = arith.constant 0 : i32
    %dma_start3A_576 = arith.constant 0 : i32
    %dma_start3A_577 = tpu.memref_slice %arg3[%select_n3A, %dma_start3A_574, %add3A_573, %dma_start3A_575, %dma_start3A_576] : memref<8x1x2048x16x128xf32, #tpu.memory_space<hbm>> -> memref<1x1x28x16x128xf32, #tpu.memory_space<hbm>>
    %dma_start3A_578 = tpu.memref_squeeze %dma_start3A_577 : memref<1x1x28x16x128xf32, #tpu.memory_space<hbm>> -> memref<1x28x16x128xf32, #tpu.memory_space<hbm>>
    %dma_start3A_579 = arith.constant 0 : i32
    %dma_start3A_580 = arith.constant 0 : i32
    %dma_start3A_581 = tpu.memref_slice %arg3[%select_n3A, %dma_start3A_574, %add3A_573, %dma_start3A_579, %dma_start3A_580] : memref<8x1x2048x16x128xf32, #tpu.memory_space<hbm>> -> memref<1x1x28x16x128xf32, #tpu.memory_space<hbm>>
    %dma_start3A_582 = tpu.memref_squeeze %dma_start3A_581 : memref<1x1x28x16x128xf32, #tpu.memory_space<hbm>> -> memref<1x28x16x128xf32, #tpu.memory_space<hbm>>
    tpu.enqueue_dma source(%arg4 : memref<1x28x16x128xf32, #tpu.memory_space<vmem>>) target(%dma_start3A_582 : memref<1x28x16x128xf32, #tpu.memory_space<hbm>>) target_semaphore(%arg8 : memref<!tpu.dma_semaphore, #tpu.memory_space<semaphore_mem>>)
    %add3A_583 = arith.constant 308 : i32
    %add3A_584 = arith.addi %add3A_34, %add3A_583 : i32
    %dma_wait3A_585 = arith.constant 0 : i32
    %dma_wait3A_586 = arith.constant 0 : i32
    %dma_wait3A_587 = arith.constant 0 : i32
    %dma_wait3A_588 = tpu.memref_slice %arg3[%select_n3A, %dma_wait3A_585, %add3A_584, %dma_wait3A_586, %dma_wait3A_587] : memref<8x1x2048x16x128xf32, #tpu.memory_space<hbm>> -> memref<1x1x28x16x128xf32, #tpu.memory_space<hbm>>
    %dma_wait3A_589 = tpu.memref_squeeze %dma_wait3A_588 : memref<1x1x28x16x128xf32, #tpu.memory_space<hbm>> -> memref<1x28x16x128xf32, #tpu.memory_space<hbm>>
    %dma_wait3A_590 = arith.constant 0 : i32
    %dma_wait3A_591 = arith.constant 0 : i32
    %dma_wait3A_592 = tpu.memref_slice %arg3[%select_n3A, %dma_wait3A_585, %add3A_584, %dma_wait3A_590, %dma_wait3A_591] : memref<8x1x2048x16x128xf32, #tpu.memory_space<hbm>> -> memref<1x1x28x16x128xf32, #tpu.memory_space<hbm>>
    %dma_wait3A_593 = tpu.memref_squeeze %dma_wait3A_592 : memref<1x1x28x16x128xf32, #tpu.memory_space<hbm>> -> memref<1x28x16x128xf32, #tpu.memory_space<hbm>>
    tpu.wait_dma2 semaphore(%arg9 : memref<!tpu.dma_semaphore, #tpu.memory_space<semaphore_mem>>) src(%arg5 : memref<1x28x16x128xf32, #tpu.memory_space<vmem>>) dst(%dma_wait3A_593 : memref<1x28x16x128xf32, #tpu.memory_space<hbm>>)
    %add3A_594 = arith.constant 364 : i32
    %add3A_595 = arith.addi %add3A_34, %add3A_594 : i32
    %dma_start3A_596 = arith.constant 0 : i32
    %dma_start3A_597 = arith.constant 0 : i32
    %dma_start3A_598 = arith.constant 0 : i32
    %dma_start3A_599 = tpu.memref_slice %arg2[%select_n3A, %dma_start3A_596, %add3A_595, %dma_start3A_597, %dma_start3A_598] : memref<8x1x2048x16x128xf32, #tpu.memory_space<hbm>> -> memref<1x1x28x16x128xf32, #tpu.memory_space<hbm>>
    %dma_start3A_600 = tpu.memref_squeeze %dma_start3A_599 : memref<1x1x28x16x128xf32, #tpu.memory_space<hbm>> -> memref<1x28x16x128xf32, #tpu.memory_space<hbm>>
    %dma_start3A_601 = arith.constant 0 : i32
    %dma_start3A_602 = arith.constant 0 : i32
    %dma_start3A_603 = tpu.memref_slice %arg2[%select_n3A, %dma_start3A_596, %add3A_595, %dma_start3A_601, %dma_start3A_602] : memref<8x1x2048x16x128xf32, #tpu.memory_space<hbm>> -> memref<1x1x28x16x128xf32, #tpu.memory_space<hbm>>
    %dma_start3A_604 = tpu.memref_squeeze %dma_start3A_603 : memref<1x1x28x16x128xf32, #tpu.memory_space<hbm>> -> memref<1x28x16x128xf32, #tpu.memory_space<hbm>>
    tpu.enqueue_dma source(%dma_start3A_604 : memref<1x28x16x128xf32, #tpu.memory_space<hbm>>) target(%arg5 : memref<1x28x16x128xf32, #tpu.memory_space<vmem>>) target_semaphore(%arg7 : memref<!tpu.dma_semaphore, #tpu.memory_space<semaphore_mem>>)
    %add3A_605 = arith.constant 364 : i32
    %add3A_606 = arith.addi %add3A_34, %add3A_605 : i32
    %dma_wait3A_607 = arith.constant 0 : i32
    %dma_wait3A_608 = arith.constant 0 : i32
    %dma_wait3A_609 = arith.constant 0 : i32
    %dma_wait3A_610 = tpu.memref_slice %arg2[%select_n3A, %dma_wait3A_607, %add3A_606, %dma_wait3A_608, %dma_wait3A_609] : memref<8x1x2048x16x128xf32, #tpu.memory_space<hbm>> -> memref<1x1x28x16x128xf32, #tpu.memory_space<hbm>>
    %dma_wait3A_611 = tpu.memref_squeeze %dma_wait3A_610 : memref<1x1x28x16x128xf32, #tpu.memory_space<hbm>> -> memref<1x28x16x128xf32, #tpu.memory_space<hbm>>
    %dma_wait3A_612 = arith.constant 0 : i32
    %dma_wait3A_613 = arith.constant 0 : i32
    %dma_wait3A_614 = tpu.memref_slice %arg2[%select_n3A, %dma_wait3A_607, %add3A_606, %dma_wait3A_612, %dma_wait3A_613] : memref<8x1x2048x16x128xf32, #tpu.memory_space<hbm>> -> memref<1x1x28x16x128xf32, #tpu.memory_space<hbm>>
    %dma_wait3A_615 = tpu.memref_squeeze %dma_wait3A_614 : memref<1x1x28x16x128xf32, #tpu.memory_space<hbm>> -> memref<1x28x16x128xf32, #tpu.memory_space<hbm>>
    tpu.wait_dma2 semaphore(%arg7 : memref<!tpu.dma_semaphore, #tpu.memory_space<semaphore_mem>>) src(%dma_wait3A_615 : memref<1x28x16x128xf32, #tpu.memory_space<hbm>>) dst(%arg5 : memref<1x28x16x128xf32, #tpu.memory_space<vmem>>)
    %add3A_616 = arith.constant 364 : i32
    %add3A_617 = arith.addi %add3A_34, %add3A_616 : i32
    %dma_start3A_618 = arith.constant 0 : i32
    %dma_start3A_619 = arith.constant 0 : i32
    %dma_start3A_620 = arith.constant 0 : i32
    %dma_start3A_621 = tpu.memref_slice %arg3[%select_n3A, %dma_start3A_618, %add3A_617, %dma_start3A_619, %dma_start3A_620] : memref<8x1x2048x16x128xf32, #tpu.memory_space<hbm>> -> memref<1x1x28x16x128xf32, #tpu.memory_space<hbm>>
    %dma_start3A_622 = tpu.memref_squeeze %dma_start3A_621 : memref<1x1x28x16x128xf32, #tpu.memory_space<hbm>> -> memref<1x28x16x128xf32, #tpu.memory_space<hbm>>
    %dma_start3A_623 = arith.constant 0 : i32
    %dma_start3A_624 = arith.constant 0 : i32
    %dma_start3A_625 = tpu.memref_slice %arg3[%select_n3A, %dma_start3A_618, %add3A_617, %dma_start3A_623, %dma_start3A_624] : memref<8x1x2048x16x128xf32, #tpu.memory_space<hbm>> -> memref<1x1x28x16x128xf32, #tpu.memory_space<hbm>>
    %dma_start3A_626 = tpu.memref_squeeze %dma_start3A_625 : memref<1x1x28x16x128xf32, #tpu.memory_space<hbm>> -> memref<1x28x16x128xf32, #tpu.memory_space<hbm>>
    tpu.enqueue_dma source(%arg5 : memref<1x28x16x128xf32, #tpu.memory_space<vmem>>) target(%dma_start3A_626 : memref<1x28x16x128xf32, #tpu.memory_space<hbm>>) target_semaphore(%arg9 : memref<!tpu.dma_semaphore, #tpu.memory_space<semaphore_mem>>)
    %add3A_627 = arith.constant 336 : i32
    %add3A_628 = arith.addi %add3A_34, %add3A_627 : i32
    %dma_wait3A_629 = arith.constant 0 : i32
    %dma_wait3A_630 = arith.constant 0 : i32
    %dma_wait3A_631 = arith.constant 0 : i32
    %dma_wait3A_632 = tpu.memref_slice %arg3[%select_n3A, %dma_wait3A_629, %add3A_628, %dma_wait3A_630, %dma_wait3A_631] : memref<8x1x2048x16x128xf32, #tpu.memory_space<hbm>> -> memref<1x1x28x16x128xf32, #tpu.memory_space<hbm>>
    %dma_wait3A_633 = tpu.memref_squeeze %dma_wait3A_632 : memref<1x1x28x16x128xf32, #tpu.memory_space<hbm>> -> memref<1x28x16x128xf32, #tpu.memory_space<hbm>>
    %dma_wait3A_634 = arith.constant 0 : i32
    %dma_wait3A_635 = arith.constant 0 : i32
    %dma_wait3A_636 = tpu.memref_slice %arg3[%select_n3A, %dma_wait3A_629, %add3A_628, %dma_wait3A_634, %dma_wait3A_635] : memref<8x1x2048x16x128xf32, #tpu.memory_space<hbm>> -> memref<1x1x28x16x128xf32, #tpu.memory_space<hbm>>
    %dma_wait3A_637 = tpu.memref_squeeze %dma_wait3A_636 : memref<1x1x28x16x128xf32, #tpu.memory_space<hbm>> -> memref<1x28x16x128xf32, #tpu.memory_space<hbm>>
    tpu.wait_dma2 semaphore(%arg8 : memref<!tpu.dma_semaphore, #tpu.memory_space<semaphore_mem>>) src(%arg4 : memref<1x28x16x128xf32, #tpu.memory_space<vmem>>) dst(%dma_wait3A_637 : memref<1x28x16x128xf32, #tpu.memory_space<hbm>>)
    %add3A_638 = arith.constant 392 : i32
    %add3A_639 = arith.addi %add3A_34, %add3A_638 : i32
    %dma_start3A_640 = arith.constant 0 : i32
    %dma_start3A_641 = arith.constant 0 : i32
    %dma_start3A_642 = arith.constant 0 : i32
    %dma_start3A_643 = tpu.memref_slice %arg2[%select_n3A, %dma_start3A_640, %add3A_639, %dma_start3A_641, %dma_start3A_642] : memref<8x1x2048x16x128xf32, #tpu.memory_space<hbm>> -> memref<1x1x28x16x128xf32, #tpu.memory_space<hbm>>
    %dma_start3A_644 = tpu.memref_squeeze %dma_start3A_643 : memref<1x1x28x16x128xf32, #tpu.memory_space<hbm>> -> memref<1x28x16x128xf32, #tpu.memory_space<hbm>>
    %dma_start3A_645 = arith.constant 0 : i32
    %dma_start3A_646 = arith.constant 0 : i32
    %dma_start3A_647 = tpu.memref_slice %arg2[%select_n3A, %dma_start3A_640, %add3A_639, %dma_start3A_645, %dma_start3A_646] : memref<8x1x2048x16x128xf32, #tpu.memory_space<hbm>> -> memref<1x1x28x16x128xf32, #tpu.memory_space<hbm>>
    %dma_start3A_648 = tpu.memref_squeeze %dma_start3A_647 : memref<1x1x28x16x128xf32, #tpu.memory_space<hbm>> -> memref<1x28x16x128xf32, #tpu.memory_space<hbm>>
    tpu.enqueue_dma source(%dma_start3A_648 : memref<1x28x16x128xf32, #tpu.memory_space<hbm>>) target(%arg4 : memref<1x28x16x128xf32, #tpu.memory_space<vmem>>) target_semaphore(%arg6 : memref<!tpu.dma_semaphore, #tpu.memory_space<semaphore_mem>>)
    %add3A_649 = arith.constant 392 : i32
    %add3A_650 = arith.addi %add3A_34, %add3A_649 : i32
    %dma_wait3A_651 = arith.constant 0 : i32
    %dma_wait3A_652 = arith.constant 0 : i32
    %dma_wait3A_653 = arith.constant 0 : i32
    %dma_wait3A_654 = tpu.memref_slice %arg2[%select_n3A, %dma_wait3A_651, %add3A_650, %dma_wait3A_652, %dma_wait3A_653] : memref<8x1x2048x16x128xf32, #tpu.memory_space<hbm>> -> memref<1x1x28x16x128xf32, #tpu.memory_space<hbm>>
    %dma_wait3A_655 = tpu.memref_squeeze %dma_wait3A_654 : memref<1x1x28x16x128xf32, #tpu.memory_space<hbm>> -> memref<1x28x16x128xf32, #tpu.memory_space<hbm>>
    %dma_wait3A_656 = arith.constant 0 : i32
    %dma_wait3A_657 = arith.constant 0 : i32
    %dma_wait3A_658 = tpu.memref_slice %arg2[%select_n3A, %dma_wait3A_651, %add3A_650, %dma_wait3A_656, %dma_wait3A_657] : memref<8x1x2048x16x128xf32, #tpu.memory_space<hbm>> -> memref<1x1x28x16x128xf32, #tpu.memory_space<hbm>>
    %dma_wait3A_659 = tpu.memref_squeeze %dma_wait3A_658 : memref<1x1x28x16x128xf32, #tpu.memory_space<hbm>> -> memref<1x28x16x128xf32, #tpu.memory_space<hbm>>
    tpu.wait_dma2 semaphore(%arg6 : memref<!tpu.dma_semaphore, #tpu.memory_space<semaphore_mem>>) src(%dma_wait3A_659 : memref<1x28x16x128xf32, #tpu.memory_space<hbm>>) dst(%arg4 : memref<1x28x16x128xf32, #tpu.memory_space<vmem>>)
    %add3A_660 = arith.constant 392 : i32
    %add3A_661 = arith.addi %add3A_34, %add3A_660 : i32
    %dma_start3A_662 = arith.constant 0 : i32
    %dma_start3A_663 = arith.constant 0 : i32
    %dma_start3A_664 = arith.constant 0 : i32
    %dma_start3A_665 = tpu.memref_slice %arg3[%select_n3A, %dma_start3A_662, %add3A_661, %dma_start3A_663, %dma_start3A_664] : memref<8x1x2048x16x128xf32, #tpu.memory_space<hbm>> -> memref<1x1x28x16x128xf32, #tpu.memory_space<hbm>>
    %dma_start3A_666 = tpu.memref_squeeze %dma_start3A_665 : memref<1x1x28x16x128xf32, #tpu.memory_space<hbm>> -> memref<1x28x16x128xf32, #tpu.memory_space<hbm>>
    %dma_start3A_667 = arith.constant 0 : i32
    %dma_start3A_668 = arith.constant 0 : i32
    %dma_start3A_669 = tpu.memref_slice %arg3[%select_n3A, %dma_start3A_662, %add3A_661, %dma_start3A_667, %dma_start3A_668] : memref<8x1x2048x16x128xf32, #tpu.memory_space<hbm>> -> memref<1x1x28x16x128xf32, #tpu.memory_space<hbm>>
    %dma_start3A_670 = tpu.memref_squeeze %dma_start3A_669 : memref<1x1x28x16x128xf32, #tpu.memory_space<hbm>> -> memref<1x28x16x128xf32, #tpu.memory_space<hbm>>
    tpu.enqueue_dma source(%arg4 : memref<1x28x16x128xf32, #tpu.memory_space<vmem>>) target(%dma_start3A_670 : memref<1x28x16x128xf32, #tpu.memory_space<hbm>>) target_semaphore(%arg8 : memref<!tpu.dma_semaphore, #tpu.memory_space<semaphore_mem>>)
    %add3A_671 = arith.constant 364 : i32
    %add3A_672 = arith.addi %add3A_34, %add3A_671 : i32
    %dma_wait3A_673 = arith.constant 0 : i32
    %dma_wait3A_674 = arith.constant 0 : i32
    %dma_wait3A_675 = arith.constant 0 : i32
    %dma_wait3A_676 = tpu.memref_slice %arg3[%select_n3A, %dma_wait3A_673, %add3A_672, %dma_wait3A_674, %dma_wait3A_675] : memref<8x1x2048x16x128xf32, #tpu.memory_space<hbm>> -> memref<1x1x28x16x128xf32, #tpu.memory_space<hbm>>
    %dma_wait3A_677 = tpu.memref_squeeze %dma_wait3A_676 : memref<1x1x28x16x128xf32, #tpu.memory_space<hbm>> -> memref<1x28x16x128xf32, #tpu.memory_space<hbm>>
    %dma_wait3A_678 = arith.constant 0 : i32
    %dma_wait3A_679 = arith.constant 0 : i32
    %dma_wait3A_680 = tpu.memref_slice %arg3[%select_n3A, %dma_wait3A_673, %add3A_672, %dma_wait3A_678, %dma_wait3A_679] : memref<8x1x2048x16x128xf32, #tpu.memory_space<hbm>> -> memref<1x1x28x16x128xf32, #tpu.memory_space<hbm>>
    %dma_wait3A_681 = tpu.memref_squeeze %dma_wait3A_680 : memref<1x1x28x16x128xf32, #tpu.memory_space<hbm>> -> memref<1x28x16x128xf32, #tpu.memory_space<hbm>>
    tpu.wait_dma2 semaphore(%arg9 : memref<!tpu.dma_semaphore, #tpu.memory_space<semaphore_mem>>) src(%arg5 : memref<1x28x16x128xf32, #tpu.memory_space<vmem>>) dst(%dma_wait3A_681 : memref<1x28x16x128xf32, #tpu.memory_space<hbm>>)
    %add3A_682 = arith.constant 420 : i32
    %add3A_683 = arith.addi %add3A_34, %add3A_682 : i32
    %dma_start3A_684 = arith.constant 0 : i32
    %dma_start3A_685 = arith.constant 0 : i32
    %dma_start3A_686 = arith.constant 0 : i32
    %dma_start3A_687 = tpu.memref_slice %arg2[%select_n3A, %dma_start3A_684, %add3A_683, %dma_start3A_685, %dma_start3A_686] : memref<8x1x2048x16x128xf32, #tpu.memory_space<hbm>> -> memref<1x1x28x16x128xf32, #tpu.memory_space<hbm>>
    %dma_start3A_688 = tpu.memref_squeeze %dma_start3A_687 : memref<1x1x28x16x128xf32, #tpu.memory_space<hbm>> -> memref<1x28x16x128xf32, #tpu.memory_space<hbm>>
    %dma_start3A_689 = arith.constant 0 : i32
    %dma_start3A_690 = arith.constant 0 : i32
    %dma_start3A_691 = tpu.memref_slice %arg2[%select_n3A, %dma_start3A_684, %add3A_683, %dma_start3A_689, %dma_start3A_690] : memref<8x1x2048x16x128xf32, #tpu.memory_space<hbm>> -> memref<1x1x28x16x128xf32, #tpu.memory_space<hbm>>
    %dma_start3A_692 = tpu.memref_squeeze %dma_start3A_691 : memref<1x1x28x16x128xf32, #tpu.memory_space<hbm>> -> memref<1x28x16x128xf32, #tpu.memory_space<hbm>>
    tpu.enqueue_dma source(%dma_start3A_692 : memref<1x28x16x128xf32, #tpu.memory_space<hbm>>) target(%arg5 : memref<1x28x16x128xf32, #tpu.memory_space<vmem>>) target_semaphore(%arg7 : memref<!tpu.dma_semaphore, #tpu.memory_space<semaphore_mem>>)
    %add3A_693 = arith.constant 420 : i32
    %add3A_694 = arith.addi %add3A_34, %add3A_693 : i32
    %dma_wait3A_695 = arith.constant 0 : i32
    %dma_wait3A_696 = arith.constant 0 : i32
    %dma_wait3A_697 = arith.constant 0 : i32
    %dma_wait3A_698 = tpu.memref_slice %arg2[%select_n3A, %dma_wait3A_695, %add3A_694, %dma_wait3A_696, %dma_wait3A_697] : memref<8x1x2048x16x128xf32, #tpu.memory_space<hbm>> -> memref<1x1x28x16x128xf32, #tpu.memory_space<hbm>>
    %dma_wait3A_699 = tpu.memref_squeeze %dma_wait3A_698 : memref<1x1x28x16x128xf32, #tpu.memory_space<hbm>> -> memref<1x28x16x128xf32, #tpu.memory_space<hbm>>
    %dma_wait3A_700 = arith.constant 0 : i32
    %dma_wait3A_701 = arith.constant 0 : i32
    %dma_wait3A_702 = tpu.memref_slice %arg2[%select_n3A, %dma_wait3A_695, %add3A_694, %dma_wait3A_700, %dma_wait3A_701] : memref<8x1x2048x16x128xf32, #tpu.memory_space<hbm>> -> memref<1x1x28x16x128xf32, #tpu.memory_space<hbm>>
    %dma_wait3A_703 = tpu.memref_squeeze %dma_wait3A_702 : memref<1x1x28x16x128xf32, #tpu.memory_space<hbm>> -> memref<1x28x16x128xf32, #tpu.memory_space<hbm>>
    tpu.wait_dma2 semaphore(%arg7 : memref<!tpu.dma_semaphore, #tpu.memory_space<semaphore_mem>>) src(%dma_wait3A_703 : memref<1x28x16x128xf32, #tpu.memory_space<hbm>>) dst(%arg5 : memref<1x28x16x128xf32, #tpu.memory_space<vmem>>)
    %add3A_704 = arith.constant 420 : i32
    %add3A_705 = arith.addi %add3A_34, %add3A_704 : i32
    %dma_start3A_706 = arith.constant 0 : i32
    %dma_start3A_707 = arith.constant 0 : i32
    %dma_start3A_708 = arith.constant 0 : i32
    %dma_start3A_709 = tpu.memref_slice %arg3[%select_n3A, %dma_start3A_706, %add3A_705, %dma_start3A_707, %dma_start3A_708] : memref<8x1x2048x16x128xf32, #tpu.memory_space<hbm>> -> memref<1x1x28x16x128xf32, #tpu.memory_space<hbm>>
    %dma_start3A_710 = tpu.memref_squeeze %dma_start3A_709 : memref<1x1x28x16x128xf32, #tpu.memory_space<hbm>> -> memref<1x28x16x128xf32, #tpu.memory_space<hbm>>
    %dma_start3A_711 = arith.constant 0 : i32
    %dma_start3A_712 = arith.constant 0 : i32
    %dma_start3A_713 = tpu.memref_slice %arg3[%select_n3A, %dma_start3A_706, %add3A_705, %dma_start3A_711, %dma_start3A_712] : memref<8x1x2048x16x128xf32, #tpu.memory_space<hbm>> -> memref<1x1x28x16x128xf32, #tpu.memory_space<hbm>>
    %dma_start3A_714 = tpu.memref_squeeze %dma_start3A_713 : memref<1x1x28x16x128xf32, #tpu.memory_space<hbm>> -> memref<1x28x16x128xf32, #tpu.memory_space<hbm>>
    tpu.enqueue_dma source(%arg5 : memref<1x28x16x128xf32, #tpu.memory_space<vmem>>) target(%dma_start3A_714 : memref<1x28x16x128xf32, #tpu.memory_space<hbm>>) target_semaphore(%arg9 : memref<!tpu.dma_semaphore, #tpu.memory_space<semaphore_mem>>)
    %add3A_715 = arith.constant 392 : i32
    %add3A_716 = arith.addi %add3A_34, %add3A_715 : i32
    %dma_wait3A_717 = arith.constant 0 : i32
    %dma_wait3A_718 = arith.constant 0 : i32
    %dma_wait3A_719 = arith.constant 0 : i32
    %dma_wait3A_720 = tpu.memref_slice %arg3[%select_n3A, %dma_wait3A_717, %add3A_716, %dma_wait3A_718, %dma_wait3A_719] : memref<8x1x2048x16x128xf32, #tpu.memory_space<hbm>> -> memref<1x1x28x16x128xf32, #tpu.memory_space<hbm>>
    %dma_wait3A_721 = tpu.memref_squeeze %dma_wait3A_720 : memref<1x1x28x16x128xf32, #tpu.memory_space<hbm>> -> memref<1x28x16x128xf32, #tpu.memory_space<hbm>>
    %dma_wait3A_722 = arith.constant 0 : i32
    %dma_wait3A_723 = arith.constant 0 : i32
    %dma_wait3A_724 = tpu.memref_slice %arg3[%select_n3A, %dma_wait3A_717, %add3A_716, %dma_wait3A_722, %dma_wait3A_723] : memref<8x1x2048x16x128xf32, #tpu.memory_space<hbm>> -> memref<1x1x28x16x128xf32, #tpu.memory_space<hbm>>
    %dma_wait3A_725 = tpu.memref_squeeze %dma_wait3A_724 : memref<1x1x28x16x128xf32, #tpu.memory_space<hbm>> -> memref<1x28x16x128xf32, #tpu.memory_space<hbm>>
    tpu.wait_dma2 semaphore(%arg8 : memref<!tpu.dma_semaphore, #tpu.memory_space<semaphore_mem>>) src(%arg4 : memref<1x28x16x128xf32, #tpu.memory_space<vmem>>) dst(%dma_wait3A_725 : memref<1x28x16x128xf32, #tpu.memory_space<hbm>>)
    %add3A_726 = arith.constant 420 : i32
    %add3A_727 = arith.addi %add3A_34, %add3A_726 : i32
    %dma_wait3A_728 = arith.constant 0 : i32
    %dma_wait3A_729 = arith.constant 0 : i32
    %dma_wait3A_730 = arith.constant 0 : i32
    %dma_wait3A_731 = tpu.memref_slice %arg3[%select_n3A, %dma_wait3A_728, %add3A_727, %dma_wait3A_729, %dma_wait3A_730] : memref<8x1x2048x16x128xf32, #tpu.memory_space<hbm>> -> memref<1x1x28x16x128xf32, #tpu.memory_space<hbm>>
    %dma_wait3A_732 = tpu.memref_squeeze %dma_wait3A_731 : memref<1x1x28x16x128xf32, #tpu.memory_space<hbm>> -> memref<1x28x16x128xf32, #tpu.memory_space<hbm>>
    %dma_wait3A_733 = arith.constant 0 : i32
    %dma_wait3A_734 = arith.constant 0 : i32
    %dma_wait3A_735 = tpu.memref_slice %arg3[%select_n3A, %dma_wait3A_728, %add3A_727, %dma_wait3A_733, %dma_wait3A_734] : memref<8x1x2048x16x128xf32, #tpu.memory_space<hbm>> -> memref<1x1x28x16x128xf32, #tpu.memory_space<hbm>>
    %dma_wait3A_736 = tpu.memref_squeeze %dma_wait3A_735 : memref<1x1x28x16x128xf32, #tpu.memory_space<hbm>> -> memref<1x28x16x128xf32, #tpu.memory_space<hbm>>
    tpu.wait_dma2 semaphore(%arg9 : memref<!tpu.dma_semaphore, #tpu.memory_space<semaphore_mem>>) src(%arg5 : memref<1x28x16x128xf32, #tpu.memory_space<vmem>>) dst(%dma_wait3A_736 : memref<1x28x16x128xf32, #tpu.memory_space<hbm>>)
    return
  }
}

module attributes {stable_mosaic.version = 14 : i64} {
  func.func @_vfront_body(%arg0: i32, %arg1: i32, %arg2: memref<1xi32, #tpu.memory_space<smem>>, %arg3: memref<8x1x2048x16x128xf32, #tpu.memory_space<hbm>>, %arg4: memref<1x1x256x16x128xf32, #tpu.memory_space<vmem>>, %arg5: memref<1x16x16x128xf32, #tpu.memory_space<vmem>>, %arg6: memref<1x1x256x16x128xf32, #tpu.memory_space<vmem>>) attributes {dimension_semantics = [#tpu.dimension_semantics<arbitrary>, #tpu.dimension_semantics<arbitrary>], iteration_bounds = array<i64: 8, 1>, scalar_prefetch = 1 : i64, scratch_operands = 0 : i64, tpu.core_type = #tpu.core_type<tc>, window_params = [{}, {transform_indices = @transform_1, window_bounds = array<i64: 1, 1, 256, 16, 128>}, {transform_indices = @transform_2, window_bounds = array<i64: 1, 16, 16, 128>}, {transform_indices = @transform_3, window_bounds = array<i64: 1, 1, 256, 16, 128>}]} {
    %mul3A = arith.constant 256 : i32
    %mul3A_0 = arith.muli %arg1, %mul3A : i32
    %get3A = arith.constant 0 : index
    %get3A_1 = arith.constant 0 : index
    %get3A_2 = arith.constant 0 : index
    %get3A_3 = arith.constant 0 : index
    %get3A_4 = arith.constant 0 : index
    %get3A_5 = vector.load %arg4[%get3A, %get3A_1, %get3A_2, %get3A_3, %get3A_4] : memref<1x1x256x16x128xf32, #tpu.memory_space<vmem>>, vector<1x1x256x16x128xf32>
    %swap3A = arith.constant 0 : index
    %swap3A_6 = arith.constant 0 : index
    %swap3A_7 = arith.constant 0 : index
    %swap3A_8 = arith.constant 0 : index
    %swap3A_9 = arith.constant 0 : index
    %swap3A_10 = vector.load %arg6[%swap3A, %swap3A_6, %swap3A_7, %swap3A_8, %swap3A_9] : memref<1x1x256x16x128xf32, #tpu.memory_space<vmem>>, vector<1x1x256x16x128xf32>
    tpu.vector_store %arg6[%swap3A, %swap3A_6, %swap3A_7, %swap3A_8, %swap3A_9], %get3A_5 {strides = array<i32>} : memref<1x1x256x16x128xf32, #tpu.memory_space<vmem>>, vector<1x1x256x16x128xf32>,
    %get3A_11 = arith.constant 0 : index
    %get3A_12 = memref.load %arg2[%get3A_11] : memref<1xi32, #tpu.memory_space<smem>>
    %add3A = arith.constant 0 : i32
    %add3A_13 = arith.addi %get3A_12, %add3A : i32
    %sub3A = arith.subi %add3A_13, %mul3A_0 : i32
    %ge3A = arith.constant 0 : i32
    %ge3A_14 = arith.cmpi sge, %sub3A, %ge3A : i32
    %lt3A = arith.constant 256 : i32
    %lt3A_15 = arith.cmpi slt, %sub3A, %lt3A : i32
    %and3A = arith.andi %ge3A_14, %lt3A_15 : i1
    %convert_element_type3A = arith.extui %and3A : i1 to i32
    %cond3A = arith.constant 0 : i32
    %cond3A_16 = arith.cmpi ne, %convert_element_type3A, %cond3A : i32
    scf.if %cond3A_16 {
      %get3A_182 = arith.constant 0 : index
      %get3A_183 = arith.constant 0 : index
      %get3A_184 = arith.constant 0 : index
      %get3A_185 = arith.constant 0 : index
      %get3A_186 = vector.load %arg5[%get3A_182, %get3A_183, %get3A_184, %get3A_185] : memref<1x16x16x128xf32, #tpu.memory_space<vmem>>, vector<1x1x16x128xf32>
      %get3A_187 = vector.shape_cast %get3A_186 : vector<1x1x16x128xf32> to vector<1x16x128xf32>
      %swap3A_188 = arith.constant 0 : index
      %swap3A_189 = arith.constant 0 : index
      %swap3A_190 = arith.index_cast %sub3A : i32 to index
      %swap3A_191 = arith.constant 0 : index
      %swap3A_192 = arith.constant 0 : index
      %swap3A_193 = vector.load %arg6[%swap3A_188, %swap3A_189, %swap3A_190, %swap3A_191, %swap3A_192] : memref<1x1x256x16x128xf32, #tpu.memory_space<vmem>>, vector<1x1x1x16x128xf32>
      %swap3A_194 = vector.shape_cast %swap3A_193 : vector<1x1x1x16x128xf32> to vector<1x16x128xf32>
      %swap3A_195 = vector.shape_cast %get3A_187 : vector<1x16x128xf32> to vector<1x1x1x16x128xf32>
      tpu.vector_store %arg6[%swap3A_188, %swap3A_189, %swap3A_190, %swap3A_191, %swap3A_192], %swap3A_195 {strides = array<i32>} : memref<1x1x256x16x128xf32, #tpu.memory_space<vmem>>, vector<1x1x1x16x128xf32>,
    } else {
    }
    %add3A_17 = arith.constant 1 : i32
    %add3A_18 = arith.addi %get3A_12, %add3A_17 : i32
    %sub3A_19 = arith.subi %add3A_18, %mul3A_0 : i32
    %ge3A_20 = arith.constant 0 : i32
    %ge3A_21 = arith.cmpi sge, %sub3A_19, %ge3A_20 : i32
    %lt3A_22 = arith.constant 256 : i32
    %lt3A_23 = arith.cmpi slt, %sub3A_19, %lt3A_22 : i32
    %and3A_24 = arith.andi %ge3A_21, %lt3A_23 : i1
    %convert_element_type3A_25 = arith.extui %and3A_24 : i1 to i32
    %cond3A_26 = arith.constant 0 : i32
    %cond3A_27 = arith.cmpi ne, %convert_element_type3A_25, %cond3A_26 : i32
    scf.if %cond3A_27 {
      %get3A_182 = arith.constant 0 : index
      %get3A_183 = arith.constant 1 : index
      %get3A_184 = arith.constant 0 : index
      %get3A_185 = arith.constant 0 : index
      %get3A_186 = vector.load %arg5[%get3A_182, %get3A_183, %get3A_184, %get3A_185] : memref<1x16x16x128xf32, #tpu.memory_space<vmem>>, vector<1x1x16x128xf32>
      %get3A_187 = vector.shape_cast %get3A_186 : vector<1x1x16x128xf32> to vector<1x16x128xf32>
      %swap3A_188 = arith.constant 0 : index
      %swap3A_189 = arith.constant 0 : index
      %swap3A_190 = arith.index_cast %sub3A_19 : i32 to index
      %swap3A_191 = arith.constant 0 : index
      %swap3A_192 = arith.constant 0 : index
      %swap3A_193 = vector.load %arg6[%swap3A_188, %swap3A_189, %swap3A_190, %swap3A_191, %swap3A_192] : memref<1x1x256x16x128xf32, #tpu.memory_space<vmem>>, vector<1x1x1x16x128xf32>
      %swap3A_194 = vector.shape_cast %swap3A_193 : vector<1x1x1x16x128xf32> to vector<1x16x128xf32>
      %swap3A_195 = vector.shape_cast %get3A_187 : vector<1x16x128xf32> to vector<1x1x1x16x128xf32>
      tpu.vector_store %arg6[%swap3A_188, %swap3A_189, %swap3A_190, %swap3A_191, %swap3A_192], %swap3A_195 {strides = array<i32>} : memref<1x1x256x16x128xf32, #tpu.memory_space<vmem>>, vector<1x1x1x16x128xf32>,
    } else {
    }
    %add3A_28 = arith.constant 2 : i32
    %add3A_29 = arith.addi %get3A_12, %add3A_28 : i32
    %sub3A_30 = arith.subi %add3A_29, %mul3A_0 : i32
    %ge3A_31 = arith.constant 0 : i32
    %ge3A_32 = arith.cmpi sge, %sub3A_30, %ge3A_31 : i32
    %lt3A_33 = arith.constant 256 : i32
    %lt3A_34 = arith.cmpi slt, %sub3A_30, %lt3A_33 : i32
    %and3A_35 = arith.andi %ge3A_32, %lt3A_34 : i1
    %convert_element_type3A_36 = arith.extui %and3A_35 : i1 to i32
    %cond3A_37 = arith.constant 0 : i32
    %cond3A_38 = arith.cmpi ne, %convert_element_type3A_36, %cond3A_37 : i32
    scf.if %cond3A_38 {
      %get3A_182 = arith.constant 0 : index
      %get3A_183 = arith.constant 2 : index
      %get3A_184 = arith.constant 0 : index
      %get3A_185 = arith.constant 0 : index
      %get3A_186 = vector.load %arg5[%get3A_182, %get3A_183, %get3A_184, %get3A_185] : memref<1x16x16x128xf32, #tpu.memory_space<vmem>>, vector<1x1x16x128xf32>
      %get3A_187 = vector.shape_cast %get3A_186 : vector<1x1x16x128xf32> to vector<1x16x128xf32>
      %swap3A_188 = arith.constant 0 : index
      %swap3A_189 = arith.constant 0 : index
      %swap3A_190 = arith.index_cast %sub3A_30 : i32 to index
      %swap3A_191 = arith.constant 0 : index
      %swap3A_192 = arith.constant 0 : index
      %swap3A_193 = vector.load %arg6[%swap3A_188, %swap3A_189, %swap3A_190, %swap3A_191, %swap3A_192] : memref<1x1x256x16x128xf32, #tpu.memory_space<vmem>>, vector<1x1x1x16x128xf32>
      %swap3A_194 = vector.shape_cast %swap3A_193 : vector<1x1x1x16x128xf32> to vector<1x16x128xf32>
      %swap3A_195 = vector.shape_cast %get3A_187 : vector<1x16x128xf32> to vector<1x1x1x16x128xf32>
      tpu.vector_store %arg6[%swap3A_188, %swap3A_189, %swap3A_190, %swap3A_191, %swap3A_192], %swap3A_195 {strides = array<i32>} : memref<1x1x256x16x128xf32, #tpu.memory_space<vmem>>, vector<1x1x1x16x128xf32>,
    } else {
    }
    %add3A_39 = arith.constant 3 : i32
    %add3A_40 = arith.addi %get3A_12, %add3A_39 : i32
    %sub3A_41 = arith.subi %add3A_40, %mul3A_0 : i32
    %ge3A_42 = arith.constant 0 : i32
    %ge3A_43 = arith.cmpi sge, %sub3A_41, %ge3A_42 : i32
    %lt3A_44 = arith.constant 256 : i32
    %lt3A_45 = arith.cmpi slt, %sub3A_41, %lt3A_44 : i32
    %and3A_46 = arith.andi %ge3A_43, %lt3A_45 : i1
    %convert_element_type3A_47 = arith.extui %and3A_46 : i1 to i32
    %cond3A_48 = arith.constant 0 : i32
    %cond3A_49 = arith.cmpi ne, %convert_element_type3A_47, %cond3A_48 : i32
    scf.if %cond3A_49 {
      %get3A_182 = arith.constant 0 : index
      %get3A_183 = arith.constant 3 : index
      %get3A_184 = arith.constant 0 : index
      %get3A_185 = arith.constant 0 : index
      %get3A_186 = vector.load %arg5[%get3A_182, %get3A_183, %get3A_184, %get3A_185] : memref<1x16x16x128xf32, #tpu.memory_space<vmem>>, vector<1x1x16x128xf32>
      %get3A_187 = vector.shape_cast %get3A_186 : vector<1x1x16x128xf32> to vector<1x16x128xf32>
      %swap3A_188 = arith.constant 0 : index
      %swap3A_189 = arith.constant 0 : index
      %swap3A_190 = arith.index_cast %sub3A_41 : i32 to index
      %swap3A_191 = arith.constant 0 : index
      %swap3A_192 = arith.constant 0 : index
      %swap3A_193 = vector.load %arg6[%swap3A_188, %swap3A_189, %swap3A_190, %swap3A_191, %swap3A_192] : memref<1x1x256x16x128xf32, #tpu.memory_space<vmem>>, vector<1x1x1x16x128xf32>
      %swap3A_194 = vector.shape_cast %swap3A_193 : vector<1x1x1x16x128xf32> to vector<1x16x128xf32>
      %swap3A_195 = vector.shape_cast %get3A_187 : vector<1x16x128xf32> to vector<1x1x1x16x128xf32>
      tpu.vector_store %arg6[%swap3A_188, %swap3A_189, %swap3A_190, %swap3A_191, %swap3A_192], %swap3A_195 {strides = array<i32>} : memref<1x1x256x16x128xf32, #tpu.memory_space<vmem>>, vector<1x1x1x16x128xf32>,
    } else {
    }
    %add3A_50 = arith.constant 4 : i32
    %add3A_51 = arith.addi %get3A_12, %add3A_50 : i32
    %sub3A_52 = arith.subi %add3A_51, %mul3A_0 : i32
    %ge3A_53 = arith.constant 0 : i32
    %ge3A_54 = arith.cmpi sge, %sub3A_52, %ge3A_53 : i32
    %lt3A_55 = arith.constant 256 : i32
    %lt3A_56 = arith.cmpi slt, %sub3A_52, %lt3A_55 : i32
    %and3A_57 = arith.andi %ge3A_54, %lt3A_56 : i1
    %convert_element_type3A_58 = arith.extui %and3A_57 : i1 to i32
    %cond3A_59 = arith.constant 0 : i32
    %cond3A_60 = arith.cmpi ne, %convert_element_type3A_58, %cond3A_59 : i32
    scf.if %cond3A_60 {
      %get3A_182 = arith.constant 0 : index
      %get3A_183 = arith.constant 4 : index
      %get3A_184 = arith.constant 0 : index
      %get3A_185 = arith.constant 0 : index
      %get3A_186 = vector.load %arg5[%get3A_182, %get3A_183, %get3A_184, %get3A_185] : memref<1x16x16x128xf32, #tpu.memory_space<vmem>>, vector<1x1x16x128xf32>
      %get3A_187 = vector.shape_cast %get3A_186 : vector<1x1x16x128xf32> to vector<1x16x128xf32>
      %swap3A_188 = arith.constant 0 : index
      %swap3A_189 = arith.constant 0 : index
      %swap3A_190 = arith.index_cast %sub3A_52 : i32 to index
      %swap3A_191 = arith.constant 0 : index
      %swap3A_192 = arith.constant 0 : index
      %swap3A_193 = vector.load %arg6[%swap3A_188, %swap3A_189, %swap3A_190, %swap3A_191, %swap3A_192] : memref<1x1x256x16x128xf32, #tpu.memory_space<vmem>>, vector<1x1x1x16x128xf32>
      %swap3A_194 = vector.shape_cast %swap3A_193 : vector<1x1x1x16x128xf32> to vector<1x16x128xf32>
      %swap3A_195 = vector.shape_cast %get3A_187 : vector<1x16x128xf32> to vector<1x1x1x16x128xf32>
      tpu.vector_store %arg6[%swap3A_188, %swap3A_189, %swap3A_190, %swap3A_191, %swap3A_192], %swap3A_195 {strides = array<i32>} : memref<1x1x256x16x128xf32, #tpu.memory_space<vmem>>, vector<1x1x1x16x128xf32>,
    } else {
    }
    %add3A_61 = arith.constant 5 : i32
    %add3A_62 = arith.addi %get3A_12, %add3A_61 : i32
    %sub3A_63 = arith.subi %add3A_62, %mul3A_0 : i32
    %ge3A_64 = arith.constant 0 : i32
    %ge3A_65 = arith.cmpi sge, %sub3A_63, %ge3A_64 : i32
    %lt3A_66 = arith.constant 256 : i32
    %lt3A_67 = arith.cmpi slt, %sub3A_63, %lt3A_66 : i32
    %and3A_68 = arith.andi %ge3A_65, %lt3A_67 : i1
    %convert_element_type3A_69 = arith.extui %and3A_68 : i1 to i32
    %cond3A_70 = arith.constant 0 : i32
    %cond3A_71 = arith.cmpi ne, %convert_element_type3A_69, %cond3A_70 : i32
    scf.if %cond3A_71 {
      %get3A_182 = arith.constant 0 : index
      %get3A_183 = arith.constant 5 : index
      %get3A_184 = arith.constant 0 : index
      %get3A_185 = arith.constant 0 : index
      %get3A_186 = vector.load %arg5[%get3A_182, %get3A_183, %get3A_184, %get3A_185] : memref<1x16x16x128xf32, #tpu.memory_space<vmem>>, vector<1x1x16x128xf32>
      %get3A_187 = vector.shape_cast %get3A_186 : vector<1x1x16x128xf32> to vector<1x16x128xf32>
      %swap3A_188 = arith.constant 0 : index
      %swap3A_189 = arith.constant 0 : index
      %swap3A_190 = arith.index_cast %sub3A_63 : i32 to index
      %swap3A_191 = arith.constant 0 : index
      %swap3A_192 = arith.constant 0 : index
      %swap3A_193 = vector.load %arg6[%swap3A_188, %swap3A_189, %swap3A_190, %swap3A_191, %swap3A_192] : memref<1x1x256x16x128xf32, #tpu.memory_space<vmem>>, vector<1x1x1x16x128xf32>
      %swap3A_194 = vector.shape_cast %swap3A_193 : vector<1x1x1x16x128xf32> to vector<1x16x128xf32>
      %swap3A_195 = vector.shape_cast %get3A_187 : vector<1x16x128xf32> to vector<1x1x1x16x128xf32>
      tpu.vector_store %arg6[%swap3A_188, %swap3A_189, %swap3A_190, %swap3A_191, %swap3A_192], %swap3A_195 {strides = array<i32>} : memref<1x1x256x16x128xf32, #tpu.memory_space<vmem>>, vector<1x1x1x16x128xf32>,
    } else {
    }
    %add3A_72 = arith.constant 6 : i32
    %add3A_73 = arith.addi %get3A_12, %add3A_72 : i32
    %sub3A_74 = arith.subi %add3A_73, %mul3A_0 : i32
    %ge3A_75 = arith.constant 0 : i32
    %ge3A_76 = arith.cmpi sge, %sub3A_74, %ge3A_75 : i32
    %lt3A_77 = arith.constant 256 : i32
    %lt3A_78 = arith.cmpi slt, %sub3A_74, %lt3A_77 : i32
    %and3A_79 = arith.andi %ge3A_76, %lt3A_78 : i1
    %convert_element_type3A_80 = arith.extui %and3A_79 : i1 to i32
    %cond3A_81 = arith.constant 0 : i32
    %cond3A_82 = arith.cmpi ne, %convert_element_type3A_80, %cond3A_81 : i32
    scf.if %cond3A_82 {
      %get3A_182 = arith.constant 0 : index
      %get3A_183 = arith.constant 6 : index
      %get3A_184 = arith.constant 0 : index
      %get3A_185 = arith.constant 0 : index
      %get3A_186 = vector.load %arg5[%get3A_182, %get3A_183, %get3A_184, %get3A_185] : memref<1x16x16x128xf32, #tpu.memory_space<vmem>>, vector<1x1x16x128xf32>
      %get3A_187 = vector.shape_cast %get3A_186 : vector<1x1x16x128xf32> to vector<1x16x128xf32>
      %swap3A_188 = arith.constant 0 : index
      %swap3A_189 = arith.constant 0 : index
      %swap3A_190 = arith.index_cast %sub3A_74 : i32 to index
      %swap3A_191 = arith.constant 0 : index
      %swap3A_192 = arith.constant 0 : index
      %swap3A_193 = vector.load %arg6[%swap3A_188, %swap3A_189, %swap3A_190, %swap3A_191, %swap3A_192] : memref<1x1x256x16x128xf32, #tpu.memory_space<vmem>>, vector<1x1x1x16x128xf32>
      %swap3A_194 = vector.shape_cast %swap3A_193 : vector<1x1x1x16x128xf32> to vector<1x16x128xf32>
      %swap3A_195 = vector.shape_cast %get3A_187 : vector<1x16x128xf32> to vector<1x1x1x16x128xf32>
      tpu.vector_store %arg6[%swap3A_188, %swap3A_189, %swap3A_190, %swap3A_191, %swap3A_192], %swap3A_195 {strides = array<i32>} : memref<1x1x256x16x128xf32, #tpu.memory_space<vmem>>, vector<1x1x1x16x128xf32>,
    } else {
    }
    %add3A_83 = arith.constant 7 : i32
    %add3A_84 = arith.addi %get3A_12, %add3A_83 : i32
    %sub3A_85 = arith.subi %add3A_84, %mul3A_0 : i32
    %ge3A_86 = arith.constant 0 : i32
    %ge3A_87 = arith.cmpi sge, %sub3A_85, %ge3A_86 : i32
    %lt3A_88 = arith.constant 256 : i32
    %lt3A_89 = arith.cmpi slt, %sub3A_85, %lt3A_88 : i32
    %and3A_90 = arith.andi %ge3A_87, %lt3A_89 : i1
    %convert_element_type3A_91 = arith.extui %and3A_90 : i1 to i32
    %cond3A_92 = arith.constant 0 : i32
    %cond3A_93 = arith.cmpi ne, %convert_element_type3A_91, %cond3A_92 : i32
    scf.if %cond3A_93 {
      %get3A_182 = arith.constant 0 : index
      %get3A_183 = arith.constant 7 : index
      %get3A_184 = arith.constant 0 : index
      %get3A_185 = arith.constant 0 : index
      %get3A_186 = vector.load %arg5[%get3A_182, %get3A_183, %get3A_184, %get3A_185] : memref<1x16x16x128xf32, #tpu.memory_space<vmem>>, vector<1x1x16x128xf32>
      %get3A_187 = vector.shape_cast %get3A_186 : vector<1x1x16x128xf32> to vector<1x16x128xf32>
      %swap3A_188 = arith.constant 0 : index
      %swap3A_189 = arith.constant 0 : index
      %swap3A_190 = arith.index_cast %sub3A_85 : i32 to index
      %swap3A_191 = arith.constant 0 : index
      %swap3A_192 = arith.constant 0 : index
      %swap3A_193 = vector.load %arg6[%swap3A_188, %swap3A_189, %swap3A_190, %swap3A_191, %swap3A_192] : memref<1x1x256x16x128xf32, #tpu.memory_space<vmem>>, vector<1x1x1x16x128xf32>
      %swap3A_194 = vector.shape_cast %swap3A_193 : vector<1x1x1x16x128xf32> to vector<1x16x128xf32>
      %swap3A_195 = vector.shape_cast %get3A_187 : vector<1x16x128xf32> to vector<1x1x1x16x128xf32>
      tpu.vector_store %arg6[%swap3A_188, %swap3A_189, %swap3A_190, %swap3A_191, %swap3A_192], %swap3A_195 {strides = array<i32>} : memref<1x1x256x16x128xf32, #tpu.memory_space<vmem>>, vector<1x1x1x16x128xf32>,
    } else {
    }
    %add3A_94 = arith.constant 8 : i32
    %add3A_95 = arith.addi %get3A_12, %add3A_94 : i32
    %sub3A_96 = arith.subi %add3A_95, %mul3A_0 : i32
    %ge3A_97 = arith.constant 0 : i32
    %ge3A_98 = arith.cmpi sge, %sub3A_96, %ge3A_97 : i32
    %lt3A_99 = arith.constant 256 : i32
    %lt3A_100 = arith.cmpi slt, %sub3A_96, %lt3A_99 : i32
    %and3A_101 = arith.andi %ge3A_98, %lt3A_100 : i1
    %convert_element_type3A_102 = arith.extui %and3A_101 : i1 to i32
    %cond3A_103 = arith.constant 0 : i32
    %cond3A_104 = arith.cmpi ne, %convert_element_type3A_102, %cond3A_103 : i32
    scf.if %cond3A_104 {
      %get3A_182 = arith.constant 0 : index
      %get3A_183 = arith.constant 8 : index
      %get3A_184 = arith.constant 0 : index
      %get3A_185 = arith.constant 0 : index
      %get3A_186 = vector.load %arg5[%get3A_182, %get3A_183, %get3A_184, %get3A_185] : memref<1x16x16x128xf32, #tpu.memory_space<vmem>>, vector<1x1x16x128xf32>
      %get3A_187 = vector.shape_cast %get3A_186 : vector<1x1x16x128xf32> to vector<1x16x128xf32>
      %swap3A_188 = arith.constant 0 : index
      %swap3A_189 = arith.constant 0 : index
      %swap3A_190 = arith.index_cast %sub3A_96 : i32 to index
      %swap3A_191 = arith.constant 0 : index
      %swap3A_192 = arith.constant 0 : index
      %swap3A_193 = vector.load %arg6[%swap3A_188, %swap3A_189, %swap3A_190, %swap3A_191, %swap3A_192] : memref<1x1x256x16x128xf32, #tpu.memory_space<vmem>>, vector<1x1x1x16x128xf32>
      %swap3A_194 = vector.shape_cast %swap3A_193 : vector<1x1x1x16x128xf32> to vector<1x16x128xf32>
      %swap3A_195 = vector.shape_cast %get3A_187 : vector<1x16x128xf32> to vector<1x1x1x16x128xf32>
      tpu.vector_store %arg6[%swap3A_188, %swap3A_189, %swap3A_190, %swap3A_191, %swap3A_192], %swap3A_195 {strides = array<i32>} : memref<1x1x256x16x128xf32, #tpu.memory_space<vmem>>, vector<1x1x1x16x128xf32>,
    } else {
    }
    %add3A_105 = arith.constant 9 : i32
    %add3A_106 = arith.addi %get3A_12, %add3A_105 : i32
    %sub3A_107 = arith.subi %add3A_106, %mul3A_0 : i32
    %ge3A_108 = arith.constant 0 : i32
    %ge3A_109 = arith.cmpi sge, %sub3A_107, %ge3A_108 : i32
    %lt3A_110 = arith.constant 256 : i32
    %lt3A_111 = arith.cmpi slt, %sub3A_107, %lt3A_110 : i32
    %and3A_112 = arith.andi %ge3A_109, %lt3A_111 : i1
    %convert_element_type3A_113 = arith.extui %and3A_112 : i1 to i32
    %cond3A_114 = arith.constant 0 : i32
    %cond3A_115 = arith.cmpi ne, %convert_element_type3A_113, %cond3A_114 : i32
    scf.if %cond3A_115 {
      %get3A_182 = arith.constant 0 : index
      %get3A_183 = arith.constant 9 : index
      %get3A_184 = arith.constant 0 : index
      %get3A_185 = arith.constant 0 : index
      %get3A_186 = vector.load %arg5[%get3A_182, %get3A_183, %get3A_184, %get3A_185] : memref<1x16x16x128xf32, #tpu.memory_space<vmem>>, vector<1x1x16x128xf32>
      %get3A_187 = vector.shape_cast %get3A_186 : vector<1x1x16x128xf32> to vector<1x16x128xf32>
      %swap3A_188 = arith.constant 0 : index
      %swap3A_189 = arith.constant 0 : index
      %swap3A_190 = arith.index_cast %sub3A_107 : i32 to index
      %swap3A_191 = arith.constant 0 : index
      %swap3A_192 = arith.constant 0 : index
      %swap3A_193 = vector.load %arg6[%swap3A_188, %swap3A_189, %swap3A_190, %swap3A_191, %swap3A_192] : memref<1x1x256x16x128xf32, #tpu.memory_space<vmem>>, vector<1x1x1x16x128xf32>
      %swap3A_194 = vector.shape_cast %swap3A_193 : vector<1x1x1x16x128xf32> to vector<1x16x128xf32>
      %swap3A_195 = vector.shape_cast %get3A_187 : vector<1x16x128xf32> to vector<1x1x1x16x128xf32>
      tpu.vector_store %arg6[%swap3A_188, %swap3A_189, %swap3A_190, %swap3A_191, %swap3A_192], %swap3A_195 {strides = array<i32>} : memref<1x1x256x16x128xf32, #tpu.memory_space<vmem>>, vector<1x1x1x16x128xf32>,
    } else {
    }
    %add3A_116 = arith.constant 10 : i32
    %add3A_117 = arith.addi %get3A_12, %add3A_116 : i32
    %sub3A_118 = arith.subi %add3A_117, %mul3A_0 : i32
    %ge3A_119 = arith.constant 0 : i32
    %ge3A_120 = arith.cmpi sge, %sub3A_118, %ge3A_119 : i32
    %lt3A_121 = arith.constant 256 : i32
    %lt3A_122 = arith.cmpi slt, %sub3A_118, %lt3A_121 : i32
    %and3A_123 = arith.andi %ge3A_120, %lt3A_122 : i1
    %convert_element_type3A_124 = arith.extui %and3A_123 : i1 to i32
    %cond3A_125 = arith.constant 0 : i32
    %cond3A_126 = arith.cmpi ne, %convert_element_type3A_124, %cond3A_125 : i32
    scf.if %cond3A_126 {
      %get3A_182 = arith.constant 0 : index
      %get3A_183 = arith.constant 10 : index
      %get3A_184 = arith.constant 0 : index
      %get3A_185 = arith.constant 0 : index
      %get3A_186 = vector.load %arg5[%get3A_182, %get3A_183, %get3A_184, %get3A_185] : memref<1x16x16x128xf32, #tpu.memory_space<vmem>>, vector<1x1x16x128xf32>
      %get3A_187 = vector.shape_cast %get3A_186 : vector<1x1x16x128xf32> to vector<1x16x128xf32>
      %swap3A_188 = arith.constant 0 : index
      %swap3A_189 = arith.constant 0 : index
      %swap3A_190 = arith.index_cast %sub3A_118 : i32 to index
      %swap3A_191 = arith.constant 0 : index
      %swap3A_192 = arith.constant 0 : index
      %swap3A_193 = vector.load %arg6[%swap3A_188, %swap3A_189, %swap3A_190, %swap3A_191, %swap3A_192] : memref<1x1x256x16x128xf32, #tpu.memory_space<vmem>>, vector<1x1x1x16x128xf32>
      %swap3A_194 = vector.shape_cast %swap3A_193 : vector<1x1x1x16x128xf32> to vector<1x16x128xf32>
      %swap3A_195 = vector.shape_cast %get3A_187 : vector<1x16x128xf32> to vector<1x1x1x16x128xf32>
      tpu.vector_store %arg6[%swap3A_188, %swap3A_189, %swap3A_190, %swap3A_191, %swap3A_192], %swap3A_195 {strides = array<i32>} : memref<1x1x256x16x128xf32, #tpu.memory_space<vmem>>, vector<1x1x1x16x128xf32>,
    } else {
    }
    %add3A_127 = arith.constant 11 : i32
    %add3A_128 = arith.addi %get3A_12, %add3A_127 : i32
    %sub3A_129 = arith.subi %add3A_128, %mul3A_0 : i32
    %ge3A_130 = arith.constant 0 : i32
    %ge3A_131 = arith.cmpi sge, %sub3A_129, %ge3A_130 : i32
    %lt3A_132 = arith.constant 256 : i32
    %lt3A_133 = arith.cmpi slt, %sub3A_129, %lt3A_132 : i32
    %and3A_134 = arith.andi %ge3A_131, %lt3A_133 : i1
    %convert_element_type3A_135 = arith.extui %and3A_134 : i1 to i32
    %cond3A_136 = arith.constant 0 : i32
    %cond3A_137 = arith.cmpi ne, %convert_element_type3A_135, %cond3A_136 : i32
    scf.if %cond3A_137 {
      %get3A_182 = arith.constant 0 : index
      %get3A_183 = arith.constant 11 : index
      %get3A_184 = arith.constant 0 : index
      %get3A_185 = arith.constant 0 : index
      %get3A_186 = vector.load %arg5[%get3A_182, %get3A_183, %get3A_184, %get3A_185] : memref<1x16x16x128xf32, #tpu.memory_space<vmem>>, vector<1x1x16x128xf32>
      %get3A_187 = vector.shape_cast %get3A_186 : vector<1x1x16x128xf32> to vector<1x16x128xf32>
      %swap3A_188 = arith.constant 0 : index
      %swap3A_189 = arith.constant 0 : index
      %swap3A_190 = arith.index_cast %sub3A_129 : i32 to index
      %swap3A_191 = arith.constant 0 : index
      %swap3A_192 = arith.constant 0 : index
      %swap3A_193 = vector.load %arg6[%swap3A_188, %swap3A_189, %swap3A_190, %swap3A_191, %swap3A_192] : memref<1x1x256x16x128xf32, #tpu.memory_space<vmem>>, vector<1x1x1x16x128xf32>
      %swap3A_194 = vector.shape_cast %swap3A_193 : vector<1x1x1x16x128xf32> to vector<1x16x128xf32>
      %swap3A_195 = vector.shape_cast %get3A_187 : vector<1x16x128xf32> to vector<1x1x1x16x128xf32>
      tpu.vector_store %arg6[%swap3A_188, %swap3A_189, %swap3A_190, %swap3A_191, %swap3A_192], %swap3A_195 {strides = array<i32>} : memref<1x1x256x16x128xf32, #tpu.memory_space<vmem>>, vector<1x1x1x16x128xf32>,
    } else {
    }
    %add3A_138 = arith.constant 12 : i32
    %add3A_139 = arith.addi %get3A_12, %add3A_138 : i32
    %sub3A_140 = arith.subi %add3A_139, %mul3A_0 : i32
    %ge3A_141 = arith.constant 0 : i32
    %ge3A_142 = arith.cmpi sge, %sub3A_140, %ge3A_141 : i32
    %lt3A_143 = arith.constant 256 : i32
    %lt3A_144 = arith.cmpi slt, %sub3A_140, %lt3A_143 : i32
    %and3A_145 = arith.andi %ge3A_142, %lt3A_144 : i1
    %convert_element_type3A_146 = arith.extui %and3A_145 : i1 to i32
    %cond3A_147 = arith.constant 0 : i32
    %cond3A_148 = arith.cmpi ne, %convert_element_type3A_146, %cond3A_147 : i32
    scf.if %cond3A_148 {
      %get3A_182 = arith.constant 0 : index
      %get3A_183 = arith.constant 12 : index
      %get3A_184 = arith.constant 0 : index
      %get3A_185 = arith.constant 0 : index
      %get3A_186 = vector.load %arg5[%get3A_182, %get3A_183, %get3A_184, %get3A_185] : memref<1x16x16x128xf32, #tpu.memory_space<vmem>>, vector<1x1x16x128xf32>
      %get3A_187 = vector.shape_cast %get3A_186 : vector<1x1x16x128xf32> to vector<1x16x128xf32>
      %swap3A_188 = arith.constant 0 : index
      %swap3A_189 = arith.constant 0 : index
      %swap3A_190 = arith.index_cast %sub3A_140 : i32 to index
      %swap3A_191 = arith.constant 0 : index
      %swap3A_192 = arith.constant 0 : index
      %swap3A_193 = vector.load %arg6[%swap3A_188, %swap3A_189, %swap3A_190, %swap3A_191, %swap3A_192] : memref<1x1x256x16x128xf32, #tpu.memory_space<vmem>>, vector<1x1x1x16x128xf32>
      %swap3A_194 = vector.shape_cast %swap3A_193 : vector<1x1x1x16x128xf32> to vector<1x16x128xf32>
      %swap3A_195 = vector.shape_cast %get3A_187 : vector<1x16x128xf32> to vector<1x1x1x16x128xf32>
      tpu.vector_store %arg6[%swap3A_188, %swap3A_189, %swap3A_190, %swap3A_191, %swap3A_192], %swap3A_195 {strides = array<i32>} : memref<1x1x256x16x128xf32, #tpu.memory_space<vmem>>, vector<1x1x1x16x128xf32>,
    } else {
    }
    %add3A_149 = arith.constant 13 : i32
    %add3A_150 = arith.addi %get3A_12, %add3A_149 : i32
    %sub3A_151 = arith.subi %add3A_150, %mul3A_0 : i32
    %ge3A_152 = arith.constant 0 : i32
    %ge3A_153 = arith.cmpi sge, %sub3A_151, %ge3A_152 : i32
    %lt3A_154 = arith.constant 256 : i32
    %lt3A_155 = arith.cmpi slt, %sub3A_151, %lt3A_154 : i32
    %and3A_156 = arith.andi %ge3A_153, %lt3A_155 : i1
    %convert_element_type3A_157 = arith.extui %and3A_156 : i1 to i32
    %cond3A_158 = arith.constant 0 : i32
    %cond3A_159 = arith.cmpi ne, %convert_element_type3A_157, %cond3A_158 : i32
    scf.if %cond3A_159 {
      %get3A_182 = arith.constant 0 : index
      %get3A_183 = arith.constant 13 : index
      %get3A_184 = arith.constant 0 : index
      %get3A_185 = arith.constant 0 : index
      %get3A_186 = vector.load %arg5[%get3A_182, %get3A_183, %get3A_184, %get3A_185] : memref<1x16x16x128xf32, #tpu.memory_space<vmem>>, vector<1x1x16x128xf32>
      %get3A_187 = vector.shape_cast %get3A_186 : vector<1x1x16x128xf32> to vector<1x16x128xf32>
      %swap3A_188 = arith.constant 0 : index
      %swap3A_189 = arith.constant 0 : index
      %swap3A_190 = arith.index_cast %sub3A_151 : i32 to index
      %swap3A_191 = arith.constant 0 : index
      %swap3A_192 = arith.constant 0 : index
      %swap3A_193 = vector.load %arg6[%swap3A_188, %swap3A_189, %swap3A_190, %swap3A_191, %swap3A_192] : memref<1x1x256x16x128xf32, #tpu.memory_space<vmem>>, vector<1x1x1x16x128xf32>
      %swap3A_194 = vector.shape_cast %swap3A_193 : vector<1x1x1x16x128xf32> to vector<1x16x128xf32>
      %swap3A_195 = vector.shape_cast %get3A_187 : vector<1x16x128xf32> to vector<1x1x1x16x128xf32>
      tpu.vector_store %arg6[%swap3A_188, %swap3A_189, %swap3A_190, %swap3A_191, %swap3A_192], %swap3A_195 {strides = array<i32>} : memref<1x1x256x16x128xf32, #tpu.memory_space<vmem>>, vector<1x1x1x16x128xf32>,
    } else {
    }
    %add3A_160 = arith.constant 14 : i32
    %add3A_161 = arith.addi %get3A_12, %add3A_160 : i32
    %sub3A_162 = arith.subi %add3A_161, %mul3A_0 : i32
    %ge3A_163 = arith.constant 0 : i32
    %ge3A_164 = arith.cmpi sge, %sub3A_162, %ge3A_163 : i32
    %lt3A_165 = arith.constant 256 : i32
    %lt3A_166 = arith.cmpi slt, %sub3A_162, %lt3A_165 : i32
    %and3A_167 = arith.andi %ge3A_164, %lt3A_166 : i1
    %convert_element_type3A_168 = arith.extui %and3A_167 : i1 to i32
    %cond3A_169 = arith.constant 0 : i32
    %cond3A_170 = arith.cmpi ne, %convert_element_type3A_168, %cond3A_169 : i32
    scf.if %cond3A_170 {
      %get3A_182 = arith.constant 0 : index
      %get3A_183 = arith.constant 14 : index
      %get3A_184 = arith.constant 0 : index
      %get3A_185 = arith.constant 0 : index
      %get3A_186 = vector.load %arg5[%get3A_182, %get3A_183, %get3A_184, %get3A_185] : memref<1x16x16x128xf32, #tpu.memory_space<vmem>>, vector<1x1x16x128xf32>
      %get3A_187 = vector.shape_cast %get3A_186 : vector<1x1x16x128xf32> to vector<1x16x128xf32>
      %swap3A_188 = arith.constant 0 : index
      %swap3A_189 = arith.constant 0 : index
      %swap3A_190 = arith.index_cast %sub3A_162 : i32 to index
      %swap3A_191 = arith.constant 0 : index
      %swap3A_192 = arith.constant 0 : index
      %swap3A_193 = vector.load %arg6[%swap3A_188, %swap3A_189, %swap3A_190, %swap3A_191, %swap3A_192] : memref<1x1x256x16x128xf32, #tpu.memory_space<vmem>>, vector<1x1x1x16x128xf32>
      %swap3A_194 = vector.shape_cast %swap3A_193 : vector<1x1x1x16x128xf32> to vector<1x16x128xf32>
      %swap3A_195 = vector.shape_cast %get3A_187 : vector<1x16x128xf32> to vector<1x1x1x16x128xf32>
      tpu.vector_store %arg6[%swap3A_188, %swap3A_189, %swap3A_190, %swap3A_191, %swap3A_192], %swap3A_195 {strides = array<i32>} : memref<1x1x256x16x128xf32, #tpu.memory_space<vmem>>, vector<1x1x1x16x128xf32>,
    } else {
    }
    %add3A_171 = arith.constant 15 : i32
    %add3A_172 = arith.addi %get3A_12, %add3A_171 : i32
    %sub3A_173 = arith.subi %add3A_172, %mul3A_0 : i32
    %ge3A_174 = arith.constant 0 : i32
    %ge3A_175 = arith.cmpi sge, %sub3A_173, %ge3A_174 : i32
    %lt3A_176 = arith.constant 256 : i32
    %lt3A_177 = arith.cmpi slt, %sub3A_173, %lt3A_176 : i32
    %and3A_178 = arith.andi %ge3A_175, %lt3A_177 : i1
    %convert_element_type3A_179 = arith.extui %and3A_178 : i1 to i32
    %cond3A_180 = arith.constant 0 : i32
    %cond3A_181 = arith.cmpi ne, %convert_element_type3A_179, %cond3A_180 : i32
    scf.if %cond3A_181 {
      %get3A_182 = arith.constant 0 : index
      %get3A_183 = arith.constant 15 : index
      %get3A_184 = arith.constant 0 : index
      %get3A_185 = arith.constant 0 : index
      %get3A_186 = vector.load %arg5[%get3A_182, %get3A_183, %get3A_184, %get3A_185] : memref<1x16x16x128xf32, #tpu.memory_space<vmem>>, vector<1x1x16x128xf32>
      %get3A_187 = vector.shape_cast %get3A_186 : vector<1x1x16x128xf32> to vector<1x16x128xf32>
      %swap3A_188 = arith.constant 0 : index
      %swap3A_189 = arith.constant 0 : index
      %swap3A_190 = arith.index_cast %sub3A_173 : i32 to index
      %swap3A_191 = arith.constant 0 : index
      %swap3A_192 = arith.constant 0 : index
      %swap3A_193 = vector.load %arg6[%swap3A_188, %swap3A_189, %swap3A_190, %swap3A_191, %swap3A_192] : memref<1x1x256x16x128xf32, #tpu.memory_space<vmem>>, vector<1x1x1x16x128xf32>
      %swap3A_194 = vector.shape_cast %swap3A_193 : vector<1x1x1x16x128xf32> to vector<1x16x128xf32>
      %swap3A_195 = vector.shape_cast %get3A_187 : vector<1x16x128xf32> to vector<1x1x1x16x128xf32>
      tpu.vector_store %arg6[%swap3A_188, %swap3A_189, %swap3A_190, %swap3A_191, %swap3A_192], %swap3A_195 {strides = array<i32>} : memref<1x1x256x16x128xf32, #tpu.memory_space<vmem>>, vector<1x1x1x16x128xf32>,
    } else {
    }
    return
  }
  func.func @transform_1(%arg0: i32, %arg1: i32, %arg2: memref<1xi32, #tpu.memory_space<smem>>) -> (i32, i32, i32, i32, i32) {
    %c0_i32 = arith.constant 0 : i32
    %c0_i32_0 = arith.constant 0 : i32
    %c0_i32_1 = arith.constant 0 : i32
    %c0_i32_2 = arith.constant 0 : i32
    return %arg0, %c0_i32, %arg1, %c0_i32_0, %c0_i32_1 : i32, i32, i32, i32, i32
  }
  func.func @transform_2(%arg0: i32, %arg1: i32, %arg2: memref<1xi32, #tpu.memory_space<smem>>) -> (i32, i32, i32, i32) {
    %c0_i32 = arith.constant 0 : i32
    %c0_i32_0 = arith.constant 0 : i32
    %c0_i32_1 = arith.constant 0 : i32
    %c0_i32_2 = arith.constant 0 : i32
    return %arg0, %c0_i32, %c0_i32_0, %c0_i32_1 : i32, i32, i32, i32
  }
  func.func @transform_3(%arg0: i32, %arg1: i32, %arg2: memref<1xi32, #tpu.memory_space<smem>>) -> (i32, i32, i32, i32, i32) {
    %c0_i32 = arith.constant 0 : i32
    %c0_i32_0 = arith.constant 0 : i32
    %c0_i32_1 = arith.constant 0 : i32
    %c0_i32_2 = arith.constant 0 : i32
    return %arg0, %c0_i32, %arg1, %c0_i32_0, %c0_i32_1 : i32, i32, i32, i32, i32
  }
}

module attributes {stable_mosaic.version = 14 : i64} {
  func.func @_copy_patch_body(%arg0: i32, %arg1: i32, %arg2: memref<1xi32, #tpu.memory_space<smem>>, %arg3: memref<1x1x512x16x128xf32, #tpu.memory_space<vmem>>, %arg4: memref<1x16x16x128xf32, #tpu.memory_space<vmem>>, %arg5: memref<1x1x512x16x128xf32, #tpu.memory_space<vmem>>) attributes {dimension_semantics = [#tpu.dimension_semantics<arbitrary>, #tpu.dimension_semantics<arbitrary>], iteration_bounds = array<i64: 8, 4>, scalar_prefetch = 0 : i64, scratch_operands = 0 : i64, tpu.core_type = #tpu.core_type<tc>, window_params = [{transform_indices = @transform_0, window_bounds = array<i64: 1>}, {transform_indices = @transform_1, window_bounds = array<i64: 1, 1, 512, 16, 128>}, {transform_indices = @transform_2, window_bounds = array<i64: 1, 16, 16, 128>}, {transform_indices = @transform_3, window_bounds = array<i64: 1, 1, 512, 16, 128>}]} {
    %mul3A = arith.constant 512 : i32
    %mul3A_0 = arith.muli %arg1, %mul3A : i32
    %get3A = arith.constant 0 : index
    %get3A_1 = arith.constant 0 : index
    %get3A_2 = arith.constant 0 : index
    %get3A_3 = arith.constant 0 : index
    %get3A_4 = arith.constant 0 : index
    %get3A_5 = vector.load %arg3[%get3A, %get3A_1, %get3A_2, %get3A_3, %get3A_4] : memref<1x1x512x16x128xf32, #tpu.memory_space<vmem>>, vector<1x1x512x16x128xf32>
    %swap3A = arith.constant 0 : index
    %swap3A_6 = arith.constant 0 : index
    %swap3A_7 = arith.constant 0 : index
    %swap3A_8 = arith.constant 0 : index
    %swap3A_9 = arith.constant 0 : index
    %swap3A_10 = vector.load %arg5[%swap3A, %swap3A_6, %swap3A_7, %swap3A_8, %swap3A_9] : memref<1x1x512x16x128xf32, #tpu.memory_space<vmem>>, vector<1x1x512x16x128xf32>
    tpu.vector_store %arg5[%swap3A, %swap3A_6, %swap3A_7, %swap3A_8, %swap3A_9], %get3A_5 {strides = array<i32>} : memref<1x1x512x16x128xf32, #tpu.memory_space<vmem>>, vector<1x1x512x16x128xf32>,
    %get3A_11 = arith.constant 0 : index
    %get3A_12 = memref.load %arg2[%get3A_11] : memref<1xi32, #tpu.memory_space<smem>>
    %add3A = arith.constant 0 : i32
    %add3A_13 = arith.addi %get3A_12, %add3A : i32
    %sub3A = arith.subi %add3A_13, %mul3A_0 : i32
    %ge3A = arith.constant 0 : i32
    %ge3A_14 = arith.cmpi sge, %sub3A, %ge3A : i32
    %lt3A = arith.constant 512 : i32
    %lt3A_15 = arith.cmpi slt, %sub3A, %lt3A : i32
    %and3A = arith.andi %ge3A_14, %lt3A_15 : i1
    %convert_element_type3A = arith.extui %and3A : i1 to i32
    %cond3A = arith.constant 0 : i32
    %cond3A_16 = arith.cmpi ne, %convert_element_type3A, %cond3A : i32
    scf.if %cond3A_16 {
      %get3A_182 = arith.constant 0 : index
      %get3A_183 = arith.constant 0 : index
      %get3A_184 = arith.constant 0 : index
      %get3A_185 = arith.constant 0 : index
      %get3A_186 = vector.load %arg4[%get3A_182, %get3A_183, %get3A_184, %get3A_185] : memref<1x16x16x128xf32, #tpu.memory_space<vmem>>, vector<1x1x16x128xf32>
      %get3A_187 = vector.shape_cast %get3A_186 : vector<1x1x16x128xf32> to vector<1x16x128xf32>
      %swap3A_188 = arith.constant 0 : index
      %swap3A_189 = arith.constant 0 : index
      %swap3A_190 = arith.index_cast %sub3A : i32 to index
      %swap3A_191 = arith.constant 0 : index
      %swap3A_192 = arith.constant 0 : index
      %swap3A_193 = vector.load %arg5[%swap3A_188, %swap3A_189, %swap3A_190, %swap3A_191, %swap3A_192] : memref<1x1x512x16x128xf32, #tpu.memory_space<vmem>>, vector<1x1x1x16x128xf32>
      %swap3A_194 = vector.shape_cast %swap3A_193 : vector<1x1x1x16x128xf32> to vector<1x16x128xf32>
      %swap3A_195 = vector.shape_cast %get3A_187 : vector<1x16x128xf32> to vector<1x1x1x16x128xf32>
      tpu.vector_store %arg5[%swap3A_188, %swap3A_189, %swap3A_190, %swap3A_191, %swap3A_192], %swap3A_195 {strides = array<i32>} : memref<1x1x512x16x128xf32, #tpu.memory_space<vmem>>, vector<1x1x1x16x128xf32>,
    } else {
    }
    %add3A_17 = arith.constant 1 : i32
    %add3A_18 = arith.addi %get3A_12, %add3A_17 : i32
    %sub3A_19 = arith.subi %add3A_18, %mul3A_0 : i32
    %ge3A_20 = arith.constant 0 : i32
    %ge3A_21 = arith.cmpi sge, %sub3A_19, %ge3A_20 : i32
    %lt3A_22 = arith.constant 512 : i32
    %lt3A_23 = arith.cmpi slt, %sub3A_19, %lt3A_22 : i32
    %and3A_24 = arith.andi %ge3A_21, %lt3A_23 : i1
    %convert_element_type3A_25 = arith.extui %and3A_24 : i1 to i32
    %cond3A_26 = arith.constant 0 : i32
    %cond3A_27 = arith.cmpi ne, %convert_element_type3A_25, %cond3A_26 : i32
    scf.if %cond3A_27 {
      %get3A_182 = arith.constant 0 : index
      %get3A_183 = arith.constant 1 : index
      %get3A_184 = arith.constant 0 : index
      %get3A_185 = arith.constant 0 : index
      %get3A_186 = vector.load %arg4[%get3A_182, %get3A_183, %get3A_184, %get3A_185] : memref<1x16x16x128xf32, #tpu.memory_space<vmem>>, vector<1x1x16x128xf32>
      %get3A_187 = vector.shape_cast %get3A_186 : vector<1x1x16x128xf32> to vector<1x16x128xf32>
      %swap3A_188 = arith.constant 0 : index
      %swap3A_189 = arith.constant 0 : index
      %swap3A_190 = arith.index_cast %sub3A_19 : i32 to index
      %swap3A_191 = arith.constant 0 : index
      %swap3A_192 = arith.constant 0 : index
      %swap3A_193 = vector.load %arg5[%swap3A_188, %swap3A_189, %swap3A_190, %swap3A_191, %swap3A_192] : memref<1x1x512x16x128xf32, #tpu.memory_space<vmem>>, vector<1x1x1x16x128xf32>
      %swap3A_194 = vector.shape_cast %swap3A_193 : vector<1x1x1x16x128xf32> to vector<1x16x128xf32>
      %swap3A_195 = vector.shape_cast %get3A_187 : vector<1x16x128xf32> to vector<1x1x1x16x128xf32>
      tpu.vector_store %arg5[%swap3A_188, %swap3A_189, %swap3A_190, %swap3A_191, %swap3A_192], %swap3A_195 {strides = array<i32>} : memref<1x1x512x16x128xf32, #tpu.memory_space<vmem>>, vector<1x1x1x16x128xf32>,
    } else {
    }
    %add3A_28 = arith.constant 2 : i32
    %add3A_29 = arith.addi %get3A_12, %add3A_28 : i32
    %sub3A_30 = arith.subi %add3A_29, %mul3A_0 : i32
    %ge3A_31 = arith.constant 0 : i32
    %ge3A_32 = arith.cmpi sge, %sub3A_30, %ge3A_31 : i32
    %lt3A_33 = arith.constant 512 : i32
    %lt3A_34 = arith.cmpi slt, %sub3A_30, %lt3A_33 : i32
    %and3A_35 = arith.andi %ge3A_32, %lt3A_34 : i1
    %convert_element_type3A_36 = arith.extui %and3A_35 : i1 to i32
    %cond3A_37 = arith.constant 0 : i32
    %cond3A_38 = arith.cmpi ne, %convert_element_type3A_36, %cond3A_37 : i32
    scf.if %cond3A_38 {
      %get3A_182 = arith.constant 0 : index
      %get3A_183 = arith.constant 2 : index
      %get3A_184 = arith.constant 0 : index
      %get3A_185 = arith.constant 0 : index
      %get3A_186 = vector.load %arg4[%get3A_182, %get3A_183, %get3A_184, %get3A_185] : memref<1x16x16x128xf32, #tpu.memory_space<vmem>>, vector<1x1x16x128xf32>
      %get3A_187 = vector.shape_cast %get3A_186 : vector<1x1x16x128xf32> to vector<1x16x128xf32>
      %swap3A_188 = arith.constant 0 : index
      %swap3A_189 = arith.constant 0 : index
      %swap3A_190 = arith.index_cast %sub3A_30 : i32 to index
      %swap3A_191 = arith.constant 0 : index
      %swap3A_192 = arith.constant 0 : index
      %swap3A_193 = vector.load %arg5[%swap3A_188, %swap3A_189, %swap3A_190, %swap3A_191, %swap3A_192] : memref<1x1x512x16x128xf32, #tpu.memory_space<vmem>>, vector<1x1x1x16x128xf32>
      %swap3A_194 = vector.shape_cast %swap3A_193 : vector<1x1x1x16x128xf32> to vector<1x16x128xf32>
      %swap3A_195 = vector.shape_cast %get3A_187 : vector<1x16x128xf32> to vector<1x1x1x16x128xf32>
      tpu.vector_store %arg5[%swap3A_188, %swap3A_189, %swap3A_190, %swap3A_191, %swap3A_192], %swap3A_195 {strides = array<i32>} : memref<1x1x512x16x128xf32, #tpu.memory_space<vmem>>, vector<1x1x1x16x128xf32>,
    } else {
    }
    %add3A_39 = arith.constant 3 : i32
    %add3A_40 = arith.addi %get3A_12, %add3A_39 : i32
    %sub3A_41 = arith.subi %add3A_40, %mul3A_0 : i32
    %ge3A_42 = arith.constant 0 : i32
    %ge3A_43 = arith.cmpi sge, %sub3A_41, %ge3A_42 : i32
    %lt3A_44 = arith.constant 512 : i32
    %lt3A_45 = arith.cmpi slt, %sub3A_41, %lt3A_44 : i32
    %and3A_46 = arith.andi %ge3A_43, %lt3A_45 : i1
    %convert_element_type3A_47 = arith.extui %and3A_46 : i1 to i32
    %cond3A_48 = arith.constant 0 : i32
    %cond3A_49 = arith.cmpi ne, %convert_element_type3A_47, %cond3A_48 : i32
    scf.if %cond3A_49 {
      %get3A_182 = arith.constant 0 : index
      %get3A_183 = arith.constant 3 : index
      %get3A_184 = arith.constant 0 : index
      %get3A_185 = arith.constant 0 : index
      %get3A_186 = vector.load %arg4[%get3A_182, %get3A_183, %get3A_184, %get3A_185] : memref<1x16x16x128xf32, #tpu.memory_space<vmem>>, vector<1x1x16x128xf32>
      %get3A_187 = vector.shape_cast %get3A_186 : vector<1x1x16x128xf32> to vector<1x16x128xf32>
      %swap3A_188 = arith.constant 0 : index
      %swap3A_189 = arith.constant 0 : index
      %swap3A_190 = arith.index_cast %sub3A_41 : i32 to index
      %swap3A_191 = arith.constant 0 : index
      %swap3A_192 = arith.constant 0 : index
      %swap3A_193 = vector.load %arg5[%swap3A_188, %swap3A_189, %swap3A_190, %swap3A_191, %swap3A_192] : memref<1x1x512x16x128xf32, #tpu.memory_space<vmem>>, vector<1x1x1x16x128xf32>
      %swap3A_194 = vector.shape_cast %swap3A_193 : vector<1x1x1x16x128xf32> to vector<1x16x128xf32>
      %swap3A_195 = vector.shape_cast %get3A_187 : vector<1x16x128xf32> to vector<1x1x1x16x128xf32>
      tpu.vector_store %arg5[%swap3A_188, %swap3A_189, %swap3A_190, %swap3A_191, %swap3A_192], %swap3A_195 {strides = array<i32>} : memref<1x1x512x16x128xf32, #tpu.memory_space<vmem>>, vector<1x1x1x16x128xf32>,
    } else {
    }
    %add3A_50 = arith.constant 4 : i32
    %add3A_51 = arith.addi %get3A_12, %add3A_50 : i32
    %sub3A_52 = arith.subi %add3A_51, %mul3A_0 : i32
    %ge3A_53 = arith.constant 0 : i32
    %ge3A_54 = arith.cmpi sge, %sub3A_52, %ge3A_53 : i32
    %lt3A_55 = arith.constant 512 : i32
    %lt3A_56 = arith.cmpi slt, %sub3A_52, %lt3A_55 : i32
    %and3A_57 = arith.andi %ge3A_54, %lt3A_56 : i1
    %convert_element_type3A_58 = arith.extui %and3A_57 : i1 to i32
    %cond3A_59 = arith.constant 0 : i32
    %cond3A_60 = arith.cmpi ne, %convert_element_type3A_58, %cond3A_59 : i32
    scf.if %cond3A_60 {
      %get3A_182 = arith.constant 0 : index
      %get3A_183 = arith.constant 4 : index
      %get3A_184 = arith.constant 0 : index
      %get3A_185 = arith.constant 0 : index
      %get3A_186 = vector.load %arg4[%get3A_182, %get3A_183, %get3A_184, %get3A_185] : memref<1x16x16x128xf32, #tpu.memory_space<vmem>>, vector<1x1x16x128xf32>
      %get3A_187 = vector.shape_cast %get3A_186 : vector<1x1x16x128xf32> to vector<1x16x128xf32>
      %swap3A_188 = arith.constant 0 : index
      %swap3A_189 = arith.constant 0 : index
      %swap3A_190 = arith.index_cast %sub3A_52 : i32 to index
      %swap3A_191 = arith.constant 0 : index
      %swap3A_192 = arith.constant 0 : index
      %swap3A_193 = vector.load %arg5[%swap3A_188, %swap3A_189, %swap3A_190, %swap3A_191, %swap3A_192] : memref<1x1x512x16x128xf32, #tpu.memory_space<vmem>>, vector<1x1x1x16x128xf32>
      %swap3A_194 = vector.shape_cast %swap3A_193 : vector<1x1x1x16x128xf32> to vector<1x16x128xf32>
      %swap3A_195 = vector.shape_cast %get3A_187 : vector<1x16x128xf32> to vector<1x1x1x16x128xf32>
      tpu.vector_store %arg5[%swap3A_188, %swap3A_189, %swap3A_190, %swap3A_191, %swap3A_192], %swap3A_195 {strides = array<i32>} : memref<1x1x512x16x128xf32, #tpu.memory_space<vmem>>, vector<1x1x1x16x128xf32>,
    } else {
    }
    %add3A_61 = arith.constant 5 : i32
    %add3A_62 = arith.addi %get3A_12, %add3A_61 : i32
    %sub3A_63 = arith.subi %add3A_62, %mul3A_0 : i32
    %ge3A_64 = arith.constant 0 : i32
    %ge3A_65 = arith.cmpi sge, %sub3A_63, %ge3A_64 : i32
    %lt3A_66 = arith.constant 512 : i32
    %lt3A_67 = arith.cmpi slt, %sub3A_63, %lt3A_66 : i32
    %and3A_68 = arith.andi %ge3A_65, %lt3A_67 : i1
    %convert_element_type3A_69 = arith.extui %and3A_68 : i1 to i32
    %cond3A_70 = arith.constant 0 : i32
    %cond3A_71 = arith.cmpi ne, %convert_element_type3A_69, %cond3A_70 : i32
    scf.if %cond3A_71 {
      %get3A_182 = arith.constant 0 : index
      %get3A_183 = arith.constant 5 : index
      %get3A_184 = arith.constant 0 : index
      %get3A_185 = arith.constant 0 : index
      %get3A_186 = vector.load %arg4[%get3A_182, %get3A_183, %get3A_184, %get3A_185] : memref<1x16x16x128xf32, #tpu.memory_space<vmem>>, vector<1x1x16x128xf32>
      %get3A_187 = vector.shape_cast %get3A_186 : vector<1x1x16x128xf32> to vector<1x16x128xf32>
      %swap3A_188 = arith.constant 0 : index
      %swap3A_189 = arith.constant 0 : index
      %swap3A_190 = arith.index_cast %sub3A_63 : i32 to index
      %swap3A_191 = arith.constant 0 : index
      %swap3A_192 = arith.constant 0 : index
      %swap3A_193 = vector.load %arg5[%swap3A_188, %swap3A_189, %swap3A_190, %swap3A_191, %swap3A_192] : memref<1x1x512x16x128xf32, #tpu.memory_space<vmem>>, vector<1x1x1x16x128xf32>
      %swap3A_194 = vector.shape_cast %swap3A_193 : vector<1x1x1x16x128xf32> to vector<1x16x128xf32>
      %swap3A_195 = vector.shape_cast %get3A_187 : vector<1x16x128xf32> to vector<1x1x1x16x128xf32>
      tpu.vector_store %arg5[%swap3A_188, %swap3A_189, %swap3A_190, %swap3A_191, %swap3A_192], %swap3A_195 {strides = array<i32>} : memref<1x1x512x16x128xf32, #tpu.memory_space<vmem>>, vector<1x1x1x16x128xf32>,
    } else {
    }
    %add3A_72 = arith.constant 6 : i32
    %add3A_73 = arith.addi %get3A_12, %add3A_72 : i32
    %sub3A_74 = arith.subi %add3A_73, %mul3A_0 : i32
    %ge3A_75 = arith.constant 0 : i32
    %ge3A_76 = arith.cmpi sge, %sub3A_74, %ge3A_75 : i32
    %lt3A_77 = arith.constant 512 : i32
    %lt3A_78 = arith.cmpi slt, %sub3A_74, %lt3A_77 : i32
    %and3A_79 = arith.andi %ge3A_76, %lt3A_78 : i1
    %convert_element_type3A_80 = arith.extui %and3A_79 : i1 to i32
    %cond3A_81 = arith.constant 0 : i32
    %cond3A_82 = arith.cmpi ne, %convert_element_type3A_80, %cond3A_81 : i32
    scf.if %cond3A_82 {
      %get3A_182 = arith.constant 0 : index
      %get3A_183 = arith.constant 6 : index
      %get3A_184 = arith.constant 0 : index
      %get3A_185 = arith.constant 0 : index
      %get3A_186 = vector.load %arg4[%get3A_182, %get3A_183, %get3A_184, %get3A_185] : memref<1x16x16x128xf32, #tpu.memory_space<vmem>>, vector<1x1x16x128xf32>
      %get3A_187 = vector.shape_cast %get3A_186 : vector<1x1x16x128xf32> to vector<1x16x128xf32>
      %swap3A_188 = arith.constant 0 : index
      %swap3A_189 = arith.constant 0 : index
      %swap3A_190 = arith.index_cast %sub3A_74 : i32 to index
      %swap3A_191 = arith.constant 0 : index
      %swap3A_192 = arith.constant 0 : index
      %swap3A_193 = vector.load %arg5[%swap3A_188, %swap3A_189, %swap3A_190, %swap3A_191, %swap3A_192] : memref<1x1x512x16x128xf32, #tpu.memory_space<vmem>>, vector<1x1x1x16x128xf32>
      %swap3A_194 = vector.shape_cast %swap3A_193 : vector<1x1x1x16x128xf32> to vector<1x16x128xf32>
      %swap3A_195 = vector.shape_cast %get3A_187 : vector<1x16x128xf32> to vector<1x1x1x16x128xf32>
      tpu.vector_store %arg5[%swap3A_188, %swap3A_189, %swap3A_190, %swap3A_191, %swap3A_192], %swap3A_195 {strides = array<i32>} : memref<1x1x512x16x128xf32, #tpu.memory_space<vmem>>, vector<1x1x1x16x128xf32>,
    } else {
    }
    %add3A_83 = arith.constant 7 : i32
    %add3A_84 = arith.addi %get3A_12, %add3A_83 : i32
    %sub3A_85 = arith.subi %add3A_84, %mul3A_0 : i32
    %ge3A_86 = arith.constant 0 : i32
    %ge3A_87 = arith.cmpi sge, %sub3A_85, %ge3A_86 : i32
    %lt3A_88 = arith.constant 512 : i32
    %lt3A_89 = arith.cmpi slt, %sub3A_85, %lt3A_88 : i32
    %and3A_90 = arith.andi %ge3A_87, %lt3A_89 : i1
    %convert_element_type3A_91 = arith.extui %and3A_90 : i1 to i32
    %cond3A_92 = arith.constant 0 : i32
    %cond3A_93 = arith.cmpi ne, %convert_element_type3A_91, %cond3A_92 : i32
    scf.if %cond3A_93 {
      %get3A_182 = arith.constant 0 : index
      %get3A_183 = arith.constant 7 : index
      %get3A_184 = arith.constant 0 : index
      %get3A_185 = arith.constant 0 : index
      %get3A_186 = vector.load %arg4[%get3A_182, %get3A_183, %get3A_184, %get3A_185] : memref<1x16x16x128xf32, #tpu.memory_space<vmem>>, vector<1x1x16x128xf32>
      %get3A_187 = vector.shape_cast %get3A_186 : vector<1x1x16x128xf32> to vector<1x16x128xf32>
      %swap3A_188 = arith.constant 0 : index
      %swap3A_189 = arith.constant 0 : index
      %swap3A_190 = arith.index_cast %sub3A_85 : i32 to index
      %swap3A_191 = arith.constant 0 : index
      %swap3A_192 = arith.constant 0 : index
      %swap3A_193 = vector.load %arg5[%swap3A_188, %swap3A_189, %swap3A_190, %swap3A_191, %swap3A_192] : memref<1x1x512x16x128xf32, #tpu.memory_space<vmem>>, vector<1x1x1x16x128xf32>
      %swap3A_194 = vector.shape_cast %swap3A_193 : vector<1x1x1x16x128xf32> to vector<1x16x128xf32>
      %swap3A_195 = vector.shape_cast %get3A_187 : vector<1x16x128xf32> to vector<1x1x1x16x128xf32>
      tpu.vector_store %arg5[%swap3A_188, %swap3A_189, %swap3A_190, %swap3A_191, %swap3A_192], %swap3A_195 {strides = array<i32>} : memref<1x1x512x16x128xf32, #tpu.memory_space<vmem>>, vector<1x1x1x16x128xf32>,
    } else {
    }
    %add3A_94 = arith.constant 8 : i32
    %add3A_95 = arith.addi %get3A_12, %add3A_94 : i32
    %sub3A_96 = arith.subi %add3A_95, %mul3A_0 : i32
    %ge3A_97 = arith.constant 0 : i32
    %ge3A_98 = arith.cmpi sge, %sub3A_96, %ge3A_97 : i32
    %lt3A_99 = arith.constant 512 : i32
    %lt3A_100 = arith.cmpi slt, %sub3A_96, %lt3A_99 : i32
    %and3A_101 = arith.andi %ge3A_98, %lt3A_100 : i1
    %convert_element_type3A_102 = arith.extui %and3A_101 : i1 to i32
    %cond3A_103 = arith.constant 0 : i32
    %cond3A_104 = arith.cmpi ne, %convert_element_type3A_102, %cond3A_103 : i32
    scf.if %cond3A_104 {
      %get3A_182 = arith.constant 0 : index
      %get3A_183 = arith.constant 8 : index
      %get3A_184 = arith.constant 0 : index
      %get3A_185 = arith.constant 0 : index
      %get3A_186 = vector.load %arg4[%get3A_182, %get3A_183, %get3A_184, %get3A_185] : memref<1x16x16x128xf32, #tpu.memory_space<vmem>>, vector<1x1x16x128xf32>
      %get3A_187 = vector.shape_cast %get3A_186 : vector<1x1x16x128xf32> to vector<1x16x128xf32>
      %swap3A_188 = arith.constant 0 : index
      %swap3A_189 = arith.constant 0 : index
      %swap3A_190 = arith.index_cast %sub3A_96 : i32 to index
      %swap3A_191 = arith.constant 0 : index
      %swap3A_192 = arith.constant 0 : index
      %swap3A_193 = vector.load %arg5[%swap3A_188, %swap3A_189, %swap3A_190, %swap3A_191, %swap3A_192] : memref<1x1x512x16x128xf32, #tpu.memory_space<vmem>>, vector<1x1x1x16x128xf32>
      %swap3A_194 = vector.shape_cast %swap3A_193 : vector<1x1x1x16x128xf32> to vector<1x16x128xf32>
      %swap3A_195 = vector.shape_cast %get3A_187 : vector<1x16x128xf32> to vector<1x1x1x16x128xf32>
      tpu.vector_store %arg5[%swap3A_188, %swap3A_189, %swap3A_190, %swap3A_191, %swap3A_192], %swap3A_195 {strides = array<i32>} : memref<1x1x512x16x128xf32, #tpu.memory_space<vmem>>, vector<1x1x1x16x128xf32>,
    } else {
    }
    %add3A_105 = arith.constant 9 : i32
    %add3A_106 = arith.addi %get3A_12, %add3A_105 : i32
    %sub3A_107 = arith.subi %add3A_106, %mul3A_0 : i32
    %ge3A_108 = arith.constant 0 : i32
    %ge3A_109 = arith.cmpi sge, %sub3A_107, %ge3A_108 : i32
    %lt3A_110 = arith.constant 512 : i32
    %lt3A_111 = arith.cmpi slt, %sub3A_107, %lt3A_110 : i32
    %and3A_112 = arith.andi %ge3A_109, %lt3A_111 : i1
    %convert_element_type3A_113 = arith.extui %and3A_112 : i1 to i32
    %cond3A_114 = arith.constant 0 : i32
    %cond3A_115 = arith.cmpi ne, %convert_element_type3A_113, %cond3A_114 : i32
    scf.if %cond3A_115 {
      %get3A_182 = arith.constant 0 : index
      %get3A_183 = arith.constant 9 : index
      %get3A_184 = arith.constant 0 : index
      %get3A_185 = arith.constant 0 : index
      %get3A_186 = vector.load %arg4[%get3A_182, %get3A_183, %get3A_184, %get3A_185] : memref<1x16x16x128xf32, #tpu.memory_space<vmem>>, vector<1x1x16x128xf32>
      %get3A_187 = vector.shape_cast %get3A_186 : vector<1x1x16x128xf32> to vector<1x16x128xf32>
      %swap3A_188 = arith.constant 0 : index
      %swap3A_189 = arith.constant 0 : index
      %swap3A_190 = arith.index_cast %sub3A_107 : i32 to index
      %swap3A_191 = arith.constant 0 : index
      %swap3A_192 = arith.constant 0 : index
      %swap3A_193 = vector.load %arg5[%swap3A_188, %swap3A_189, %swap3A_190, %swap3A_191, %swap3A_192] : memref<1x1x512x16x128xf32, #tpu.memory_space<vmem>>, vector<1x1x1x16x128xf32>
      %swap3A_194 = vector.shape_cast %swap3A_193 : vector<1x1x1x16x128xf32> to vector<1x16x128xf32>
      %swap3A_195 = vector.shape_cast %get3A_187 : vector<1x16x128xf32> to vector<1x1x1x16x128xf32>
      tpu.vector_store %arg5[%swap3A_188, %swap3A_189, %swap3A_190, %swap3A_191, %swap3A_192], %swap3A_195 {strides = array<i32>} : memref<1x1x512x16x128xf32, #tpu.memory_space<vmem>>, vector<1x1x1x16x128xf32>,
    } else {
    }
    %add3A_116 = arith.constant 10 : i32
    %add3A_117 = arith.addi %get3A_12, %add3A_116 : i32
    %sub3A_118 = arith.subi %add3A_117, %mul3A_0 : i32
    %ge3A_119 = arith.constant 0 : i32
    %ge3A_120 = arith.cmpi sge, %sub3A_118, %ge3A_119 : i32
    %lt3A_121 = arith.constant 512 : i32
    %lt3A_122 = arith.cmpi slt, %sub3A_118, %lt3A_121 : i32
    %and3A_123 = arith.andi %ge3A_120, %lt3A_122 : i1
    %convert_element_type3A_124 = arith.extui %and3A_123 : i1 to i32
    %cond3A_125 = arith.constant 0 : i32
    %cond3A_126 = arith.cmpi ne, %convert_element_type3A_124, %cond3A_125 : i32
    scf.if %cond3A_126 {
      %get3A_182 = arith.constant 0 : index
      %get3A_183 = arith.constant 10 : index
      %get3A_184 = arith.constant 0 : index
      %get3A_185 = arith.constant 0 : index
      %get3A_186 = vector.load %arg4[%get3A_182, %get3A_183, %get3A_184, %get3A_185] : memref<1x16x16x128xf32, #tpu.memory_space<vmem>>, vector<1x1x16x128xf32>
      %get3A_187 = vector.shape_cast %get3A_186 : vector<1x1x16x128xf32> to vector<1x16x128xf32>
      %swap3A_188 = arith.constant 0 : index
      %swap3A_189 = arith.constant 0 : index
      %swap3A_190 = arith.index_cast %sub3A_118 : i32 to index
      %swap3A_191 = arith.constant 0 : index
      %swap3A_192 = arith.constant 0 : index
      %swap3A_193 = vector.load %arg5[%swap3A_188, %swap3A_189, %swap3A_190, %swap3A_191, %swap3A_192] : memref<1x1x512x16x128xf32, #tpu.memory_space<vmem>>, vector<1x1x1x16x128xf32>
      %swap3A_194 = vector.shape_cast %swap3A_193 : vector<1x1x1x16x128xf32> to vector<1x16x128xf32>
      %swap3A_195 = vector.shape_cast %get3A_187 : vector<1x16x128xf32> to vector<1x1x1x16x128xf32>
      tpu.vector_store %arg5[%swap3A_188, %swap3A_189, %swap3A_190, %swap3A_191, %swap3A_192], %swap3A_195 {strides = array<i32>} : memref<1x1x512x16x128xf32, #tpu.memory_space<vmem>>, vector<1x1x1x16x128xf32>,
    } else {
    }
    %add3A_127 = arith.constant 11 : i32
    %add3A_128 = arith.addi %get3A_12, %add3A_127 : i32
    %sub3A_129 = arith.subi %add3A_128, %mul3A_0 : i32
    %ge3A_130 = arith.constant 0 : i32
    %ge3A_131 = arith.cmpi sge, %sub3A_129, %ge3A_130 : i32
    %lt3A_132 = arith.constant 512 : i32
    %lt3A_133 = arith.cmpi slt, %sub3A_129, %lt3A_132 : i32
    %and3A_134 = arith.andi %ge3A_131, %lt3A_133 : i1
    %convert_element_type3A_135 = arith.extui %and3A_134 : i1 to i32
    %cond3A_136 = arith.constant 0 : i32
    %cond3A_137 = arith.cmpi ne, %convert_element_type3A_135, %cond3A_136 : i32
    scf.if %cond3A_137 {
      %get3A_182 = arith.constant 0 : index
      %get3A_183 = arith.constant 11 : index
      %get3A_184 = arith.constant 0 : index
      %get3A_185 = arith.constant 0 : index
      %get3A_186 = vector.load %arg4[%get3A_182, %get3A_183, %get3A_184, %get3A_185] : memref<1x16x16x128xf32, #tpu.memory_space<vmem>>, vector<1x1x16x128xf32>
      %get3A_187 = vector.shape_cast %get3A_186 : vector<1x1x16x128xf32> to vector<1x16x128xf32>
      %swap3A_188 = arith.constant 0 : index
      %swap3A_189 = arith.constant 0 : index
      %swap3A_190 = arith.index_cast %sub3A_129 : i32 to index
      %swap3A_191 = arith.constant 0 : index
      %swap3A_192 = arith.constant 0 : index
      %swap3A_193 = vector.load %arg5[%swap3A_188, %swap3A_189, %swap3A_190, %swap3A_191, %swap3A_192] : memref<1x1x512x16x128xf32, #tpu.memory_space<vmem>>, vector<1x1x1x16x128xf32>
      %swap3A_194 = vector.shape_cast %swap3A_193 : vector<1x1x1x16x128xf32> to vector<1x16x128xf32>
      %swap3A_195 = vector.shape_cast %get3A_187 : vector<1x16x128xf32> to vector<1x1x1x16x128xf32>
      tpu.vector_store %arg5[%swap3A_188, %swap3A_189, %swap3A_190, %swap3A_191, %swap3A_192], %swap3A_195 {strides = array<i32>} : memref<1x1x512x16x128xf32, #tpu.memory_space<vmem>>, vector<1x1x1x16x128xf32>,
    } else {
    }
    %add3A_138 = arith.constant 12 : i32
    %add3A_139 = arith.addi %get3A_12, %add3A_138 : i32
    %sub3A_140 = arith.subi %add3A_139, %mul3A_0 : i32
    %ge3A_141 = arith.constant 0 : i32
    %ge3A_142 = arith.cmpi sge, %sub3A_140, %ge3A_141 : i32
    %lt3A_143 = arith.constant 512 : i32
    %lt3A_144 = arith.cmpi slt, %sub3A_140, %lt3A_143 : i32
    %and3A_145 = arith.andi %ge3A_142, %lt3A_144 : i1
    %convert_element_type3A_146 = arith.extui %and3A_145 : i1 to i32
    %cond3A_147 = arith.constant 0 : i32
    %cond3A_148 = arith.cmpi ne, %convert_element_type3A_146, %cond3A_147 : i32
    scf.if %cond3A_148 {
      %get3A_182 = arith.constant 0 : index
      %get3A_183 = arith.constant 12 : index
      %get3A_184 = arith.constant 0 : index
      %get3A_185 = arith.constant 0 : index
      %get3A_186 = vector.load %arg4[%get3A_182, %get3A_183, %get3A_184, %get3A_185] : memref<1x16x16x128xf32, #tpu.memory_space<vmem>>, vector<1x1x16x128xf32>
      %get3A_187 = vector.shape_cast %get3A_186 : vector<1x1x16x128xf32> to vector<1x16x128xf32>
      %swap3A_188 = arith.constant 0 : index
      %swap3A_189 = arith.constant 0 : index
      %swap3A_190 = arith.index_cast %sub3A_140 : i32 to index
      %swap3A_191 = arith.constant 0 : index
      %swap3A_192 = arith.constant 0 : index
      %swap3A_193 = vector.load %arg5[%swap3A_188, %swap3A_189, %swap3A_190, %swap3A_191, %swap3A_192] : memref<1x1x512x16x128xf32, #tpu.memory_space<vmem>>, vector<1x1x1x16x128xf32>
      %swap3A_194 = vector.shape_cast %swap3A_193 : vector<1x1x1x16x128xf32> to vector<1x16x128xf32>
      %swap3A_195 = vector.shape_cast %get3A_187 : vector<1x16x128xf32> to vector<1x1x1x16x128xf32>
      tpu.vector_store %arg5[%swap3A_188, %swap3A_189, %swap3A_190, %swap3A_191, %swap3A_192], %swap3A_195 {strides = array<i32>} : memref<1x1x512x16x128xf32, #tpu.memory_space<vmem>>, vector<1x1x1x16x128xf32>,
    } else {
    }
    %add3A_149 = arith.constant 13 : i32
    %add3A_150 = arith.addi %get3A_12, %add3A_149 : i32
    %sub3A_151 = arith.subi %add3A_150, %mul3A_0 : i32
    %ge3A_152 = arith.constant 0 : i32
    %ge3A_153 = arith.cmpi sge, %sub3A_151, %ge3A_152 : i32
    %lt3A_154 = arith.constant 512 : i32
    %lt3A_155 = arith.cmpi slt, %sub3A_151, %lt3A_154 : i32
    %and3A_156 = arith.andi %ge3A_153, %lt3A_155 : i1
    %convert_element_type3A_157 = arith.extui %and3A_156 : i1 to i32
    %cond3A_158 = arith.constant 0 : i32
    %cond3A_159 = arith.cmpi ne, %convert_element_type3A_157, %cond3A_158 : i32
    scf.if %cond3A_159 {
      %get3A_182 = arith.constant 0 : index
      %get3A_183 = arith.constant 13 : index
      %get3A_184 = arith.constant 0 : index
      %get3A_185 = arith.constant 0 : index
      %get3A_186 = vector.load %arg4[%get3A_182, %get3A_183, %get3A_184, %get3A_185] : memref<1x16x16x128xf32, #tpu.memory_space<vmem>>, vector<1x1x16x128xf32>
      %get3A_187 = vector.shape_cast %get3A_186 : vector<1x1x16x128xf32> to vector<1x16x128xf32>
      %swap3A_188 = arith.constant 0 : index
      %swap3A_189 = arith.constant 0 : index
      %swap3A_190 = arith.index_cast %sub3A_151 : i32 to index
      %swap3A_191 = arith.constant 0 : index
      %swap3A_192 = arith.constant 0 : index
      %swap3A_193 = vector.load %arg5[%swap3A_188, %swap3A_189, %swap3A_190, %swap3A_191, %swap3A_192] : memref<1x1x512x16x128xf32, #tpu.memory_space<vmem>>, vector<1x1x1x16x128xf32>
      %swap3A_194 = vector.shape_cast %swap3A_193 : vector<1x1x1x16x128xf32> to vector<1x16x128xf32>
      %swap3A_195 = vector.shape_cast %get3A_187 : vector<1x16x128xf32> to vector<1x1x1x16x128xf32>
      tpu.vector_store %arg5[%swap3A_188, %swap3A_189, %swap3A_190, %swap3A_191, %swap3A_192], %swap3A_195 {strides = array<i32>} : memref<1x1x512x16x128xf32, #tpu.memory_space<vmem>>, vector<1x1x1x16x128xf32>,
    } else {
    }
    %add3A_160 = arith.constant 14 : i32
    %add3A_161 = arith.addi %get3A_12, %add3A_160 : i32
    %sub3A_162 = arith.subi %add3A_161, %mul3A_0 : i32
    %ge3A_163 = arith.constant 0 : i32
    %ge3A_164 = arith.cmpi sge, %sub3A_162, %ge3A_163 : i32
    %lt3A_165 = arith.constant 512 : i32
    %lt3A_166 = arith.cmpi slt, %sub3A_162, %lt3A_165 : i32
    %and3A_167 = arith.andi %ge3A_164, %lt3A_166 : i1
    %convert_element_type3A_168 = arith.extui %and3A_167 : i1 to i32
    %cond3A_169 = arith.constant 0 : i32
    %cond3A_170 = arith.cmpi ne, %convert_element_type3A_168, %cond3A_169 : i32
    scf.if %cond3A_170 {
      %get3A_182 = arith.constant 0 : index
      %get3A_183 = arith.constant 14 : index
      %get3A_184 = arith.constant 0 : index
      %get3A_185 = arith.constant 0 : index
      %get3A_186 = vector.load %arg4[%get3A_182, %get3A_183, %get3A_184, %get3A_185] : memref<1x16x16x128xf32, #tpu.memory_space<vmem>>, vector<1x1x16x128xf32>
      %get3A_187 = vector.shape_cast %get3A_186 : vector<1x1x16x128xf32> to vector<1x16x128xf32>
      %swap3A_188 = arith.constant 0 : index
      %swap3A_189 = arith.constant 0 : index
      %swap3A_190 = arith.index_cast %sub3A_162 : i32 to index
      %swap3A_191 = arith.constant 0 : index
      %swap3A_192 = arith.constant 0 : index
      %swap3A_193 = vector.load %arg5[%swap3A_188, %swap3A_189, %swap3A_190, %swap3A_191, %swap3A_192] : memref<1x1x512x16x128xf32, #tpu.memory_space<vmem>>, vector<1x1x1x16x128xf32>
      %swap3A_194 = vector.shape_cast %swap3A_193 : vector<1x1x1x16x128xf32> to vector<1x16x128xf32>
      %swap3A_195 = vector.shape_cast %get3A_187 : vector<1x16x128xf32> to vector<1x1x1x16x128xf32>
      tpu.vector_store %arg5[%swap3A_188, %swap3A_189, %swap3A_190, %swap3A_191, %swap3A_192], %swap3A_195 {strides = array<i32>} : memref<1x1x512x16x128xf32, #tpu.memory_space<vmem>>, vector<1x1x1x16x128xf32>,
    } else {
    }
    %add3A_171 = arith.constant 15 : i32
    %add3A_172 = arith.addi %get3A_12, %add3A_171 : i32
    %sub3A_173 = arith.subi %add3A_172, %mul3A_0 : i32
    %ge3A_174 = arith.constant 0 : i32
    %ge3A_175 = arith.cmpi sge, %sub3A_173, %ge3A_174 : i32
    %lt3A_176 = arith.constant 512 : i32
    %lt3A_177 = arith.cmpi slt, %sub3A_173, %lt3A_176 : i32
    %and3A_178 = arith.andi %ge3A_175, %lt3A_177 : i1
    %convert_element_type3A_179 = arith.extui %and3A_178 : i1 to i32
    %cond3A_180 = arith.constant 0 : i32
    %cond3A_181 = arith.cmpi ne, %convert_element_type3A_179, %cond3A_180 : i32
    scf.if %cond3A_181 {
      %get3A_182 = arith.constant 0 : index
      %get3A_183 = arith.constant 15 : index
      %get3A_184 = arith.constant 0 : index
      %get3A_185 = arith.constant 0 : index
      %get3A_186 = vector.load %arg4[%get3A_182, %get3A_183, %get3A_184, %get3A_185] : memref<1x16x16x128xf32, #tpu.memory_space<vmem>>, vector<1x1x16x128xf32>
      %get3A_187 = vector.shape_cast %get3A_186 : vector<1x1x16x128xf32> to vector<1x16x128xf32>
      %swap3A_188 = arith.constant 0 : index
      %swap3A_189 = arith.constant 0 : index
      %swap3A_190 = arith.index_cast %sub3A_173 : i32 to index
      %swap3A_191 = arith.constant 0 : index
      %swap3A_192 = arith.constant 0 : index
      %swap3A_193 = vector.load %arg5[%swap3A_188, %swap3A_189, %swap3A_190, %swap3A_191, %swap3A_192] : memref<1x1x512x16x128xf32, #tpu.memory_space<vmem>>, vector<1x1x1x16x128xf32>
      %swap3A_194 = vector.shape_cast %swap3A_193 : vector<1x1x1x16x128xf32> to vector<1x16x128xf32>
      %swap3A_195 = vector.shape_cast %get3A_187 : vector<1x16x128xf32> to vector<1x1x1x16x128xf32>
      tpu.vector_store %arg5[%swap3A_188, %swap3A_189, %swap3A_190, %swap3A_191, %swap3A_192], %swap3A_195 {strides = array<i32>} : memref<1x1x512x16x128xf32, #tpu.memory_space<vmem>>, vector<1x1x1x16x128xf32>,
    } else {
    }
    return
  }
  func.func @transform_0(%arg0: i32, %arg1: i32) -> i32 {
    %c0_i32 = arith.constant 0 : i32
    %c0_i32_0 = arith.constant 0 : i32
    return %c0_i32 : i32
  }
  func.func @transform_1(%arg0: i32, %arg1: i32) -> (i32, i32, i32, i32, i32) {
    %c0_i32 = arith.constant 0 : i32
    %c0_i32_0 = arith.constant 0 : i32
    %c0_i32_1 = arith.constant 0 : i32
    %c0_i32_2 = arith.constant 0 : i32
    return %arg0, %c0_i32, %arg1, %c0_i32_0, %c0_i32_1 : i32, i32, i32, i32, i32
  }
  func.func @transform_2(%arg0: i32, %arg1: i32) -> (i32, i32, i32, i32) {
    %c0_i32 = arith.constant 0 : i32
    %c0_i32_0 = arith.constant 0 : i32
    %c0_i32_1 = arith.constant 0 : i32
    %c0_i32_2 = arith.constant 0 : i32
    return %arg0, %c0_i32, %c0_i32_0, %c0_i32_1 : i32, i32, i32, i32
  }
  func.func @transform_3(%arg0: i32, %arg1: i32) -> (i32, i32, i32, i32, i32) {
    %c0_i32 = arith.constant 0 : i32
    %c0_i32_0 = arith.constant 0 : i32
    %c0_i32_1 = arith.constant 0 : i32
    %c0_i32_2 = arith.constant 0 : i32
    return %arg0, %c0_i32, %arg1, %c0_i32_0, %c0_i32_1 : i32, i32, i32, i32, i32
  }
}

module attributes {stable_mosaic.version = 14 : i64} {
  func.func @_back_patch_body(%arg0: memref<8x1x2048x16x128xf32, #tpu.memory_space<hbm>>, %arg1: memref<8x16x16x128xf32, #tpu.memory_space<vmem>>, %arg2: memref<1xi32, #tpu.memory_space<smem>>, %arg3: memref<8x1x2048x16x128xf32, #tpu.memory_space<hbm>>, %arg4: memref<8x!tpu.dma_semaphore, #tpu.memory_space<semaphore_mem>>) attributes {dimension_semantics = [], scalar_prefetch = 0 : i64, scratch_operands = 1 : i64, tpu.core_type = #tpu.core_type<tc>} {
    %get3A = arith.constant 0 : index
    %get3A_0 = memref.load %arg2[%get3A] : memref<1xi32, #tpu.memory_space<smem>>
    %add3A = arith.constant 16 : i32
    %add3A_1 = arith.addi %get3A_0, %add3A : i32
    %gt3A = arith.constant 256 : i32
    %gt3A_2 = arith.cmpi sgt, %add3A_1, %gt3A : i32
    %convert_element_type3A = arith.extui %gt3A_2 : i1 to i32
    %cond3A = arith.constant 0 : i32
    %cond3A_3 = arith.cmpi ne, %convert_element_type3A, %cond3A : i32
    scf.if %cond3A_3 {
      %dma_start3A = arith.constant 0 : i32
      %dma_start3A_4 = arith.constant 0 : i32
      %dma_start3A_5 = tpu.memref_slice %arg4[%dma_start3A_4] : memref<8x!tpu.dma_semaphore, #tpu.memory_space<semaphore_mem>> -> memref<1x!tpu.dma_semaphore, #tpu.memory_space<semaphore_mem>>
      %dma_start3A_6 = tpu.memref_squeeze %dma_start3A_5 : memref<1x!tpu.dma_semaphore, #tpu.memory_space<semaphore_mem>> -> memref<!tpu.dma_semaphore, #tpu.memory_space<semaphore_mem>>
      %dma_start3A_7 = arith.constant 0 : i32
      %dma_start3A_8 = arith.constant 0 : i32
      %dma_start3A_9 = arith.constant 0 : i32
      %dma_start3A_10 = tpu.memref_slice %arg3[%dma_start3A_7, %dma_start3A, %get3A_0, %dma_start3A_8, %dma_start3A_9] : memref<8x1x2048x16x128xf32, #tpu.memory_space<hbm>> -> memref<1x1x16x16x128xf32, #tpu.memory_space<hbm>>
      %dma_start3A_11 = tpu.memref_squeeze %dma_start3A_10 : memref<1x1x16x16x128xf32, #tpu.memory_space<hbm>> -> memref<1x16x16x128xf32, #tpu.memory_space<hbm>>
      %dma_start3A_12 = arith.constant 0 : i32
      %dma_start3A_13 = arith.constant 0 : i32
      %dma_start3A_14 = arith.constant 0 : i32
      %dma_start3A_15 = arith.constant 0 : i32
      %dma_start3A_16 = tpu.memref_slice %arg1[%dma_start3A_12, %dma_start3A_13, %dma_start3A_14, %dma_start3A_15] : memref<8x16x16x128xf32, #tpu.memory_space<vmem>> -> memref<1x16x16x128xf32, #tpu.memory_space<vmem>>
      tpu.enqueue_dma source(%dma_start3A_16 : memref<1x16x16x128xf32, #tpu.memory_space<vmem>>) target(%dma_start3A_11 : memref<1x16x16x128xf32, #tpu.memory_space<hbm>>) target_semaphore(%dma_start3A_6 : memref<!tpu.dma_semaphore, #tpu.memory_space<semaphore_mem>>)
      %dma_start3A_17 = arith.constant 0 : i32
      %dma_start3A_18 = arith.constant 1 : i32
      %dma_start3A_19 = tpu.memref_slice %arg4[%dma_start3A_18] : memref<8x!tpu.dma_semaphore, #tpu.memory_space<semaphore_mem>> -> memref<1x!tpu.dma_semaphore, #tpu.memory_space<semaphore_mem>>
      %dma_start3A_20 = tpu.memref_squeeze %dma_start3A_19 : memref<1x!tpu.dma_semaphore, #tpu.memory_space<semaphore_mem>> -> memref<!tpu.dma_semaphore, #tpu.memory_space<semaphore_mem>>
      %dma_start3A_21 = arith.constant 1 : i32
      %dma_start3A_22 = arith.constant 0 : i32
      %dma_start3A_23 = arith.constant 0 : i32
      %dma_start3A_24 = tpu.memref_slice %arg3[%dma_start3A_21, %dma_start3A_17, %get3A_0, %dma_start3A_22, %dma_start3A_23] : memref<8x1x2048x16x128xf32, #tpu.memory_space<hbm>> -> memref<1x1x16x16x128xf32, #tpu.memory_space<hbm>>
      %dma_start3A_25 = tpu.memref_squeeze %dma_start3A_24 : memref<1x1x16x16x128xf32, #tpu.memory_space<hbm>> -> memref<1x16x16x128xf32, #tpu.memory_space<hbm>>
      %dma_start3A_26 = arith.constant 1 : i32
      %dma_start3A_27 = arith.constant 0 : i32
      %dma_start3A_28 = arith.constant 0 : i32
      %dma_start3A_29 = arith.constant 0 : i32
      %dma_start3A_30 = tpu.memref_slice %arg1[%dma_start3A_26, %dma_start3A_27, %dma_start3A_28, %dma_start3A_29] : memref<8x16x16x128xf32, #tpu.memory_space<vmem>> -> memref<1x16x16x128xf32, #tpu.memory_space<vmem>>
      tpu.enqueue_dma source(%dma_start3A_30 : memref<1x16x16x128xf32, #tpu.memory_space<vmem>>) target(%dma_start3A_25 : memref<1x16x16x128xf32, #tpu.memory_space<hbm>>) target_semaphore(%dma_start3A_20 : memref<!tpu.dma_semaphore, #tpu.memory_space<semaphore_mem>>)
      %dma_start3A_31 = arith.constant 0 : i32
      %dma_start3A_32 = arith.constant 2 : i32
      %dma_start3A_33 = tpu.memref_slice %arg4[%dma_start3A_32] : memref<8x!tpu.dma_semaphore, #tpu.memory_space<semaphore_mem>> -> memref<1x!tpu.dma_semaphore, #tpu.memory_space<semaphore_mem>>
      %dma_start3A_34 = tpu.memref_squeeze %dma_start3A_33 : memref<1x!tpu.dma_semaphore, #tpu.memory_space<semaphore_mem>> -> memref<!tpu.dma_semaphore, #tpu.memory_space<semaphore_mem>>
      %dma_start3A_35 = arith.constant 2 : i32
      %dma_start3A_36 = arith.constant 0 : i32
      %dma_start3A_37 = arith.constant 0 : i32
      %dma_start3A_38 = tpu.memref_slice %arg3[%dma_start3A_35, %dma_start3A_31, %get3A_0, %dma_start3A_36, %dma_start3A_37] : memref<8x1x2048x16x128xf32, #tpu.memory_space<hbm>> -> memref<1x1x16x16x128xf32, #tpu.memory_space<hbm>>
      %dma_start3A_39 = tpu.memref_squeeze %dma_start3A_38 : memref<1x1x16x16x128xf32, #tpu.memory_space<hbm>> -> memref<1x16x16x128xf32, #tpu.memory_space<hbm>>
      %dma_start3A_40 = arith.constant 2 : i32
      %dma_start3A_41 = arith.constant 0 : i32
      %dma_start3A_42 = arith.constant 0 : i32
      %dma_start3A_43 = arith.constant 0 : i32
      %dma_start3A_44 = tpu.memref_slice %arg1[%dma_start3A_40, %dma_start3A_41, %dma_start3A_42, %dma_start3A_43] : memref<8x16x16x128xf32, #tpu.memory_space<vmem>> -> memref<1x16x16x128xf32, #tpu.memory_space<vmem>>
      tpu.enqueue_dma source(%dma_start3A_44 : memref<1x16x16x128xf32, #tpu.memory_space<vmem>>) target(%dma_start3A_39 : memref<1x16x16x128xf32, #tpu.memory_space<hbm>>) target_semaphore(%dma_start3A_34 : memref<!tpu.dma_semaphore, #tpu.memory_space<semaphore_mem>>)
      %dma_start3A_45 = arith.constant 0 : i32
      %dma_start3A_46 = arith.constant 3 : i32
      %dma_start3A_47 = tpu.memref_slice %arg4[%dma_start3A_46] : memref<8x!tpu.dma_semaphore, #tpu.memory_space<semaphore_mem>> -> memref<1x!tpu.dma_semaphore, #tpu.memory_space<semaphore_mem>>
      %dma_start3A_48 = tpu.memref_squeeze %dma_start3A_47 : memref<1x!tpu.dma_semaphore, #tpu.memory_space<semaphore_mem>> -> memref<!tpu.dma_semaphore, #tpu.memory_space<semaphore_mem>>
      %dma_start3A_49 = arith.constant 3 : i32
      %dma_start3A_50 = arith.constant 0 : i32
      %dma_start3A_51 = arith.constant 0 : i32
      %dma_start3A_52 = tpu.memref_slice %arg3[%dma_start3A_49, %dma_start3A_45, %get3A_0, %dma_start3A_50, %dma_start3A_51] : memref<8x1x2048x16x128xf32, #tpu.memory_space<hbm>> -> memref<1x1x16x16x128xf32, #tpu.memory_space<hbm>>
      %dma_start3A_53 = tpu.memref_squeeze %dma_start3A_52 : memref<1x1x16x16x128xf32, #tpu.memory_space<hbm>> -> memref<1x16x16x128xf32, #tpu.memory_space<hbm>>
      %dma_start3A_54 = arith.constant 3 : i32
      %dma_start3A_55 = arith.constant 0 : i32
      %dma_start3A_56 = arith.constant 0 : i32
      %dma_start3A_57 = arith.constant 0 : i32
      %dma_start3A_58 = tpu.memref_slice %arg1[%dma_start3A_54, %dma_start3A_55, %dma_start3A_56, %dma_start3A_57] : memref<8x16x16x128xf32, #tpu.memory_space<vmem>> -> memref<1x16x16x128xf32, #tpu.memory_space<vmem>>
      tpu.enqueue_dma source(%dma_start3A_58 : memref<1x16x16x128xf32, #tpu.memory_space<vmem>>) target(%dma_start3A_53 : memref<1x16x16x128xf32, #tpu.memory_space<hbm>>) target_semaphore(%dma_start3A_48 : memref<!tpu.dma_semaphore, #tpu.memory_space<semaphore_mem>>)
      %dma_start3A_59 = arith.constant 0 : i32
      %dma_start3A_60 = arith.constant 4 : i32
      %dma_start3A_61 = tpu.memref_slice %arg4[%dma_start3A_60] : memref<8x!tpu.dma_semaphore, #tpu.memory_space<semaphore_mem>> -> memref<1x!tpu.dma_semaphore, #tpu.memory_space<semaphore_mem>>
      %dma_start3A_62 = tpu.memref_squeeze %dma_start3A_61 : memref<1x!tpu.dma_semaphore, #tpu.memory_space<semaphore_mem>> -> memref<!tpu.dma_semaphore, #tpu.memory_space<semaphore_mem>>
      %dma_start3A_63 = arith.constant 4 : i32
      %dma_start3A_64 = arith.constant 0 : i32
      %dma_start3A_65 = arith.constant 0 : i32
      %dma_start3A_66 = tpu.memref_slice %arg3[%dma_start3A_63, %dma_start3A_59, %get3A_0, %dma_start3A_64, %dma_start3A_65] : memref<8x1x2048x16x128xf32, #tpu.memory_space<hbm>> -> memref<1x1x16x16x128xf32, #tpu.memory_space<hbm>>
      %dma_start3A_67 = tpu.memref_squeeze %dma_start3A_66 : memref<1x1x16x16x128xf32, #tpu.memory_space<hbm>> -> memref<1x16x16x128xf32, #tpu.memory_space<hbm>>
      %dma_start3A_68 = arith.constant 4 : i32
      %dma_start3A_69 = arith.constant 0 : i32
      %dma_start3A_70 = arith.constant 0 : i32
      %dma_start3A_71 = arith.constant 0 : i32
      %dma_start3A_72 = tpu.memref_slice %arg1[%dma_start3A_68, %dma_start3A_69, %dma_start3A_70, %dma_start3A_71] : memref<8x16x16x128xf32, #tpu.memory_space<vmem>> -> memref<1x16x16x128xf32, #tpu.memory_space<vmem>>
      tpu.enqueue_dma source(%dma_start3A_72 : memref<1x16x16x128xf32, #tpu.memory_space<vmem>>) target(%dma_start3A_67 : memref<1x16x16x128xf32, #tpu.memory_space<hbm>>) target_semaphore(%dma_start3A_62 : memref<!tpu.dma_semaphore, #tpu.memory_space<semaphore_mem>>)
      %dma_start3A_73 = arith.constant 0 : i32
      %dma_start3A_74 = arith.constant 5 : i32
      %dma_start3A_75 = tpu.memref_slice %arg4[%dma_start3A_74] : memref<8x!tpu.dma_semaphore, #tpu.memory_space<semaphore_mem>> -> memref<1x!tpu.dma_semaphore, #tpu.memory_space<semaphore_mem>>
      %dma_start3A_76 = tpu.memref_squeeze %dma_start3A_75 : memref<1x!tpu.dma_semaphore, #tpu.memory_space<semaphore_mem>> -> memref<!tpu.dma_semaphore, #tpu.memory_space<semaphore_mem>>
      %dma_start3A_77 = arith.constant 5 : i32
      %dma_start3A_78 = arith.constant 0 : i32
      %dma_start3A_79 = arith.constant 0 : i32
      %dma_start3A_80 = tpu.memref_slice %arg3[%dma_start3A_77, %dma_start3A_73, %get3A_0, %dma_start3A_78, %dma_start3A_79] : memref<8x1x2048x16x128xf32, #tpu.memory_space<hbm>> -> memref<1x1x16x16x128xf32, #tpu.memory_space<hbm>>
      %dma_start3A_81 = tpu.memref_squeeze %dma_start3A_80 : memref<1x1x16x16x128xf32, #tpu.memory_space<hbm>> -> memref<1x16x16x128xf32, #tpu.memory_space<hbm>>
      %dma_start3A_82 = arith.constant 5 : i32
      %dma_start3A_83 = arith.constant 0 : i32
      %dma_start3A_84 = arith.constant 0 : i32
      %dma_start3A_85 = arith.constant 0 : i32
      %dma_start3A_86 = tpu.memref_slice %arg1[%dma_start3A_82, %dma_start3A_83, %dma_start3A_84, %dma_start3A_85] : memref<8x16x16x128xf32, #tpu.memory_space<vmem>> -> memref<1x16x16x128xf32, #tpu.memory_space<vmem>>
      tpu.enqueue_dma source(%dma_start3A_86 : memref<1x16x16x128xf32, #tpu.memory_space<vmem>>) target(%dma_start3A_81 : memref<1x16x16x128xf32, #tpu.memory_space<hbm>>) target_semaphore(%dma_start3A_76 : memref<!tpu.dma_semaphore, #tpu.memory_space<semaphore_mem>>)
      %dma_start3A_87 = arith.constant 0 : i32
      %dma_start3A_88 = arith.constant 6 : i32
      %dma_start3A_89 = tpu.memref_slice %arg4[%dma_start3A_88] : memref<8x!tpu.dma_semaphore, #tpu.memory_space<semaphore_mem>> -> memref<1x!tpu.dma_semaphore, #tpu.memory_space<semaphore_mem>>
      %dma_start3A_90 = tpu.memref_squeeze %dma_start3A_89 : memref<1x!tpu.dma_semaphore, #tpu.memory_space<semaphore_mem>> -> memref<!tpu.dma_semaphore, #tpu.memory_space<semaphore_mem>>
      %dma_start3A_91 = arith.constant 6 : i32
      %dma_start3A_92 = arith.constant 0 : i32
      %dma_start3A_93 = arith.constant 0 : i32
      %dma_start3A_94 = tpu.memref_slice %arg3[%dma_start3A_91, %dma_start3A_87, %get3A_0, %dma_start3A_92, %dma_start3A_93] : memref<8x1x2048x16x128xf32, #tpu.memory_space<hbm>> -> memref<1x1x16x16x128xf32, #tpu.memory_space<hbm>>
      %dma_start3A_95 = tpu.memref_squeeze %dma_start3A_94 : memref<1x1x16x16x128xf32, #tpu.memory_space<hbm>> -> memref<1x16x16x128xf32, #tpu.memory_space<hbm>>
      %dma_start3A_96 = arith.constant 6 : i32
      %dma_start3A_97 = arith.constant 0 : i32
      %dma_start3A_98 = arith.constant 0 : i32
      %dma_start3A_99 = arith.constant 0 : i32
      %dma_start3A_100 = tpu.memref_slice %arg1[%dma_start3A_96, %dma_start3A_97, %dma_start3A_98, %dma_start3A_99] : memref<8x16x16x128xf32, #tpu.memory_space<vmem>> -> memref<1x16x16x128xf32, #tpu.memory_space<vmem>>
      tpu.enqueue_dma source(%dma_start3A_100 : memref<1x16x16x128xf32, #tpu.memory_space<vmem>>) target(%dma_start3A_95 : memref<1x16x16x128xf32, #tpu.memory_space<hbm>>) target_semaphore(%dma_start3A_90 : memref<!tpu.dma_semaphore, #tpu.memory_space<semaphore_mem>>)
      %dma_start3A_101 = arith.constant 0 : i32
      %dma_start3A_102 = arith.constant 7 : i32
      %dma_start3A_103 = tpu.memref_slice %arg4[%dma_start3A_102] : memref<8x!tpu.dma_semaphore, #tpu.memory_space<semaphore_mem>> -> memref<1x!tpu.dma_semaphore, #tpu.memory_space<semaphore_mem>>
      %dma_start3A_104 = tpu.memref_squeeze %dma_start3A_103 : memref<1x!tpu.dma_semaphore, #tpu.memory_space<semaphore_mem>> -> memref<!tpu.dma_semaphore, #tpu.memory_space<semaphore_mem>>
      %dma_start3A_105 = arith.constant 7 : i32
      %dma_start3A_106 = arith.constant 0 : i32
      %dma_start3A_107 = arith.constant 0 : i32
      %dma_start3A_108 = tpu.memref_slice %arg3[%dma_start3A_105, %dma_start3A_101, %get3A_0, %dma_start3A_106, %dma_start3A_107] : memref<8x1x2048x16x128xf32, #tpu.memory_space<hbm>> -> memref<1x1x16x16x128xf32, #tpu.memory_space<hbm>>
      %dma_start3A_109 = tpu.memref_squeeze %dma_start3A_108 : memref<1x1x16x16x128xf32, #tpu.memory_space<hbm>> -> memref<1x16x16x128xf32, #tpu.memory_space<hbm>>
      %dma_start3A_110 = arith.constant 7 : i32
      %dma_start3A_111 = arith.constant 0 : i32
      %dma_start3A_112 = arith.constant 0 : i32
      %dma_start3A_113 = arith.constant 0 : i32
      %dma_start3A_114 = tpu.memref_slice %arg1[%dma_start3A_110, %dma_start3A_111, %dma_start3A_112, %dma_start3A_113] : memref<8x16x16x128xf32, #tpu.memory_space<vmem>> -> memref<1x16x16x128xf32, #tpu.memory_space<vmem>>
      tpu.enqueue_dma source(%dma_start3A_114 : memref<1x16x16x128xf32, #tpu.memory_space<vmem>>) target(%dma_start3A_109 : memref<1x16x16x128xf32, #tpu.memory_space<hbm>>) target_semaphore(%dma_start3A_104 : memref<!tpu.dma_semaphore, #tpu.memory_space<semaphore_mem>>)
      %dma_wait3A = arith.constant 0 : i32
      %dma_wait3A_115 = arith.constant 0 : i32
      %dma_wait3A_116 = tpu.memref_slice %arg4[%dma_wait3A_115] : memref<8x!tpu.dma_semaphore, #tpu.memory_space<semaphore_mem>> -> memref<1x!tpu.dma_semaphore, #tpu.memory_space<semaphore_mem>>
      %dma_wait3A_117 = tpu.memref_squeeze %dma_wait3A_116 : memref<1x!tpu.dma_semaphore, #tpu.memory_space<semaphore_mem>> -> memref<!tpu.dma_semaphore, #tpu.memory_space<semaphore_mem>>
      %dma_wait3A_118 = arith.constant 0 : i32
      %dma_wait3A_119 = arith.constant 0 : i32
      %dma_wait3A_120 = arith.constant 0 : i32
      %dma_wait3A_121 = tpu.memref_slice %arg3[%dma_wait3A_118, %dma_wait3A, %get3A_0, %dma_wait3A_119, %dma_wait3A_120] : memref<8x1x2048x16x128xf32, #tpu.memory_space<hbm>> -> memref<1x1x16x16x128xf32, #tpu.memory_space<hbm>>
      %dma_wait3A_122 = tpu.memref_squeeze %dma_wait3A_121 : memref<1x1x16x16x128xf32, #tpu.memory_space<hbm>> -> memref<1x16x16x128xf32, #tpu.memory_space<hbm>>
      %dma_wait3A_123 = arith.constant 0 : i32
      %dma_wait3A_124 = arith.constant 0 : i32
      %dma_wait3A_125 = arith.constant 0 : i32
      %dma_wait3A_126 = arith.constant 0 : i32
      %dma_wait3A_127 = tpu.memref_slice %arg1[%dma_wait3A_123, %dma_wait3A_124, %dma_wait3A_125, %dma_wait3A_126] : memref<8x16x16x128xf32, #tpu.memory_space<vmem>> -> memref<1x16x16x128xf32, #tpu.memory_space<vmem>>
      tpu.wait_dma2 semaphore(%dma_wait3A_117 : memref<!tpu.dma_semaphore, #tpu.memory_space<semaphore_mem>>) src(%dma_wait3A_127 : memref<1x16x16x128xf32, #tpu.memory_space<vmem>>) dst(%dma_wait3A_122 : memref<1x16x16x128xf32, #tpu.memory_space<hbm>>)
      %dma_wait3A_128 = arith.constant 0 : i32
      %dma_wait3A_129 = arith.constant 1 : i32
      %dma_wait3A_130 = tpu.memref_slice %arg4[%dma_wait3A_129] : memref<8x!tpu.dma_semaphore, #tpu.memory_space<semaphore_mem>> -> memref<1x!tpu.dma_semaphore, #tpu.memory_space<semaphore_mem>>
      %dma_wait3A_131 = tpu.memref_squeeze %dma_wait3A_130 : memref<1x!tpu.dma_semaphore, #tpu.memory_space<semaphore_mem>> -> memref<!tpu.dma_semaphore, #tpu.memory_space<semaphore_mem>>
      %dma_wait3A_132 = arith.constant 1 : i32
      %dma_wait3A_133 = arith.constant 0 : i32
      %dma_wait3A_134 = arith.constant 0 : i32
      %dma_wait3A_135 = tpu.memref_slice %arg3[%dma_wait3A_132, %dma_wait3A_128, %get3A_0, %dma_wait3A_133, %dma_wait3A_134] : memref<8x1x2048x16x128xf32, #tpu.memory_space<hbm>> -> memref<1x1x16x16x128xf32, #tpu.memory_space<hbm>>
      %dma_wait3A_136 = tpu.memref_squeeze %dma_wait3A_135 : memref<1x1x16x16x128xf32, #tpu.memory_space<hbm>> -> memref<1x16x16x128xf32, #tpu.memory_space<hbm>>
      %dma_wait3A_137 = arith.constant 1 : i32
      %dma_wait3A_138 = arith.constant 0 : i32
      %dma_wait3A_139 = arith.constant 0 : i32
      %dma_wait3A_140 = arith.constant 0 : i32
      %dma_wait3A_141 = tpu.memref_slice %arg1[%dma_wait3A_137, %dma_wait3A_138, %dma_wait3A_139, %dma_wait3A_140] : memref<8x16x16x128xf32, #tpu.memory_space<vmem>> -> memref<1x16x16x128xf32, #tpu.memory_space<vmem>>
      tpu.wait_dma2 semaphore(%dma_wait3A_131 : memref<!tpu.dma_semaphore, #tpu.memory_space<semaphore_mem>>) src(%dma_wait3A_141 : memref<1x16x16x128xf32, #tpu.memory_space<vmem>>) dst(%dma_wait3A_136 : memref<1x16x16x128xf32, #tpu.memory_space<hbm>>)
      %dma_wait3A_142 = arith.constant 0 : i32
      %dma_wait3A_143 = arith.constant 2 : i32
      %dma_wait3A_144 = tpu.memref_slice %arg4[%dma_wait3A_143] : memref<8x!tpu.dma_semaphore, #tpu.memory_space<semaphore_mem>> -> memref<1x!tpu.dma_semaphore, #tpu.memory_space<semaphore_mem>>
      %dma_wait3A_145 = tpu.memref_squeeze %dma_wait3A_144 : memref<1x!tpu.dma_semaphore, #tpu.memory_space<semaphore_mem>> -> memref<!tpu.dma_semaphore, #tpu.memory_space<semaphore_mem>>
      %dma_wait3A_146 = arith.constant 2 : i32
      %dma_wait3A_147 = arith.constant 0 : i32
      %dma_wait3A_148 = arith.constant 0 : i32
      %dma_wait3A_149 = tpu.memref_slice %arg3[%dma_wait3A_146, %dma_wait3A_142, %get3A_0, %dma_wait3A_147, %dma_wait3A_148] : memref<8x1x2048x16x128xf32, #tpu.memory_space<hbm>> -> memref<1x1x16x16x128xf32, #tpu.memory_space<hbm>>
      %dma_wait3A_150 = tpu.memref_squeeze %dma_wait3A_149 : memref<1x1x16x16x128xf32, #tpu.memory_space<hbm>> -> memref<1x16x16x128xf32, #tpu.memory_space<hbm>>
      %dma_wait3A_151 = arith.constant 2 : i32
      %dma_wait3A_152 = arith.constant 0 : i32
      %dma_wait3A_153 = arith.constant 0 : i32
      %dma_wait3A_154 = arith.constant 0 : i32
      %dma_wait3A_155 = tpu.memref_slice %arg1[%dma_wait3A_151, %dma_wait3A_152, %dma_wait3A_153, %dma_wait3A_154] : memref<8x16x16x128xf32, #tpu.memory_space<vmem>> -> memref<1x16x16x128xf32, #tpu.memory_space<vmem>>
      tpu.wait_dma2 semaphore(%dma_wait3A_145 : memref<!tpu.dma_semaphore, #tpu.memory_space<semaphore_mem>>) src(%dma_wait3A_155 : memref<1x16x16x128xf32, #tpu.memory_space<vmem>>) dst(%dma_wait3A_150 : memref<1x16x16x128xf32, #tpu.memory_space<hbm>>)
      %dma_wait3A_156 = arith.constant 0 : i32
      %dma_wait3A_157 = arith.constant 3 : i32
      %dma_wait3A_158 = tpu.memref_slice %arg4[%dma_wait3A_157] : memref<8x!tpu.dma_semaphore, #tpu.memory_space<semaphore_mem>> -> memref<1x!tpu.dma_semaphore, #tpu.memory_space<semaphore_mem>>
      %dma_wait3A_159 = tpu.memref_squeeze %dma_wait3A_158 : memref<1x!tpu.dma_semaphore, #tpu.memory_space<semaphore_mem>> -> memref<!tpu.dma_semaphore, #tpu.memory_space<semaphore_mem>>
      %dma_wait3A_160 = arith.constant 3 : i32
      %dma_wait3A_161 = arith.constant 0 : i32
      %dma_wait3A_162 = arith.constant 0 : i32
      %dma_wait3A_163 = tpu.memref_slice %arg3[%dma_wait3A_160, %dma_wait3A_156, %get3A_0, %dma_wait3A_161, %dma_wait3A_162] : memref<8x1x2048x16x128xf32, #tpu.memory_space<hbm>> -> memref<1x1x16x16x128xf32, #tpu.memory_space<hbm>>
      %dma_wait3A_164 = tpu.memref_squeeze %dma_wait3A_163 : memref<1x1x16x16x128xf32, #tpu.memory_space<hbm>> -> memref<1x16x16x128xf32, #tpu.memory_space<hbm>>
      %dma_wait3A_165 = arith.constant 3 : i32
      %dma_wait3A_166 = arith.constant 0 : i32
      %dma_wait3A_167 = arith.constant 0 : i32
      %dma_wait3A_168 = arith.constant 0 : i32
      %dma_wait3A_169 = tpu.memref_slice %arg1[%dma_wait3A_165, %dma_wait3A_166, %dma_wait3A_167, %dma_wait3A_168] : memref<8x16x16x128xf32, #tpu.memory_space<vmem>> -> memref<1x16x16x128xf32, #tpu.memory_space<vmem>>
      tpu.wait_dma2 semaphore(%dma_wait3A_159 : memref<!tpu.dma_semaphore, #tpu.memory_space<semaphore_mem>>) src(%dma_wait3A_169 : memref<1x16x16x128xf32, #tpu.memory_space<vmem>>) dst(%dma_wait3A_164 : memref<1x16x16x128xf32, #tpu.memory_space<hbm>>)
      %dma_wait3A_170 = arith.constant 0 : i32
      %dma_wait3A_171 = arith.constant 4 : i32
      %dma_wait3A_172 = tpu.memref_slice %arg4[%dma_wait3A_171] : memref<8x!tpu.dma_semaphore, #tpu.memory_space<semaphore_mem>> -> memref<1x!tpu.dma_semaphore, #tpu.memory_space<semaphore_mem>>
      %dma_wait3A_173 = tpu.memref_squeeze %dma_wait3A_172 : memref<1x!tpu.dma_semaphore, #tpu.memory_space<semaphore_mem>> -> memref<!tpu.dma_semaphore, #tpu.memory_space<semaphore_mem>>
      %dma_wait3A_174 = arith.constant 4 : i32
      %dma_wait3A_175 = arith.constant 0 : i32
      %dma_wait3A_176 = arith.constant 0 : i32
      %dma_wait3A_177 = tpu.memref_slice %arg3[%dma_wait3A_174, %dma_wait3A_170, %get3A_0, %dma_wait3A_175, %dma_wait3A_176] : memref<8x1x2048x16x128xf32, #tpu.memory_space<hbm>> -> memref<1x1x16x16x128xf32, #tpu.memory_space<hbm>>
      %dma_wait3A_178 = tpu.memref_squeeze %dma_wait3A_177 : memref<1x1x16x16x128xf32, #tpu.memory_space<hbm>> -> memref<1x16x16x128xf32, #tpu.memory_space<hbm>>
      %dma_wait3A_179 = arith.constant 4 : i32
      %dma_wait3A_180 = arith.constant 0 : i32
      %dma_wait3A_181 = arith.constant 0 : i32
      %dma_wait3A_182 = arith.constant 0 : i32
      %dma_wait3A_183 = tpu.memref_slice %arg1[%dma_wait3A_179, %dma_wait3A_180, %dma_wait3A_181, %dma_wait3A_182] : memref<8x16x16x128xf32, #tpu.memory_space<vmem>> -> memref<1x16x16x128xf32, #tpu.memory_space<vmem>>
      tpu.wait_dma2 semaphore(%dma_wait3A_173 : memref<!tpu.dma_semaphore, #tpu.memory_space<semaphore_mem>>) src(%dma_wait3A_183 : memref<1x16x16x128xf32, #tpu.memory_space<vmem>>) dst(%dma_wait3A_178 : memref<1x16x16x128xf32, #tpu.memory_space<hbm>>)
      %dma_wait3A_184 = arith.constant 0 : i32
      %dma_wait3A_185 = arith.constant 5 : i32
      %dma_wait3A_186 = tpu.memref_slice %arg4[%dma_wait3A_185] : memref<8x!tpu.dma_semaphore, #tpu.memory_space<semaphore_mem>> -> memref<1x!tpu.dma_semaphore, #tpu.memory_space<semaphore_mem>>
      %dma_wait3A_187 = tpu.memref_squeeze %dma_wait3A_186 : memref<1x!tpu.dma_semaphore, #tpu.memory_space<semaphore_mem>> -> memref<!tpu.dma_semaphore, #tpu.memory_space<semaphore_mem>>
      %dma_wait3A_188 = arith.constant 5 : i32
      %dma_wait3A_189 = arith.constant 0 : i32
      %dma_wait3A_190 = arith.constant 0 : i32
      %dma_wait3A_191 = tpu.memref_slice %arg3[%dma_wait3A_188, %dma_wait3A_184, %get3A_0, %dma_wait3A_189, %dma_wait3A_190] : memref<8x1x2048x16x128xf32, #tpu.memory_space<hbm>> -> memref<1x1x16x16x128xf32, #tpu.memory_space<hbm>>
      %dma_wait3A_192 = tpu.memref_squeeze %dma_wait3A_191 : memref<1x1x16x16x128xf32, #tpu.memory_space<hbm>> -> memref<1x16x16x128xf32, #tpu.memory_space<hbm>>
      %dma_wait3A_193 = arith.constant 5 : i32
      %dma_wait3A_194 = arith.constant 0 : i32
      %dma_wait3A_195 = arith.constant 0 : i32
      %dma_wait3A_196 = arith.constant 0 : i32
      %dma_wait3A_197 = tpu.memref_slice %arg1[%dma_wait3A_193, %dma_wait3A_194, %dma_wait3A_195, %dma_wait3A_196] : memref<8x16x16x128xf32, #tpu.memory_space<vmem>> -> memref<1x16x16x128xf32, #tpu.memory_space<vmem>>
      tpu.wait_dma2 semaphore(%dma_wait3A_187 : memref<!tpu.dma_semaphore, #tpu.memory_space<semaphore_mem>>) src(%dma_wait3A_197 : memref<1x16x16x128xf32, #tpu.memory_space<vmem>>) dst(%dma_wait3A_192 : memref<1x16x16x128xf32, #tpu.memory_space<hbm>>)
      %dma_wait3A_198 = arith.constant 0 : i32
      %dma_wait3A_199 = arith.constant 6 : i32
      %dma_wait3A_200 = tpu.memref_slice %arg4[%dma_wait3A_199] : memref<8x!tpu.dma_semaphore, #tpu.memory_space<semaphore_mem>> -> memref<1x!tpu.dma_semaphore, #tpu.memory_space<semaphore_mem>>
      %dma_wait3A_201 = tpu.memref_squeeze %dma_wait3A_200 : memref<1x!tpu.dma_semaphore, #tpu.memory_space<semaphore_mem>> -> memref<!tpu.dma_semaphore, #tpu.memory_space<semaphore_mem>>
      %dma_wait3A_202 = arith.constant 6 : i32
      %dma_wait3A_203 = arith.constant 0 : i32
      %dma_wait3A_204 = arith.constant 0 : i32
      %dma_wait3A_205 = tpu.memref_slice %arg3[%dma_wait3A_202, %dma_wait3A_198, %get3A_0, %dma_wait3A_203, %dma_wait3A_204] : memref<8x1x2048x16x128xf32, #tpu.memory_space<hbm>> -> memref<1x1x16x16x128xf32, #tpu.memory_space<hbm>>
      %dma_wait3A_206 = tpu.memref_squeeze %dma_wait3A_205 : memref<1x1x16x16x128xf32, #tpu.memory_space<hbm>> -> memref<1x16x16x128xf32, #tpu.memory_space<hbm>>
      %dma_wait3A_207 = arith.constant 6 : i32
      %dma_wait3A_208 = arith.constant 0 : i32
      %dma_wait3A_209 = arith.constant 0 : i32
      %dma_wait3A_210 = arith.constant 0 : i32
      %dma_wait3A_211 = tpu.memref_slice %arg1[%dma_wait3A_207, %dma_wait3A_208, %dma_wait3A_209, %dma_wait3A_210] : memref<8x16x16x128xf32, #tpu.memory_space<vmem>> -> memref<1x16x16x128xf32, #tpu.memory_space<vmem>>
      tpu.wait_dma2 semaphore(%dma_wait3A_201 : memref<!tpu.dma_semaphore, #tpu.memory_space<semaphore_mem>>) src(%dma_wait3A_211 : memref<1x16x16x128xf32, #tpu.memory_space<vmem>>) dst(%dma_wait3A_206 : memref<1x16x16x128xf32, #tpu.memory_space<hbm>>)
      %dma_wait3A_212 = arith.constant 0 : i32
      %dma_wait3A_213 = arith.constant 7 : i32
      %dma_wait3A_214 = tpu.memref_slice %arg4[%dma_wait3A_213] : memref<8x!tpu.dma_semaphore, #tpu.memory_space<semaphore_mem>> -> memref<1x!tpu.dma_semaphore, #tpu.memory_space<semaphore_mem>>
      %dma_wait3A_215 = tpu.memref_squeeze %dma_wait3A_214 : memref<1x!tpu.dma_semaphore, #tpu.memory_space<semaphore_mem>> -> memref<!tpu.dma_semaphore, #tpu.memory_space<semaphore_mem>>
      %dma_wait3A_216 = arith.constant 7 : i32
      %dma_wait3A_217 = arith.constant 0 : i32
      %dma_wait3A_218 = arith.constant 0 : i32
      %dma_wait3A_219 = tpu.memref_slice %arg3[%dma_wait3A_216, %dma_wait3A_212, %get3A_0, %dma_wait3A_217, %dma_wait3A_218] : memref<8x1x2048x16x128xf32, #tpu.memory_space<hbm>> -> memref<1x1x16x16x128xf32, #tpu.memory_space<hbm>>
      %dma_wait3A_220 = tpu.memref_squeeze %dma_wait3A_219 : memref<1x1x16x16x128xf32, #tpu.memory_space<hbm>> -> memref<1x16x16x128xf32, #tpu.memory_space<hbm>>
      %dma_wait3A_221 = arith.constant 7 : i32
      %dma_wait3A_222 = arith.constant 0 : i32
      %dma_wait3A_223 = arith.constant 0 : i32
      %dma_wait3A_224 = arith.constant 0 : i32
      %dma_wait3A_225 = tpu.memref_slice %arg1[%dma_wait3A_221, %dma_wait3A_222, %dma_wait3A_223, %dma_wait3A_224] : memref<8x16x16x128xf32, #tpu.memory_space<vmem>> -> memref<1x16x16x128xf32, #tpu.memory_space<vmem>>
      tpu.wait_dma2 semaphore(%dma_wait3A_215 : memref<!tpu.dma_semaphore, #tpu.memory_space<semaphore_mem>>) src(%dma_wait3A_225 : memref<1x16x16x128xf32, #tpu.memory_space<vmem>>) dst(%dma_wait3A_220 : memref<1x16x16x128xf32, #tpu.memory_space<hbm>>)
    } else {
    }
    return
  }
}

</mosaic_0001>

<sc_bundles>
// kernel: kernel.6.cloned.1.call-start
scs
__scs_entry_jumppad:
0x0: {  	(pc) =	sbr.rel $0x88, $3  }
0x1: {  	(tag) =	ssettag $0x0;
	lr =	simm.s32 $0x1  }
0x2: {  	[smem:$0x3F9A] =	sst lr;
	_ =	strace $0xD0000000  }
0x3: {  	_ = 	snop  }
0x4: {  	_ = 	snop  }
0x5: {  	_ = 	snop  }
0x6: {  	_ = 	snop  }
0x7: {  	_ = 	snop  }
__scs_overlays_trampoline_lowered:
0x8: {  	[smem:$0x3FA9] =	sst s0  }
0x9: {  	[smem:$0x3FAA] =	sst s1  }
0xa: {  	[smem:$0x3FAB] =	sst s2  }
0xb: {  	[smem:$0x3FAC] =	sst s3  }
0xc: {  	[smem:$0x3FAD] =	sst s4  }
0xd: {  	[smem:$0x3FAE] =	sst s5  }
0xe: {  	[smem:$0x3FAF] =	sst s6  }
0xf: {  	[smem:$0x3FB0] =	sst s7  }
0x10: {  	[smem:$0x3FB1] =	sst s8  }
0x11: {  	[smem:$0x3FB2] =	sst s9;
	s0 =	simm.s32 @!p0 $0x0  }
0x12: {  	s1 =	sld [smem:$0x3F98];
	s0 =	simm.s32 @p0 $0x1  }
0x13: {  	[smem:$0x3FB3] =	sst s0;
	s0 =	simm.s32 @!p1 $0x0  }
0x14: {  	s2 =	sld [smem:$0x3F97];
	s0 =	simm.s32 @p1 $0x1  }
0x15: {  	[smem:$0x3FB4] =	sst s0;
	s0 =	simm.s32 @!p2 $0x0  }
0x16: {  	s3 =	sld [smem:$0x3FDB];
	s0 =	simm.s32 @p2 $0x1  }
0x17: {  	s4 =	simm.s32 $0x1BF5;
	[smem:$0x3FB6] =	sst s0  }
0x18: {  	s0 =	sld [smem:$0x3F99];
	_ =	swait.ge [sflag:s4], $0x0  }
0x19: {  	s7 =	sld [smem:$0x3F9A]  }
0x1a: {  	s8 =	sadd.s32 $0xFFFFE003, lr  }
0x1b: {  	s9 =	sadd.s32 $0xFFFFFEF7, lr;
	s5 =	simm.s32 $0xFFFFFFFF;
	p2 =	slt.u32 s8, $0xFFFFF086  }
0x1c: {  	p1 =	slt.u32 s9, $0xF7A;
	s5 =	simm.s32 @!p2 $0x0  }
0x1d: {  	s5 =	simm.s32 @p1 $0x1;
	p0 =	seq.s32 s7, s2  }
0x1e: {  	s7 =	smul.u32 @!p0 $0xF7A, s2;
	p2 =	seq.s32 @!p0 s5, $0x0  }
0x1f: {  	s9 =	smul.u32 $0xF7A, s1;
	s8 =	simm.s32 @!p0 $0x1BF5;
	p2 =	por !p2, p0  }
0x20: {  	[sflag:s8] =	ssyncset.s32 @!p0 $0xFFFFF086;
	s6 =	sadd.s32 @!p0 s3, s7;
	s7 =	simm.s32 @!p0 $0x108  }
0x21: {  	s3 =	sadd.s32 s3, s9;
	s6 =	sadd.s32 @!p0 $0x88, s6;
	s7 =	simm.s32 @p2 $0x1082  }
0x22: {  	[simem:s7], [sflag:s8] =	dma.local @!p0 [hbm:s6], $0xF7A  }
0x23: {  	s9 =	sor.u32 $0xD0000000, s2;
	s6 =	simm.s32 $0x108;
	_ =	swait.ge @!p0 [sflag:s8], $0x0  }
0x24: {  	s3 =	sadd.s32 $0x88, s3;
	s6 =	simm.s32 @!p1 $0x1082;
	[sflag:s4] =	ssyncset.s32 $0xFFFFF086  }
0x25: {  	[simem:s6], [sflag:s4] =	dma.local [hbm:s3], $0xF7A  }
0x26: {  	[smem:$0x3F9A] =	sst s1;
	(tag) =	ssettag s2;
	_ =	strace s9  }
0x27: {  	s1 =	sld [smem:$0x3FAA]  }
0x28: {  	s2 =	sld [smem:$0x3FAB]  }
0x29: {  	s4 =	sld [smem:$0x3FAD]  }
0x2a: {  	p0 =	seq.s32 s5, $0x0;
	s5 =	sld [smem:$0x3FAE]  }
0x2b: {  	s6 =	sld [smem:$0x3FAF]  }
0x2c: {  	s7 =	sld [smem:$0x3FB0]  }
0x2d: {  	s3 =	simm.s32 $0x108;
	s8 =	sld [smem:$0x3FB1]  }
0x2e: {  	s3 =	simm.s32 @!p0 $0x1082;
	s9 =	sld [smem:$0x3FB2]  }
0x2f: {  	lr =	sadd.s32 s0, s3;
	s0 =	sld [smem:$0x3FA9]  }
0x30: {  	s3 =	sld [smem:$0x3FAC]  }
0x31: {  	[smem:$0x3FB5] =	sst s10  }
0x32: {  	s10 =	sld [smem:$0x3FB3];
	_ =	sdelay $0x3  }
0x33: {  	p0 =	seq.s32 s10, $0x1;
	s10 =	sld [smem:$0x3FB5];
	_ =	sdelay $0x3  }
0x34: {  	[smem:$0x3FB5] =	sst s10  }
0x35: {  	s10 =	sld [smem:$0x3FB4];
	_ =	sdelay $0x3  }
0x36: {  	p1 =	seq.s32 s10, $0x1;
	s10 =	sld [smem:$0x3FB5];
	_ =	sdelay $0x3  }
0x37: {  	[smem:$0x3FB5] =	sst s10  }
0x38: {  	s10 =	sld [smem:$0x3FB6]  }
0x39: {  	_ = 	snop;
	(pc) =	sbr.ind lr, $3  }
0x3a: {  	_ = 	snop  }
0x3b: {  	_ = 	snop  }
0x3c: {  	p2 =	seq.s32 s10, $0x1;
	s10 =	sld [smem:$0x3FB5]  }
0x3d: {  	_ =	shalt  }
0x3e: {  	_ =	shalt  }
0x3f: {  	_ =	shalt  }
0x40: {  	_ =	shalt  }
0x41: {  	_ =	shalt  }
0x42: {  	_ =	shalt  }
0x43: {  	_ =	shalt  }
0x44: {  	_ =	shalt  }
0x45: {  	_ =	shalt  }
0x46: {  	_ =	shalt  }
0x47: {  	_ =	shalt  }
0x48: {  	_ =	shalt  }
0x49: {  	_ =	shalt  }
0x4a: {  	_ =	shalt  }
0x4b: {  	_ =	shalt  }
0x4c: {  	_ =	shalt  }
0x4d: {  	_ =	shalt  }
0x4e: {  	_ =	shalt  }
0x4f: {  	_ =	shalt  }
0x50: {  	_ =	shalt  }
0x51: {  	_ =	shalt  }
0x52: {  	_ =	shalt  }
0x53: {  	_ =	shalt  }
0x54: {  	_ =	shalt  }
0x55: {  	_ =	shalt  }
0x56: {  	_ =	shalt  }
0x57: {  	_ =	shalt  }
0x58: {  	_ =	shalt  }
0x59: {  	_ =	shalt  }
0x5a: {  	_ =	shalt  }
0x5b: {  	_ =	shalt  }
0x5c: {  	_ =	shalt  }
0x5d: {  	_ =	shalt  }
0x5e: {  	_ =	shalt  }
0x5f: {  	_ =	shalt  }
0x60: {  	_ =	shalt  }
0x61: {  	_ =	shalt  }
0x62: {  	_ =	shalt  }
0x63: {  	_ =	shalt  }
0x64: {  	_ =	shalt  }
0x65: {  	_ =	shalt  }
0x66: {  	_ =	shalt  }
0x67: {  	_ =	shalt  }
0x68: {  	_ =	shalt  }
0x69: {  	_ =	shalt  }
0x6a: {  	_ =	shalt  }
0x6b: {  	_ =	shalt  }
0x6c: {  	_ =	shalt  }
0x6d: {  	_ =	shalt  }
0x6e: {  	_ =	shalt  }
0x6f: {  	_ =	shalt  }
0x70: {  	_ =	shalt  }
0x71: {  	_ =	shalt  }
0x72: {  	_ =	shalt  }
0x73: {  	_ =	shalt  }
0x74: {  	_ =	shalt  }
0x75: {  	_ =	shalt  }
0x76: {  	_ =	shalt  }
0x77: {  	_ =	shalt  }
0x78: {  	_ =	shalt  }
0x79: {  	_ =	shalt  }
0x7a: {  	_ =	shalt  }
0x7b: {  	_ =	shalt  }
0x7c: {  	_ =	shalt  }
0x7d: {  	_ =	shalt  }
0x7e: {  	_ =	shalt  }
0x7f: {  	_ =	shalt  }
0x80: {  	_ =	shalt  }
0x81: {  	_ =	shalt  }
0x82: {  	_ =	shalt  }
0x83: {  	_ =	shalt  }
0x84: {  	_ =	shalt  }
0x85: {  	_ =	shalt  }
0x86: {  	_ =	shalt  }
0x87: {  	_ =	shalt  }
.Lfunc_end0:
.L_simem_size_0:
called_computation_lowered:
.L_overlay_start_0:
0x88: {  	s2 =	sld [smem:$0x3FD9]  }
0x89: {  	s3 =	sld [smem:$0x3FFE];
	_ =	sdelay $0x1  }
0x8a: {  	s1 =	srdreg.scid  }
0x8b: {  	s0 =	sand.u32 $0x1, s1  }
0x8c: {  	s15 =	sshll.u32 s0, $0xA;
	s2 =	sadd.s32 s3, s2  }
0x8d: {  	s2 =	sadd.s32 s2, s15  }
0x8e: {  	[smem:$0x3FC1] =	sst s2  }
0x8f: {  	_ = 	snop  }
0x90: {  	s2 =	sld [smem:$0x3FD0];
	_ =	sdelay $0x2  }
0x91: {  	s4 =	simm.s32 $0xA;
	s5 =	simm.s32 $0x10;
	s16 =	sld [smem:$0x3FC7]  }
0x92: {  	[smem:s5], [sflag:s4] =	dma.local [hbm:s2], $0x1  }
0x93: {  	_ =	swait.eq [sflag:s4], $0x1  }
0x94: {  	[sflag:s4] =	ssyncset.done $0x0  }
0x95: {  	[sflag:s4] =	ssyncadd.s32 $0xFFFFFFFF  }
0x96: {  	s17 =	sld [smem:$0x11];
	(tm) =	ssettm $0x1  }
0x97: {  	s18 =	sld [smem:$0x3FFB];
	_ =	sdelay $0x3  }
0x98: {  	_ =	strace s18  }
0x99: {  	s4 =	sld [smem:$0x3FFC];
	_ =	sdelay $0x3  }
0x9a: {  	_ =	strace s4  }
0x9b: {  	s4 =	sld [smem:$0x3FFD];
	_ =	sdelay $0x3  }
0x9c: {  	_ =	strace s4  }
0x9d: {  	_ =	strace $0x8FFFFFFF  }
0x9e: {  	s19 =	sld [smem:$0x3FDB];
	_ =	sdelay $0x1  }
0x9f: {  	s20 =	simm.s32 $_scs_section_size  }
0xa0: {  	s6 =	simm.s32 $_size__tile_overlayer_lowered;
	s7 =	simm.s32 $_tile_overlayer_lowered  }
0xa1: {  	s23 =	simm.s32 $0x1BFF;
	s22 =	sshll.u32 s7, $0x1;
	s4 =	sadd.s32 s20, s19  }
0xa2: {  	s8 =	simm.s32 $0x0;
	s21 =	sshll.u32 s6, $0x1;
	s6 =	sadd.s32 s22, s4  }
0xa3: {  	[timem:s8], [sflag:s23] =	dma.local [hbm:s6], s21  }
0xa4: {  	_ =	swait.ge [sflag:s23], s21  }
0xa5: {  	s5 =	ssub.s32 $0x0, s21;
	[sflag:s23] =	ssyncset.done $0x0  }
0xa6: {  	[sflag:s23] =	ssyncadd.s32 s5;
	_ =	sdelay $0x1  }
0xa7: {  	s24 =	simm.s32 $0x1B8B  }
0xa8: {  	_ =	swait.ge [sflag:s24], $0x1  }
0xa9: {  	[sflag:s24] =	ssyncset.done $0x0  }
0xaa: {  	s25 =	simm.s32 $0x1B8E;
	[sflag:s24] =	ssyncadd.s32 $0xFFFFFFFF  }
0xab: {  	s26 =	simm.s32 $execute0_lowered;
	[smem:$0x3FD2] =	sst s25  }
0xac: {  	s5 =	sshll.u32 s26, $0x1;
	_ =	strace $0x80000046;
	[dreg:$0x1] =	wrdreg $0xFFFFFFFF  }
0xad: {  	s28 =	simm.s32 $_size_execute0_lowered;
	s4 =	sadd.s32 s4, s5;
	[dreg:$0x0] =	wrdreg $0x0  }
0xae: {  	s5 =	sshll.u32 s28, $0x1;
	[dreg:$0x2] =	wrdreg s4  }
0xaf: {  	[dreg:$0x3] =	wrdreg s5  }
0xb0: {  	[dreg:$0x4] =	wrdreg $0xC0  }
0xb1: {  	_ =	task [dreg:s8], $0x5FFFF  }
0xb2: {  	[dreg:$0x1] =	wrdreg $0xFFFFFFFF  }
0xb3: {  	[dreg:$0x0] =	wrdreg $0x60  }
0xb4: {  	[dreg:$0x2] =	wrdreg s16  }
0xb5: {  	[dreg:$0x3] =	wrdreg s17  }
0xb6: {  	[dreg:$0x4] =	wrdreg $0x9  }
0xb7: {  	_ =	task.clear_ibuf [dreg:s8], $0x5FFFF;
	_ =	strace $0x90000046  }
0xb8: {  	s29 =	simm.s32 $0x9;
	_ =	strace $0x80000048  }
0xb9: {  	_ =	swait.ge [sflag:s29], $0x1  }
0xba: {  	[sflag:s29] =	ssyncadd.s32 $0xFFFFFFFF  }
0xbb: {  	_ =	strace $0x90000048  }
0xbc: {  	_ =	sfence  }
0xbd: {  	s30 =	sld [smem:$0x0];
	_ =	sdelay $0x2  }
0xbe: {  	s31 =	sshll.u32 s1, $0xD;
	s1 =	sshrl.u32 s1, $0x2  }
0xbf: {  	s3 =	sand.u32 $0x4000, s31;
	s1 =	sadd.s32 s1, s30  }
0xc0: {  	s0 =	sor.u32 s3, s0;
	s1 =	sshll.u32 s1, $0x11  }
0xc1: {  	s0 =	sor.u32 s1, s0  }
0xc2: {  	s0 =	sadd.s32 $0x8F2B, s0  }
0xc3: {  	[sflag:s0] =	ssyncadd.remote.s32 $0x1  }
0xc4: {  	_ =	sfence.sel $0xFFFF  }
0xc5: {  	[dreg:$0x0] =	wrdreg $0xFFFFFFFF;
	(pc) =	sbr.abs _section_cstart, $3  }
0xc6: {  	[dreg:$0x1] =	wrdreg $0xFFFFFFFF  }
0xc7: {  	_ =	task.clear_ibuf [dreg:s8], $0x2FFFF;
	_ =	strace $0x9FFFFFFF  }
0xc8: {  	(tm) =	ssettm $0x7FFFFFFF  }
0xc9: {  	_ =	shalt  }
tec
execute0_lowered:
.L_overlay_start_1:
0x0: {  	(tag) =	ssettag $0x1  }
0x1: {  	s3 =	stileid.u32  }
0x2: {  	s0 =	srdreg.scid;
	s2 =	sshll.u32 s3, $0x1  }
0x3: {  	s1 =	sand.u32 $0x1, s0;
	s8 =	sand.u32 $0x2, s2  }
0x4: {  	s0 =	sor.u32 s1, s8  }
0x5: {  	s9 =	sshll.u32 s3, $0x15;
	s0 =	smul.u32 $0xE0000, s0  }
0x6: {  	s2 =	sand.u32 $0x1C00000, s9  }
0x7: {  	s0 =	sor.u32 s2, s0  }
0x8: {  	s30 =	rddreg [dreg:$0x0];
	s2 =	simm.s32 $0x0;
	s0 =	sshrl.u32 s0, $0x3  }
0x9: {  	[smem:$0x7FF] =	sst s2;
	s10 =	sadd.s32 $0x10000, s0  }
0xa: {  	s31 =	rddreg [dreg:$0x1];
	_ =	strace $0x80000047;
	s4 =	sadd.s32 s30, s10  }
0xb: {  	s11 =	sadd.s32 $0x11C00, s0;
	s3 =	sadd.s32 s31, s10;
	[dreg:$0x3] =	wrdreg s4  }
0xc: {  	s12 =	sadd.s32 s30, s11;
	[dreg:$0x4] =	wrdreg s3  }
0xd: {  	s14 =	sadd.s32 $0x13800, s0;
	s13 =	sadd.s32 s31, s11;
	[dreg:$0x5] =	wrdreg s12  }
0xe: {  	s15 =	sadd.s32 s30, s14;
	[dreg:$0x6] =	wrdreg s13  }
0xf: {  	s17 =	sadd.s32 $0x15400, s0;
	s16 =	sadd.s32 s31, s14;
	[dreg:$0x7] =	wrdreg s15  }
0x10: {  	s18 =	sadd.s32 s30, s17;
	[dreg:$0x8] =	wrdreg s16  }
0x11: {  	s8 =	sadd.s32 $0x17000, s0;
	s19 =	sadd.s32 s31, s17;
	[dreg:$0x9] =	wrdreg s18  }
0x12: {  	s21 =	sadd.s32 s30, s8;
	[dreg:$0xa] =	wrdreg s19  }
0x13: {  	[dreg:$0xb] =	wrdreg s21  }
0x14: {  	s3 =	simm.s32 $0x1;
	s20 =	rddreg [dreg:$0x3]  }
0x15: {  	[tilespmem:s2], [sflag:$0x1] =	stream.linear.gather [hbm4b:s20+s2], $0xE000, $0x38;
	[tilespmem:$0x1C000] =	vst v63  }
0x16: {  	_ =	swait.ge [sflag:s3], $0xE000  }
0x17: {  	[sflag:s3] =	ssyncset.done $0x0  }
0x18: {  	s22 =	rddreg [dreg:$0x4];
	[sflag:s3] =	ssyncadd.s32 $0xFFFF2000  }
0x19: {  	[hbm4b:s22+s2] =	stream.linear.scatter [tilespmem:s2], [sflag:$0x3], $0xE000, $0x38;
	[tilespmem:$0x1C000] =	vst v63  }
0x1a: {  	s5 =	simm.s32 $0x2;
	s4 =	simm.s32 $0xE000;
	s6 =	rddreg [dreg:$0x5]  }
0x1b: {  	[tilespmem:s4], [sflag:$0x2] =	stream.linear.gather [hbm4b:s6+s2], $0xE000, $0x38;
	[tilespmem:$0x1C000] =	vst v63  }
0x1c: {  	_ =	swait.ge [sflag:s5], $0xE000  }
0x1d: {  	[sflag:s5] =	ssyncset.done $0x0  }
0x1e: {  	s6 =	simm.s32 $0x3;
	s7 =	rddreg [dreg:$0x6];
	[sflag:s5] =	ssyncadd.s32 $0xFFFF2000  }
0x1f: {  	[hbm4b:s7+s2] =	stream.linear.scatter [tilespmem:s4], [sflag:$0x4], $0xE000, $0x38;
	[tilespmem:$0x1C000] =	vst v63  }
0x20: {  	_ =	swait.ge [sflag:s6], $0xE000  }
0x21: {  	[sflag:s6] =	ssyncset.done $0x0  }
0x22: {  	s23 =	rddreg [dreg:$0x7];
	[sflag:s6] =	ssyncadd.s32 $0xFFFF2000  }
0x23: {  	[tilespmem:s2], [sflag:$0x1] =	stream.linear.gather [hbm4b:s23+s2], $0xE000, $0x38;
	[tilespmem:$0x1C000] =	vst v63  }
0x24: {  	_ =	swait.ge [sflag:s3], $0xE000  }
0x25: {  	[sflag:s3] =	ssyncset.done $0x0  }
0x26: {  	s7 =	simm.s32 $0x4;
	s9 =	rddreg [dreg:$0x8];
	[sflag:s3] =	ssyncadd.s32 $0xFFFF2000  }
0x27: {  	[hbm4b:s9+s2] =	stream.linear.scatter [tilespmem:s2], [sflag:$0x3], $0xE000, $0x38;
	[tilespmem:$0x1C000] =	vst v63  }
0x28: {  	_ =	swait.ge [sflag:s7], $0xE000  }
0x29: {  	[sflag:s7] =	ssyncset.done $0x0  }
0x2a: {  	s24 =	rddreg [dreg:$0x9];
	[sflag:s7] =	ssyncadd.s32 $0xFFFF2000  }
0x2b: {  	[tilespmem:s4], [sflag:$0x2] =	stream.linear.gather [hbm4b:s24+s2], $0xE000, $0x38;
	[tilespmem:$0x1C000] =	vst v63  }
0x2c: {  	_ =	swait.ge [sflag:s5], $0xE000  }
0x2d: {  	[sflag:s5] =	ssyncset.done $0x0  }
0x2e: {  	s25 =	rddreg [dreg:$0xa];
	[sflag:s5] =	ssyncadd.s32 $0xFFFF2000  }
0x2f: {  	[hbm4b:s25+s2] =	stream.linear.scatter [tilespmem:s4], [sflag:$0x4], $0xE000, $0x38;
	[tilespmem:$0x1C000] =	vst v63  }
0x30: {  	_ =	swait.ge [sflag:s6], $0xE000  }
0x31: {  	[sflag:s6] =	ssyncset.done $0x0  }
0x32: {  	s26 =	rddreg [dreg:$0xb];
	[sflag:s6] =	ssyncadd.s32 $0xFFFF2000  }
0x33: {  	[tilespmem:s2], [sflag:$0x1] =	stream.linear.gather [hbm4b:s26+s2], $0xE000, $0x38;
	[tilespmem:$0x1C000] =	vst v63  }
0x34: {  	_ =	swait.ge [sflag:s3], $0xE000  }
0x35: {  	s8 =	sadd.s32 s31, s8;
	[sflag:s3] =	ssyncset.done $0x0  }
0x36: {  	[dreg:$0xc] =	wrdreg s8;
	[sflag:s3] =	ssyncadd.s32 $0xFFFF2000  }
0x37: {  	[hbm4b:s8+s2] =	stream.linear.scatter [tilespmem:s2], [sflag:$0x3], $0xE000, $0x38;
	[tilespmem:$0x1C000] =	vst v63  }
0x38: {  	_ =	swait.ge [sflag:s7], $0xE000  }
0x39: {  	s10 =	sadd.s32 $0x18C00, s0;
	[sflag:s7] =	ssyncset.done $0x0  }
0x3a: {  	s9 =	sadd.s32 s30, s10;
	[sflag:s7] =	ssyncadd.s32 $0xFFFF2000  }
0x3b: {  	[tilespmem:s4], [sflag:$0x2] =	stream.linear.gather [hbm4b:s9+s2], $0xE000, $0x38;
	[tilespmem:$0x1C000] =	vst v63  }
0x3c: {  	_ =	swait.ge [sflag:s5], $0xE000  }
0x3d: {  	[sflag:s5] =	ssyncset.done $0x0  }
0x3e: {  	s10 =	sadd.s32 s31, s10;
	[sflag:s5] =	ssyncadd.s32 $0xFFFF2000  }
0x3f: {  	[hbm4b:s10+s2] =	stream.linear.scatter [tilespmem:s4], [sflag:$0x4], $0xE000, $0x38;
	[tilespmem:$0x1C000] =	vst v63  }
0x40: {  	_ =	swait.ge [sflag:s6], $0xE000  }
0x41: {  	s12 =	sadd.s32 $0x1A800, s0;
	[sflag:s6] =	ssyncset.done $0x0  }
0x42: {  	s11 =	sadd.s32 s30, s12;
	[sflag:s6] =	ssyncadd.s32 $0xFFFF2000  }
0x43: {  	[tilespmem:s2], [sflag:$0x1] =	stream.linear.gather [hbm4b:s11+s2], $0xE000, $0x38;
	[tilespmem:$0x1C000] =	vst v63  }
0x44: {  	_ =	swait.ge [sflag:s3], $0xE000  }
0x45: {  	[sflag:s3] =	ssyncset.done $0x0  }
0x46: {  	s12 =	sadd.s32 s31, s12;
	[sflag:s3] =	ssyncadd.s32 $0xFFFF2000  }
0x47: {  	[hbm4b:s12+s2] =	stream.linear.scatter [tilespmem:s2], [sflag:$0x3], $0xE000, $0x38;
	[tilespmem:$0x1C000] =	vst v63  }
0x48: {  	_ =	swait.ge [sflag:s7], $0xE000  }
0x49: {  	s14 =	sadd.s32 $0x1C400, s0;
	[sflag:s7] =	ssyncset.done $0x0  }
0x4a: {  	s13 =	sadd.s32 s30, s14;
	[sflag:s7] =	ssyncadd.s32 $0xFFFF2000  }
0x4b: {  	[tilespmem:s4], [sflag:$0x2] =	stream.linear.gather [hbm4b:s13+s2], $0xE000, $0x38;
	[tilespmem:$0x1C000] =	vst v63  }
0x4c: {  	_ =	swait.ge [sflag:s5], $0xE000  }
0x4d: {  	[sflag:s5] =	ssyncset.done $0x0  }
0x4e: {  	s14 =	sadd.s32 s31, s14;
	[sflag:s5] =	ssyncadd.s32 $0xFFFF2000  }
0x4f: {  	[hbm4b:s14+s2] =	stream.linear.scatter [tilespmem:s4], [sflag:$0x4], $0xE000, $0x38;
	[tilespmem:$0x1C000] =	vst v63  }
0x50: {  	_ =	swait.ge [sflag:s6], $0xE000  }
0x51: {  	s16 =	sadd.s32 $0x1E000, s0;
	[sflag:s6] =	ssyncset.done $0x0  }
0x52: {  	s15 =	sadd.s32 s30, s16;
	[sflag:s6] =	ssyncadd.s32 $0xFFFF2000  }
0x53: {  	[tilespmem:s2], [sflag:$0x1] =	stream.linear.gather [hbm4b:s15+s2], $0xE000, $0x38;
	[tilespmem:$0x1C000] =	vst v63  }
0x54: {  	_ =	swait.ge [sflag:s3], $0xE000  }
0x55: {  	[sflag:s3] =	ssyncset.done $0x0  }
0x56: {  	s16 =	sadd.s32 s31, s16;
	[sflag:s3] =	ssyncadd.s32 $0xFFFF2000  }
0x57: {  	[hbm4b:s16+s2] =	stream.linear.scatter [tilespmem:s2], [sflag:$0x3], $0xE000, $0x38;
	[tilespmem:$0x1C000] =	vst v63  }
0x58: {  	_ =	swait.ge [sflag:s7], $0xE000  }
0x59: {  	s18 =	sadd.s32 $0x1FC00, s0;
	[sflag:s7] =	ssyncset.done $0x0  }
0x5a: {  	s17 =	sadd.s32 s30, s18;
	[sflag:s7] =	ssyncadd.s32 $0xFFFF2000  }
0x5b: {  	[tilespmem:s4], [sflag:$0x2] =	stream.linear.gather [hbm4b:s17+s2], $0xE000, $0x38;
	[tilespmem:$0x1C000] =	vst v63  }
0x5c: {  	_ =	swait.ge [sflag:s5], $0xE000  }
0x5d: {  	[sflag:s5] =	ssyncset.done $0x0  }
0x5e: {  	s18 =	sadd.s32 s31, s18;
	[sflag:s5] =	ssyncadd.s32 $0xFFFF2000  }
0x5f: {  	[hbm4b:s18+s2] =	stream.linear.scatter [tilespmem:s4], [sflag:$0x4], $0xE000, $0x38;
	[tilespmem:$0x1C000] =	vst v63  }
0x60: {  	_ =	swait.ge [sflag:s6], $0xE000  }
0x61: {  	s20 =	sadd.s32 $0x21800, s0;
	[sflag:s6] =	ssyncset.done $0x0  }
0x62: {  	s19 =	sadd.s32 s30, s20;
	[sflag:s6] =	ssyncadd.s32 $0xFFFF2000  }
0x63: {  	[tilespmem:s2], [sflag:$0x1] =	stream.linear.gather [hbm4b:s19+s2], $0xE000, $0x38;
	[tilespmem:$0x1C000] =	vst v63  }
0x64: {  	_ =	swait.ge [sflag:s3], $0xE000  }
0x65: {  	[sflag:s3] =	ssyncset.done $0x0  }
0x66: {  	s20 =	sadd.s32 s31, s20;
	[sflag:s3] =	ssyncadd.s32 $0xFFFF2000  }
0x67: {  	[hbm4b:s20+s2] =	stream.linear.scatter [tilespmem:s2], [sflag:$0x3], $0xE000, $0x38;
	[tilespmem:$0x1C000] =	vst v63  }
0x68: {  	_ =	swait.ge [sflag:s7], $0xE000  }
0x69: {  	s22 =	sadd.s32 $0x23400, s0;
	[sflag:s7] =	ssyncset.done $0x0  }
0x6a: {  	s21 =	sadd.s32 s30, s22;
	[sflag:s7] =	ssyncadd.s32 $0xFFFF2000  }
0x6b: {  	[tilespmem:s4], [sflag:$0x2] =	stream.linear.gather [hbm4b:s21+s2], $0xE000, $0x38;
	[tilespmem:$0x1C000] =	vst v63  }
0x6c: {  	_ =	swait.ge [sflag:s5], $0xE000  }
0x6d: {  	[sflag:s5] =	ssyncset.done $0x0  }
0x6e: {  	s22 =	sadd.s32 s31, s22;
	[sflag:s5] =	ssyncadd.s32 $0xFFFF2000  }
0x6f: {  	[hbm4b:s22+s2] =	stream.linear.scatter [tilespmem:s4], [sflag:$0x4], $0xE000, $0x38;
	[tilespmem:$0x1C000] =	vst v63  }
0x70: {  	_ =	swait.ge [sflag:s6], $0xE000  }
0x71: {  	s24 =	sadd.s32 $0x25000, s0;
	[sflag:s6] =	ssyncset.done $0x0  }
0x72: {  	s23 =	sadd.s32 s30, s24;
	[sflag:s6] =	ssyncadd.s32 $0xFFFF2000  }
0x73: {  	[tilespmem:s2], [sflag:$0x1] =	stream.linear.gather [hbm4b:s23+s2], $0xE000, $0x38;
	[tilespmem:$0x1C000] =	vst v63  }
0x74: {  	_ =	swait.ge [sflag:s3], $0xE000  }
0x75: {  	[sflag:s3] =	ssyncset.done $0x0  }
0x76: {  	s24 =	sadd.s32 s31, s24;
	[sflag:s3] =	ssyncadd.s32 $0xFFFF2000  }
0x77: {  	[hbm4b:s24+s2] =	stream.linear.scatter [tilespmem:s2], [sflag:$0x3], $0xE000, $0x38;
	[tilespmem:$0x1C000] =	vst v63  }
0x78: {  	_ =	swait.ge [sflag:s7], $0xE000  }
0x79: {  	s26 =	sadd.s32 $0x26C00, s0;
	[sflag:s7] =	ssyncset.done $0x0  }
0x7a: {  	s25 =	sadd.s32 s30, s26;
	[sflag:s7] =	ssyncadd.s32 $0xFFFF2000  }
0x7b: {  	[tilespmem:s4], [sflag:$0x2] =	stream.linear.gather [hbm4b:s25+s2], $0xE000, $0x38;
	[tilespmem:$0x1C000] =	vst v63  }
0x7c: {  	_ =	swait.ge [sflag:s5], $0xE000  }
0x7d: {  	[sflag:s5] =	ssyncset.done $0x0  }
0x7e: {  	s26 =	sadd.s32 s31, s26;
	[sflag:s5] =	ssyncadd.s32 $0xFFFF2000  }
0x7f: {  	[hbm4b:s26+s2] =	stream.linear.scatter [tilespmem:s4], [sflag:$0x4], $0xE000, $0x38;
	[tilespmem:$0x1C000] =	vst v63  }
0x80: {  	_ =	swait.ge [sflag:s6], $0xE000  }
0x81: {  	s29 =	sadd.s32 $0x28800, s0;
	[sflag:s6] =	ssyncset.done $0x0  }
0x82: {  	s28 =	sadd.s32 s30, s29;
	[sflag:s6] =	ssyncadd.s32 $0xFFFF2000  }
0x83: {  	[tilespmem:s2], [sflag:$0x1] =	stream.linear.gather [hbm4b:s28+s2], $0xE000, $0x38;
	[tilespmem:$0x1C000] =	vst v63  }
0x84: {  	_ =	swait.ge [sflag:s3], $0xE000  }
0x85: {  	[sflag:s3] =	ssyncset.done $0x0  }
0x86: {  	s29 =	sadd.s32 s31, s29;
	[sflag:s3] =	ssyncadd.s32 $0xFFFF2000  }
0x87: {  	[hbm4b:s29+s2] =	stream.linear.scatter [tilespmem:s2], [sflag:$0x3], $0xE000, $0x38;
	[tilespmem:$0x1C000] =	vst v63  }
0x88: {  	_ =	swait.ge [sflag:s7], $0xE000  }
0x89: {  	s0 =	sadd.s32 $0x2A400, s0;
	s8 =	ssub.s32 $0x2, s1;
	[sflag:s7] =	ssyncset.done $0x0  }
0x8a: {  	s30 =	sadd.s32 s30, s0;
	s1 =	sshrl.u32 s8, $0x1;
	[sflag:s7] =	ssyncadd.s32 $0xFFFF2000  }
0x8b: {  	[tilespmem:s4], [sflag:$0x2] =	stream.linear.gather [hbm4b:s30+s2], $0xE000, $0x38;
	[tilespmem:$0x1C000] =	vst v63  }
0x8c: {  	s31 =	sadd.s32 s31, s0;
	s0 =	ssub.s32 s8, s1;
	_ =	swait.ge [sflag:s5], $0xE000  }
0x8d: {  	s0 =	smax.u32 s0, $0x1;
	[sflag:s5] =	ssyncset.done $0x0  }
0x8e: {  	p0 =	sne.s32 s0, $0x1;
	[sflag:s5] =	ssyncadd.s32 $0xFFFF2000  }
0x8f: {  	[hbm4b:s31+s2] =	stream.linear.scatter [tilespmem:s4], [sflag:$0x4], $0xE000, $0x38;
	[tilespmem:$0x1C000] =	vst v63  }
.Ltmp0:
0x90: {  	_ =	swait.ge [sflag:s6], $0xE000;
	(pc) =	sbr.rel @!p0 .LBB2_2-.Ltmp0, $4  }
0x91: {  	[sflag:s6] =	ssyncset.done $0x0  }
0x92: {  	[sflag:s6] =	ssyncadd.s32 $0xFFFF2000  }
0x93: {  	_ =	swait.ge [sflag:s7], $0xE000  }
0x94: {  	s1 =	sadd.s32 $0xFFFFFFFF, s0;
	[sflag:s7] =	ssyncset.done $0x0  }
.LBB2_1:
0x95: {  	s0 =	rddreg [dreg:$0x3];
	[sflag:s7] =	ssyncadd.s32 $0xFFFF2000  }
0x96: {  	[tilespmem:s2], [sflag:$0x1] =	stream.linear.gather [hbm4b:s0+s2], $0xE000, $0x38;
	[tilespmem:$0x1C000] =	vst v63  }
0x97: {  	_ =	swait.ge [sflag:s3], $0xE000  }
0x98: {  	[sflag:s3] =	ssyncset.done $0x0  }
0x99: {  	s0 =	rddreg [dreg:$0x4];
	[sflag:s3] =	ssyncadd.s32 $0xFFFF2000  }
0x9a: {  	[hbm4b:s0+s2] =	stream.linear.scatter [tilespmem:s2], [sflag:$0x3], $0xE000, $0x38;
	[tilespmem:$0x1C000] =	vst v63  }
0x9b: {  	s8 =	rddreg [dreg:$0x5]  }
0x9c: {  	[tilespmem:s4], [sflag:$0x2] =	stream.linear.gather [hbm4b:s8+s2], $0xE000, $0x38;
	[tilespmem:$0x1C000] =	vst v63  }
0x9d: {  	_ =	swait.ge [sflag:s5], $0xE000  }
0x9e: {  	[sflag:s5] =	ssyncset.done $0x0  }
0x9f: {  	s8 =	rddreg [dreg:$0x6];
	[sflag:s5] =	ssyncadd.s32 $0xFFFF2000  }
0xa0: {  	[hbm4b:s8+s2] =	stream.linear.scatter [tilespmem:s4], [sflag:$0x4], $0xE000, $0x38;
	[tilespmem:$0x1C000] =	vst v63  }
0xa1: {  	_ =	swait.ge [sflag:s6], $0xE000  }
0xa2: {  	[sflag:s6] =	ssyncset.done $0x0  }
0xa3: {  	s8 =	rddreg [dreg:$0x7];
	[sflag:s6] =	ssyncadd.s32 $0xFFFF2000  }
0xa4: {  	[tilespmem:s2], [sflag:$0x1] =	stream.linear.gather [hbm4b:s8+s2], $0xE000, $0x38;
	[tilespmem:$0x1C000] =	vst v63  }
0xa5: {  	_ =	swait.ge [sflag:s3], $0xE000  }
0xa6: {  	[sflag:s3] =	ssyncset.done $0x0  }
0xa7: {  	s8 =	rddreg [dreg:$0x8];
	[sflag:s3] =	ssyncadd.s32 $0xFFFF2000  }
0xa8: {  	[hbm4b:s8+s2] =	stream.linear.scatter [tilespmem:s2], [sflag:$0x3], $0xE000, $0x38;
	[tilespmem:$0x1C000] =	vst v63  }
0xa9: {  	_ =	swait.ge [sflag:s7], $0xE000  }
0xaa: {  	[sflag:s7] =	ssyncset.done $0x0  }
0xab: {  	s8 =	rddreg [dreg:$0x9];
	[sflag:s7] =	ssyncadd.s32 $0xFFFF2000  }
0xac: {  	[tilespmem:s4], [sflag:$0x2] =	stream.linear.gather [hbm4b:s8+s2], $0xE000, $0x38;
	[tilespmem:$0x1C000] =	vst v63  }
0xad: {  	_ =	swait.ge [sflag:s5], $0xE000  }
0xae: {  	[sflag:s5] =	ssyncset.done $0x0  }
0xaf: {  	s8 =	rddreg [dreg:$0xa];
	[sflag:s5] =	ssyncadd.s32 $0xFFFF2000  }
0xb0: {  	[hbm4b:s8+s2] =	stream.linear.scatter [tilespmem:s4], [sflag:$0x4], $0xE000, $0x38;
	[tilespmem:$0x1C000] =	vst v63  }
0xb1: {  	_ =	swait.ge [sflag:s6], $0xE000  }
0xb2: {  	[sflag:s6] =	ssyncset.done $0x0  }
0xb3: {  	s8 =	rddreg [dreg:$0xb];
	[sflag:s6] =	ssyncadd.s32 $0xFFFF2000  }
0xb4: {  	[tilespmem:s2], [sflag:$0x1] =	stream.linear.gather [hbm4b:s8+s2], $0xE000, $0x38;
	[tilespmem:$0x1C000] =	vst v63  }
0xb5: {  	_ =	swait.ge [sflag:s3], $0xE000  }
0xb6: {  	[sflag:s3] =	ssyncset.done $0x0  }
0xb7: {  	s8 =	rddreg [dreg:$0xc];
	[sflag:s3] =	ssyncadd.s32 $0xFFFF2000  }
0xb8: {  	[hbm4b:s8+s2] =	stream.linear.scatter [tilespmem:s2], [sflag:$0x3], $0xE000, $0x38;
	[tilespmem:$0x1C000] =	vst v63  }
0xb9: {  	_ =	swait.ge [sflag:s7], $0xE000  }
0xba: {  	[sflag:s7] =	ssyncset.done $0x0  }
0xbb: {  	[sflag:s7] =	ssyncadd.s32 $0xFFFF2000  }
0xbc: {  	[tilespmem:s4], [sflag:$0x2] =	stream.linear.gather [hbm4b:s9+s2], $0xE000, $0x38;
	[tilespmem:$0x1C000] =	vst v63  }
0xbd: {  	_ =	swait.ge [sflag:s5], $0xE000  }
0xbe: {  	[sflag:s5] =	ssyncset.done $0x0  }
0xbf: {  	[sflag:s5] =	ssyncadd.s32 $0xFFFF2000  }
0xc0: {  	[hbm4b:s10+s2] =	stream.linear.scatter [tilespmem:s4], [sflag:$0x4], $0xE000, $0x38;
	[tilespmem:$0x1C000] =	vst v63  }
0xc1: {  	_ =	swait.ge [sflag:s6], $0xE000  }
0xc2: {  	[sflag:s6] =	ssyncset.done $0x0  }
0xc3: {  	[sflag:s6] =	ssyncadd.s32 $0xFFFF2000  }
0xc4: {  	[tilespmem:s2], [sflag:$0x1] =	stream.linear.gather [hbm4b:s11+s2], $0xE000, $0x38;
	[tilespmem:$0x1C000] =	vst v63  }
0xc5: {  	_ =	swait.ge [sflag:s3], $0xE000  }
0xc6: {  	[sflag:s3] =	ssyncset.done $0x0  }
0xc7: {  	[sflag:s3] =	ssyncadd.s32 $0xFFFF2000  }
0xc8: {  	[hbm4b:s12+s2] =	stream.linear.scatter [tilespmem:s2], [sflag:$0x3], $0xE000, $0x38;
	[tilespmem:$0x1C000] =	vst v63  }
0xc9: {  	_ =	swait.ge [sflag:s7], $0xE000  }
0xca: {  	[sflag:s7] =	ssyncset.done $0x0  }
0xcb: {  	[sflag:s7] =	ssyncadd.s32 $0xFFFF2000  }
0xcc: {  	[tilespmem:s4], [sflag:$0x2] =	stream.linear.gather [hbm4b:s13+s2], $0xE000, $0x38;
	[tilespmem:$0x1C000] =	vst v63  }
0xcd: {  	_ =	swait.ge [sflag:s5], $0xE000  }
0xce: {  	[sflag:s5] =	ssyncset.done $0x0  }
0xcf: {  	[sflag:s5] =	ssyncadd.s32 $0xFFFF2000  }
0xd0: {  	[hbm4b:s14+s2] =	stream.linear.scatter [tilespmem:s4], [sflag:$0x4], $0xE000, $0x38;
	[tilespmem:$0x1C000] =	vst v63  }
0xd1: {  	_ =	swait.ge [sflag:s6], $0xE000  }
0xd2: {  	[sflag:s6] =	ssyncset.done $0x0  }
0xd3: {  	[sflag:s6] =	ssyncadd.s32 $0xFFFF2000  }
0xd4: {  	[tilespmem:s2], [sflag:$0x1] =	stream.linear.gather [hbm4b:s15+s2], $0xE000, $0x38;
	[tilespmem:$0x1C000] =	vst v63  }
0xd5: {  	_ =	swait.ge [sflag:s3], $0xE000  }
0xd6: {  	[sflag:s3] =	ssyncset.done $0x0  }
0xd7: {  	[sflag:s3] =	ssyncadd.s32 $0xFFFF2000  }
0xd8: {  	[hbm4b:s16+s2] =	stream.linear.scatter [tilespmem:s2], [sflag:$0x3], $0xE000, $0x38;
	[tilespmem:$0x1C000] =	vst v63  }
0xd9: {  	_ =	swait.ge [sflag:s7], $0xE000  }
0xda: {  	[sflag:s7] =	ssyncset.done $0x0  }
0xdb: {  	[sflag:s7] =	ssyncadd.s32 $0xFFFF2000  }
0xdc: {  	[tilespmem:s4], [sflag:$0x2] =	stream.linear.gather [hbm4b:s17+s2], $0xE000, $0x38;
	[tilespmem:$0x1C000] =	vst v63  }
0xdd: {  	_ =	swait.ge [sflag:s5], $0xE000  }
0xde: {  	[sflag:s5] =	ssyncset.done $0x0  }
0xdf: {  	[sflag:s5] =	ssyncadd.s32 $0xFFFF2000  }
0xe0: {  	[hbm4b:s18+s2] =	stream.linear.scatter [tilespmem:s4], [sflag:$0x4], $0xE000, $0x38;
	[tilespmem:$0x1C000] =	vst v63  }
0xe1: {  	_ =	swait.ge [sflag:s6], $0xE000  }
0xe2: {  	[sflag:s6] =	ssyncset.done $0x0  }
0xe3: {  	[sflag:s6] =	ssyncadd.s32 $0xFFFF2000  }
0xe4: {  	[tilespmem:s2], [sflag:$0x1] =	stream.linear.gather [hbm4b:s19+s2], $0xE000, $0x38;
	[tilespmem:$0x1C000] =	vst v63  }
0xe5: {  	_ =	swait.ge [sflag:s3], $0xE000  }
0xe6: {  	[sflag:s3] =	ssyncset.done $0x0  }
0xe7: {  	[sflag:s3] =	ssyncadd.s32 $0xFFFF2000  }
0xe8: {  	[hbm4b:s20+s2] =	stream.linear.scatter [tilespmem:s2], [sflag:$0x3], $0xE000, $0x38;
	[tilespmem:$0x1C000] =	vst v63  }
0xe9: {  	_ =	swait.ge [sflag:s7], $0xE000  }
0xea: {  	[sflag:s7] =	ssyncset.done $0x0  }
0xeb: {  	[sflag:s7] =	ssyncadd.s32 $0xFFFF2000  }
0xec: {  	[tilespmem:s4], [sflag:$0x2] =	stream.linear.gather [hbm4b:s21+s2], $0xE000, $0x38;
	[tilespmem:$0x1C000] =	vst v63  }
0xed: {  	_ =	swait.ge [sflag:s5], $0xE000  }
0xee: {  	[sflag:s5] =	ssyncset.done $0x0  }
0xef: {  	[sflag:s5] =	ssyncadd.s32 $0xFFFF2000  }
0xf0: {  	[hbm4b:s22+s2] =	stream.linear.scatter [tilespmem:s4], [sflag:$0x4], $0xE000, $0x38;
	[tilespmem:$0x1C000] =	vst v63  }
0xf1: {  	_ =	swait.ge [sflag:s6], $0xE000  }
0xf2: {  	[sflag:s6] =	ssyncset.done $0x0  }
0xf3: {  	[sflag:s6] =	ssyncadd.s32 $0xFFFF2000  }
0xf4: {  	[tilespmem:s2], [sflag:$0x1] =	stream.linear.gather [hbm4b:s23+s2], $0xE000, $0x38;
	[tilespmem:$0x1C000] =	vst v63  }
0xf5: {  	_ =	swait.ge [sflag:s3], $0xE000  }
0xf6: {  	[sflag:s3] =	ssyncset.done $0x0  }
0xf7: {  	[sflag:s3] =	ssyncadd.s32 $0xFFFF2000  }
0xf8: {  	[hbm4b:s24+s2] =	stream.linear.scatter [tilespmem:s2], [sflag:$0x3], $0xE000, $0x38;
	[tilespmem:$0x1C000] =	vst v63  }
0xf9: {  	_ =	swait.ge [sflag:s7], $0xE000  }
0xfa: {  	[sflag:s7] =	ssyncset.done $0x0  }
0xfb: {  	[sflag:s7] =	ssyncadd.s32 $0xFFFF2000  }
0xfc: {  	[tilespmem:s4], [sflag:$0x2] =	stream.linear.gather [hbm4b:s25+s2], $0xE000, $0x38;
	[tilespmem:$0x1C000] =	vst v63  }
0xfd: {  	_ =	swait.ge [sflag:s5], $0xE000  }
0xfe: {  	[sflag:s5] =	ssyncset.done $0x0  }
0xff: {  	[sflag:s5] =	ssyncadd.s32 $0xFFFF2000  }
0x100: {  	[hbm4b:s26+s2] =	stream.linear.scatter [tilespmem:s4], [sflag:$0x4], $0xE000, $0x38;
	[tilespmem:$0x1C000] =	vst v63  }
0x101: {  	_ =	swait.ge [sflag:s6], $0xE000  }
0x102: {  	[sflag:s6] =	ssyncset.done $0x0  }
0x103: {  	[sflag:s6] =	ssyncadd.s32 $0xFFFF2000  }
0x104: {  	[tilespmem:s2], [sflag:$0x1] =	stream.linear.gather [hbm4b:s28+s2], $0xE000, $0x38;
	[tilespmem:$0x1C000] =	vst v63  }
0x105: {  	_ =	swait.ge [sflag:s3], $0xE000  }
0x106: {  	[sflag:s3] =	ssyncset.done $0x0  }
0x107: {  	[sflag:s3] =	ssyncadd.s32 $0xFFFF2000  }
0x108: {  	[hbm4b:s29+s2] =	stream.linear.scatter [tilespmem:s2], [sflag:$0x3], $0xE000, $0x38;
	[tilespmem:$0x1C000] =	vst v63  }
0x109: {  	_ =	swait.ge [sflag:s7], $0xE000  }
0x10a: {  	[sflag:s7] =	ssyncset.done $0x0  }
0x10b: {  	[sflag:s7] =	ssyncadd.s32 $0xFFFF2000  }
0x10c: {  	[tilespmem:s4], [sflag:$0x2] =	stream.linear.gather [hbm4b:s30+s2], $0xE000, $0x38;
	[tilespmem:$0x1C000] =	vst v63  }
0x10d: {  	_ =	swait.ge [sflag:s5], $0xE000  }
0x10e: {  	[sflag:s5] =	ssyncset.done $0x0  }
0x10f: {  	p0 =	sne.s32 s1, $0x1;
	[sflag:s5] =	ssyncadd.s32 $0xFFFF2000  }
0x110: {  	[hbm4b:s31+s2] =	stream.linear.scatter [tilespmem:s4], [sflag:$0x4], $0xE000, $0x38;
	[tilespmem:$0x1C000] =	vst v63  }
.Ltmp1:
0x111: {  	_ =	swait.ge [sflag:s6], $0xE000;
	(pc) =	sbr.rel @p0 .LBB2_1-.Ltmp1, $4  }
0x112: {  	[sflag:s6] =	ssyncset.done $0x0  }
0x113: {  	[sflag:s6] =	ssyncadd.s32 $0xFFFF2000  }
0x114: {  	_ =	swait.ge [sflag:s7], $0xE000  }
0x115: {  	s1 =	sadd.s32 $0xFFFFFFFF, s1;
	[sflag:s7] =	ssyncset.done $0x0  }
.LBB2_2:
0x116: {  	[sflag:s7] =	ssyncadd.s32 $0xFFFF2000  }
0x117: {  	_ =	sfence.sel $0x180000  }
0x118: {  	[bflag:$0x0] =	sbarrier.arrive $0xFFFF  }
0x119: {  	_ =	strace $0x90000047  }
0x11a: {  	s0 =	stileid.u32;
	[bflag:$0x2] =	sbarrier.arrive $0xFFFF  }
0x11b: {  	p0 =	sne.s32 s0, $0x0;
	s0 =	rddreg [dreg:$0x2]  }
0x11c: {  	s0 =	sadd.s32 @!p0 $0x100000, s0  }
0x11d: {  	[sflag:s0] =	ssyncadd.tile.s32 @!p0 $0x1;
	_ =	shalt  }
.Lfunc_end2:
_tile_overlayer_lowered:
.L_overlay_start_2:
0x11e: {  	(tag) =	ssettag $0x2  }
0x11f: {  	s0 =	rddreg [dreg:$0x0];
	s2 =	stileid.u32  }
0x120: {  	s1 =	rddreg [dreg:$0x1];
	p0 =	sne.s32 s2, $0x0  }
0x121: {  	s3 =	rddreg [dreg:$0x2];
	[bflag:$0x3] =	sbarrier.arrive $0xFFFF;
	s2 =	simm.s32 @!p0 $0x1C05  }
0x122: {  	[timem:s3], [sflag:s2] =	dma.local @!p0 [hbm:s0], s1  }
0x123: {  	s0 =	simm.s32 @!p0 $0x5  }
0x124: {  	_ =	swait.ge @!p0 [sflag:s0], s1  }
0x125: {  	s1 =	ssub.s32 @!p0 $0x0, s1;
	[sflag:s0] =	ssyncset.done @!p0 $0x0  }
0x126: {  	[sflag:s0] =	ssyncadd.s32 @!p0 s1  }
0x127: {  	[bflag:$0x3] =	sbarrier.arrive $0xFFFF  }
0x128: {  	_ =	shalt  }

</sc_bundles>
